<compile_context>
chip_gen: v7x
topology: tpu7x:2x2x1
jax: 0.10.2.dev20260603
libtpu: 0.0.44.dev20260713+nightly
codegen_flags: <defaults>
</compile_context>

<pallas_src>
import functools

import jax
import jax.numpy as jnp
from jax import lax
from jax.experimental import pallas as pl
from jax.experimental.pallas import tpu as pltpu
from jax.experimental.pallas import tpu_sc as plsc

N = 10000
F = 128
E = 320000

CHUNK = 128
NC, NS = 2, 16
NW = NC * NS
EP = 327680
NROWS = EP // CHUNK
CH_SPLIT = EP // NW // CHUNK
GRP = 40
N_ACC = 10136
WB = 632

BLK = 1000
NBLK = N // BLK

@functools.cache
def _mesh():
    return plsc.VectorSubcoreMesh(
        core_axis_name="c", subcore_axis_name="s", num_cores=NC, num_subcores=NS
    )


def _tile_rows(s):
    off = jnp.where(s == NS - 1, N - WB, s * WB)
    return pl.multiple_of(off, 8)


def _preload(init_hbm, acc, s):
    off = _tile_rows(s)
    pltpu.sync_copy(init_hbm.at[pl.ds(off, WB)], acc.at[pl.ds(off, WB)])


def _edge_loop(x_hbm, srcp, dstp, row0, sidx, didx, acc, rows_a, rows_b,
               sem_ga, sem_gb, n_groups):
    half = GRP // 2
    for g in range(n_groups):
        base = row0 + g * GRP
        pltpu.sync_copy(srcp.at[pl.ds(base, GRP)], sidx)
        pltpu.sync_copy(dstp.at[pl.ds(base, GRP)], didx)

        pltpu.async_copy(x_hbm.at[sidx.at[0]], rows_a, sem_ga)

        def step2(i, carry):
            j0 = 2 * i
            j1 = j0 + 1
            pltpu.async_copy(x_hbm.at[sidx.at[j1]], rows_b, sem_gb)
            pltpu.make_async_copy(x_hbm.at[sidx.at[j0]], rows_a, sem_ga).wait()
            pltpu.sync_copy(rows_a, acc.at[didx.at[j0]], add=True)

            @pl.when(i + 1 < half)
            def _():
                pltpu.async_copy(x_hbm.at[sidx.at[j0 + 2]], rows_a, sem_ga)

            pltpu.make_async_copy(x_hbm.at[sidx.at[j1]], rows_b, sem_gb).wait()
            pltpu.sync_copy(rows_b, acc.at[didx.at[j1]], add=True)
            return carry

        lax.fori_loop(0, half, step2, 0)


def _writeback(acc, out_hbm, s):
    off = _tile_rows(s)
    pltpu.sync_copy(acc.at[pl.ds(off, WB)], out_hbm.at[pl.ds(off, WB)])


@functools.cache
def _spmm_split():
    return pl.kernel(
        _spmm_split_body,
        out_type=[
            jax.ShapeDtypeStruct((N, F), jnp.float32),
            jax.ShapeDtypeStruct((N, F), jnp.float32),
        ],
        mesh=_mesh(),
        scratch_types=[
            pltpu.VMEM_SHARED((N_ACC, F), jnp.float32),
            pltpu.VMEM((GRP, CHUNK), jnp.int32),
            pltpu.VMEM((GRP, CHUNK), jnp.int32),
            pltpu.VMEM((CHUNK, F), jnp.float32),
            pltpu.VMEM((CHUNK, F), jnp.float32),
            pltpu.SemaphoreType.DMA,
            pltpu.SemaphoreType.DMA,
        ],
    )


def _spmm_split_body(
    x_hbm, srcp, dstp, zeros_hbm, p0, p1, acc, sidx, didx, rows_a, rows_b,
    sem_ga, sem_gb,
):
    c = lax.axis_index("c")
    s = lax.axis_index("s")
    _preload(zeros_hbm, acc, s)
    row0 = (c * NS + s) * CH_SPLIT
    plsc.subcore_barrier()
    _edge_loop(x_hbm, srcp, dstp, row0, sidx, didx, acc, rows_a, rows_b,
               sem_ga, sem_gb, CH_SPLIT // GRP)
    plsc.subcore_barrier()

    @pl.when(c == 0)
    def _():
        _writeback(acc, p0, s)

    @pl.when(c == 1)
    def _():
        _writeback(acc, p1, s)




def _mm_body(x_ref, w_ref, o_ref):
    o_ref[...] = jnp.dot(x_ref[...], w_ref[...], preferred_element_type=jnp.float32)


def _matmul(x, w):
    return pl.pallas_call(
        _mm_body,
        grid=(NBLK,),
        in_specs=[
            pl.BlockSpec((BLK, F), lambda i: (i, 0)),
            pl.BlockSpec((F, F), lambda i: (0, 0)),
        ],
        out_specs=pl.BlockSpec((BLK, F), lambda i: (i, 0)),
        out_shape=jax.ShapeDtypeStruct((N, F), jnp.float32),
    )(x, w)


def _wmix_body(w2, wt, l_ref, r_ref):
    l_ref[...] = jnp.dot(w2[...], wt[0:F], preferred_element_type=jnp.float32)
    r_ref[...] = jnp.dot(w2[...], wt[F : 2 * F], preferred_element_type=jnp.float32)


def _wmix(w2, wt):
    return pl.pallas_call(
        _wmix_body,
        out_shape=[
            jax.ShapeDtypeStruct((F, F), jnp.float32),
            jax.ShapeDtypeStruct((F, F), jnp.float32),
        ],
    )(w2, wt)


def _low_body(p0, p1, sup, w2l, g, b, as_out, x1_out, s1, s2, stats):
    ph = pl.program_id(0)
    j = pl.program_id(1)
    acc = p0[...] + p1[...]
    x = acc + sup[...]
    as_out[...] = acc

    @pl.when(ph == 0)
    def _():
        @pl.when(j == 0)
        def _():
            s1[...] = jnp.zeros_like(s1)
            s2[...] = jnp.zeros_like(s2)

        s1[...] += jnp.sum(x, axis=0, keepdims=True)
        s2[...] += jnp.sum(x * x, axis=0, keepdims=True)
        x1_out[...] = x

        @pl.when(j == NBLK - 1)
        def _():
            m = s1[...] / N
            v = s2[...] / N - m * m
            stats[0:1] = m
            stats[1:2] = g[...] * lax.rsqrt(v + 1e-5)

    @pl.when(ph == 1)
    def _():
        xn = (x - stats[0:1]) * stats[1:2] + b[...]
        x1_out[...] = jnp.dot(
            jnp.maximum(xn, 0.0), w2l[...], preferred_element_type=jnp.float32
        )


def _low_stage(p0, p1, sup, w2l, g, b):
    blk = pl.BlockSpec((BLK, F), lambda ph, j: (j, 0))
    full = lambda r: pl.BlockSpec(r, lambda ph, j: (0, 0))
    return pl.pallas_call(
        _low_body,
        grid=(2, NBLK),
        in_specs=[blk, blk, blk, full((F, F)), full((1, F)), full((1, F))],
        out_specs=[blk, blk],
        out_shape=[
            jax.ShapeDtypeStruct((N, F), jnp.float32),
            jax.ShapeDtypeStruct((N, F), jnp.float32),
        ],
        scratch_shapes=[
            pltpu.VMEM((1, F), jnp.float32),
            pltpu.VMEM((1, F), jnp.float32),
            pltpu.VMEM((2, F), jnp.float32),
        ],
    )(p0, p1, sup, w2l, g, b)


def _mid_body(q0, q1, sup, w2r, g, b, x1, bc, z_out, i2_out, s1, s2, stats):
    ph = pl.program_id(0)
    j = pl.program_id(1)
    x = q0[...] + q1[...] - sup[...]

    @pl.when(ph == 0)
    def _():
        @pl.when(j == 0)
        def _():
            s1[...] = jnp.zeros_like(s1)
            s2[...] = jnp.zeros_like(s2)

        s1[...] += jnp.sum(x, axis=0, keepdims=True)
        s2[...] += jnp.sum(x * x, axis=0, keepdims=True)
        z_out[...] = x
        i2_out[...] = x

        @pl.when(j == NBLK - 1)
        def _():
            m = s1[...] / N
            v = s2[...] / N - m * m
            stats[0:1] = m
            stats[1:2] = g[...] * lax.rsqrt(v + 1e-5)

    @pl.when(ph == 1)
    def _():
        xn = (x - stats[0:1]) * stats[1:2] + b[...]
        z = jnp.dot(jnp.maximum(xn, 0.0), w2r[...], preferred_element_type=jnp.float32)
        z_out[...] = z
        i2_out[...] = x1[...] - z + bc[...]


def _mid_stage(q0, q1, sup, w2r, g, b, x1, bc):
    blk = pl.BlockSpec((BLK, F), lambda ph, j: (j, 0))
    full = lambda r: pl.BlockSpec(r, lambda ph, j: (0, 0))
    return pl.pallas_call(
        _mid_body,
        grid=(2, NBLK),
        in_specs=[blk, blk, blk, full((F, F)), full((1, F)), full((1, F)), blk,
                  full((1, F))],
        out_specs=[blk, blk],
        out_shape=[
            jax.ShapeDtypeStruct((N, F), jnp.float32),
            jax.ShapeDtypeStruct((N, F), jnp.float32),
        ],
        scratch_shapes=[
            pltpu.VMEM((1, F), jnp.float32),
            pltpu.VMEM((1, F), jnp.float32),
            pltpu.VMEM((2, F), jnp.float32),
        ],
    )(q0, q1, sup, w2r, g, b, x1, bc)


def _add3_body(a, b, c, o_ref):
    o_ref[...] = a[...] + b[...] + c[...]


def _add3(a, b, c):
    blk = pl.BlockSpec((BLK, F), lambda i: (i, 0))
    return pl.pallas_call(
        _add3_body,
        grid=(NBLK,),
        in_specs=[blk, blk, blk],
        out_specs=blk,
        out_shape=jax.ShapeDtypeStruct((N, F), jnp.float32),
    )(a, b, c)


def kernel(feature, edge_index, W1, W2, g1, b1, g2, b2, Wcat, bcat):
    src = edge_index[1]
    dst = edge_index[0]
    pad = EP - E
    spread = jnp.arange(pad, dtype=jnp.int32) % CHUNK
    srcp = jnp.concatenate([src, spread]).reshape(NROWS, CHUNK)
    dstp = jnp.concatenate([dst, N + spread]).reshape(NROWS, CHUNK)
    zeros = jnp.zeros((N, F), jnp.float32)
    g1r, b1r = g1.reshape(1, F), b1.reshape(1, F)
    g2r, b2r = g2.reshape(1, F), b2.reshape(1, F)
    bc = bcat.reshape(1, F)

    spmm = _spmm_split()
    support = _matmul(feature, W1)
    w2l, w2r = _wmix(W2, Wcat.T)
    p0, p1 = spmm(support, srcp, dstp, zeros)
    As, x1 = _low_stage(p0, p1, support, w2l, g1r, b1r)
    q0, q1 = spmm(As, srcp, dstp, zeros)
    z, init2 = _mid_stage(q0, q1, support, w2r, g2r, b2r, x1, bc)
    v0, v1 = spmm(z, srcp, dstp, zeros)
    vfull = _add3(v0, v1, x1)
    o0, o1 = spmm(vfull, srcp, dstp, zeros)
    return _add3(o0, o1, init2)

# --- scband reference (transcript-rebuilt; emitter-appended) ---
"""Pipeline reference for scband-gcn-low-mid-cat-65283502899907 (READ-ONLY COPY).

The authoritative reference and input builder live on the scoring server;
editing this copy changes nothing except your own understanding.
"""

import jax, jax.numpy as jnp
import numpy as np
import math

N = 10000
E_EDGES = 320000
F = 128

def setup_inputs(seed: int = 0) -> dict:
    key = jax.random.key(seed)
    ks = jax.random.split(key, 8)
    feature = jax.random.normal(ks[0], (N, F), dtype=jnp.float32)
    edge_index = jax.random.randint(ks[1], (2, E_EDGES), 0, N, dtype=jnp.int32)
    stdv = 1.0 / math.sqrt(F)
    W1 = jax.random.uniform(ks[2], (F, F), minval=-stdv, maxval=stdv, dtype=jnp.float32)
    W2 = jax.random.uniform(ks[3], (F, F), minval=-stdv, maxval=stdv, dtype=jnp.float32)
    g1 = jnp.ones((F,), dtype=jnp.float32)
    b1 = jnp.zeros((F,), dtype=jnp.float32)
    g2 = jnp.ones((F,), dtype=jnp.float32)
    b2 = jnp.zeros((F,), dtype=jnp.float32)
    lim = 1.0 / math.sqrt(2 * F)
    Wcat = jax.random.uniform(ks[4], (F, 2 * F), minval=-lim, maxval=lim, dtype=jnp.float32)
    bcat = jax.random.uniform(ks[5], (F,), minval=-lim, maxval=lim, dtype=jnp.float32)
    return {"feature": feature, "edge_index": edge_index, "W1": W1, "W2": W2,
            "g1": g1, "b1": b1, "g2": g2, "b2": b2, "Wcat": Wcat, "bcat": bcat}

def _bn(x, g, b):
    m = jnp.mean(x, axis=0)
    v = jnp.var(x, axis=0)  # biased, matches torch BatchNorm normalization
    return (x - m) / jnp.sqrt(v + 1e-5) * g + b

def reference(feature, edge_index, W1, W2, g1, b1, g2, b2, Wcat, bcat):
    src = edge_index[1]
    dst = edge_index[0]
    def spmm(x):
        # adj @ x with adj built from edge_index with all-ones values (duplicates sum, same as coalesced COO)
        msgs = jnp.take(x, src, axis=0)
        return jax.ops.segment_sum(msgs, dst, num_segments=N)
    support = feature @ W1
    As = spmm(support)
    # adj_low = A + I  ->  (A + I) @ X = A@X + X
    out_low = As + support
    # adj_mid = A@A - I ->  (A@A - I) @ X = A@(A@X) - X
    out_mid = spmm(As) - support
    out_low = jax.nn.relu(_bn(out_low, g1, b1))
    out_mid = jax.nn.relu(_bn(out_mid, g2, b2))
    olw = out_low @ W2
    out_low2 = spmm(olw) + olw
    omw = out_mid @ W2
    out_mid2 = spmm(spmm(omw)) - omw
    cat = jnp.concatenate([out_low2, out_mid2], axis=1)
    out = cat @ Wcat.T + bcat
    return out

if __name__ == "__main__":
    import jax
    _d = setup_inputs()
    print(jax.jit(kernel)(*tuple(_d.values())))

</pallas_src>

<mosaic_0001>
#map = affine_map<(d0, d1) -> (0, 0)>
module attributes {stable_mosaic.version = 14 : i64} {
  func.func @_spmm_split_body(%arg0: i32, %arg1: i32, %arg2: memref<10000x128xf32, #tpu.memory_space<hbm>>, %arg3: memref<2560x128xi32, #tpu.memory_space<hbm>>, %arg4: memref<2560x128xi32, #tpu.memory_space<hbm>>, %arg5: memref<10000x128xf32, #tpu.memory_space<hbm>>, %arg6: memref<10000x128xf32, #tpu.memory_space<hbm>>, %arg7: memref<10000x128xf32, #tpu.memory_space<hbm>>, %arg8: memref<10136x128xf32, #tpu.memory_space<vmem_shared>>, %arg9: memref<40x128xi32, #tpu.memory_space<vmem>>, %arg10: memref<40x128xi32, #tpu.memory_space<vmem>>, %arg11: memref<128x128xf32, #tpu.memory_space<vmem>>, %arg12: memref<128x128xf32, #tpu.memory_space<vmem>>, %arg13: memref<!tpu.dma_semaphore, #tpu.memory_space<semaphore_mem>>, %arg14: memref<!tpu.dma_semaphore, #tpu.memory_space<semaphore_mem>>) attributes {dimension_semantics = [#tpu.dimension_semantics<core_parallel>, #tpu.dimension_semantics<subcore_parallel>], iteration_bounds = array<i64: 2, 16>, scalar_prefetch = 0 : i64, scratch_operands = 7 : i64, tpu.core_type = #tpu.core_type<sc_vector_subcore>, window_params = [{transform_indices = #map}, {transform_indices = #map}, {transform_indices = #map}, {transform_indices = #map}, {transform_indices = #map}, {transform_indices = #map}]} {
    %eq3A = arith.constant 15 : i32
    %eq3A_0 = arith.cmpi eq, %arg1, %eq3A : i32
    %mul3A = arith.constant 632 : i32
    %mul3A_1 = arith.muli %arg1, %mul3A : i32
    %jit3A = arith.constant 9368 : i32
    %select_n3A = arith.select %eq3A_0, %jit3A, %mul3A_1 : i32
    %multiple_of3A = tpu.assume_multiple %select_n3A, 8 : i32
    "tpu.region"() ({
      %run_scoped3A = tpu.sem_alloc : memref<!tpu.dma_semaphore, #tpu.memory_space<semaphore_mem>>
      %dma_start3A_43 = arith.constant 0 : i32
      %dma_start3A_44 = tpu.memref_slice %arg8[%multiple_of3A, %dma_start3A_43] : memref<10136x128xf32, #tpu.memory_space<vmem_shared>> -> memref<632x128xf32, #tpu.memory_space<vmem_shared>>
      %dma_start3A_45 = arith.constant 0 : i32
      %dma_start3A_46 = tpu.memref_slice %arg5[%multiple_of3A, %dma_start3A_45] : memref<10000x128xf32, #tpu.memory_space<hbm>> -> memref<632x128xf32, #tpu.memory_space<hbm>>
      tpu.enqueue_dma source(%dma_start3A_46 : memref<632x128xf32, #tpu.memory_space<hbm>>) target(%dma_start3A_44 : memref<632x128xf32, #tpu.memory_space<vmem_shared>>) target_semaphore(%run_scoped3A : memref<!tpu.dma_semaphore, #tpu.memory_space<semaphore_mem>>)
      %dma_wait3A = arith.constant 0 : i32
      %dma_wait3A_47 = tpu.memref_slice %arg8[%multiple_of3A, %dma_wait3A] : memref<10136x128xf32, #tpu.memory_space<vmem_shared>> -> memref<632x128xf32, #tpu.memory_space<vmem_shared>>
      %dma_wait3A_48 = arith.constant 0 : i32
      %dma_wait3A_49 = tpu.memref_slice %arg5[%multiple_of3A, %dma_wait3A_48] : memref<10000x128xf32, #tpu.memory_space<hbm>> -> memref<632x128xf32, #tpu.memory_space<hbm>>
      tpu.wait_dma2 semaphore(%run_scoped3A : memref<!tpu.dma_semaphore, #tpu.memory_space<semaphore_mem>>) src(%dma_wait3A_49 : memref<632x128xf32, #tpu.memory_space<hbm>>) dst(%dma_wait3A_47 : memref<632x128xf32, #tpu.memory_space<vmem_shared>>)
      tpu.yield
    }) : () -> ()
    %mul3A_2 = arith.constant 16 : i32
    %mul3A_3 = arith.muli %arg0, %mul3A_2 : i32
    %add3A = arith.addi %mul3A_3, %arg1 : i32
    %mul3A_4 = arith.constant 80 : i32
    %mul3A_5 = arith.muli %add3A, %mul3A_4 : i32
    %barrier3A = arith.constant 0 : index
    tpu.barrier barrier_id(%barrier3A)
    %add3A_6 = arith.constant 0 : i32
    %add3A_7 = arith.addi %mul3A_5, %add3A_6 : i32
    "tpu.region"() ({
      %run_scoped3A = tpu.sem_alloc : memref<!tpu.dma_semaphore, #tpu.memory_space<semaphore_mem>>
      %dma_start3A_43 = arith.constant 0 : i32
      %dma_start3A_44 = tpu.memref_slice %arg3[%add3A_7, %dma_start3A_43] : memref<2560x128xi32, #tpu.memory_space<hbm>> -> memref<40x128xi32, #tpu.memory_space<hbm>>
      %dma_start3A_45 = arith.constant 0 : i32
      %dma_start3A_46 = tpu.memref_slice %arg3[%add3A_7, %dma_start3A_45] : memref<2560x128xi32, #tpu.memory_space<hbm>> -> memref<40x128xi32, #tpu.memory_space<hbm>>
      tpu.enqueue_dma source(%dma_start3A_46 : memref<40x128xi32, #tpu.memory_space<hbm>>) target(%arg9 : memref<40x128xi32, #tpu.memory_space<vmem>>) target_semaphore(%run_scoped3A : memref<!tpu.dma_semaphore, #tpu.memory_space<semaphore_mem>>)
      %dma_wait3A = arith.constant 0 : i32
      %dma_wait3A_47 = tpu.memref_slice %arg3[%add3A_7, %dma_wait3A] : memref<2560x128xi32, #tpu.memory_space<hbm>> -> memref<40x128xi32, #tpu.memory_space<hbm>>
      %dma_wait3A_48 = arith.constant 0 : i32
      %dma_wait3A_49 = tpu.memref_slice %arg3[%add3A_7, %dma_wait3A_48] : memref<2560x128xi32, #tpu.memory_space<hbm>> -> memref<40x128xi32, #tpu.memory_space<hbm>>
      tpu.wait_dma2 semaphore(%run_scoped3A : memref<!tpu.dma_semaphore, #tpu.memory_space<semaphore_mem>>) src(%dma_wait3A_49 : memref<40x128xi32, #tpu.memory_space<hbm>>) dst(%arg9 : memref<40x128xi32, #tpu.memory_space<vmem>>)
      tpu.yield
    }) : () -> ()
    "tpu.region"() ({
      %run_scoped3A = tpu.sem_alloc : memref<!tpu.dma_semaphore, #tpu.memory_space<semaphore_mem>>
      %dma_start3A_43 = arith.constant 0 : i32
      %dma_start3A_44 = tpu.memref_slice %arg4[%add3A_7, %dma_start3A_43] : memref<2560x128xi32, #tpu.memory_space<hbm>> -> memref<40x128xi32, #tpu.memory_space<hbm>>
      %dma_start3A_45 = arith.constant 0 : i32
      %dma_start3A_46 = tpu.memref_slice %arg4[%add3A_7, %dma_start3A_45] : memref<2560x128xi32, #tpu.memory_space<hbm>> -> memref<40x128xi32, #tpu.memory_space<hbm>>
      tpu.enqueue_dma source(%dma_start3A_46 : memref<40x128xi32, #tpu.memory_space<hbm>>) target(%arg10 : memref<40x128xi32, #tpu.memory_space<vmem>>) target_semaphore(%run_scoped3A : memref<!tpu.dma_semaphore, #tpu.memory_space<semaphore_mem>>)
      %dma_wait3A = arith.constant 0 : i32
      %dma_wait3A_47 = tpu.memref_slice %arg4[%add3A_7, %dma_wait3A] : memref<2560x128xi32, #tpu.memory_space<hbm>> -> memref<40x128xi32, #tpu.memory_space<hbm>>
      %dma_wait3A_48 = arith.constant 0 : i32
      %dma_wait3A_49 = tpu.memref_slice %arg4[%add3A_7, %dma_wait3A_48] : memref<2560x128xi32, #tpu.memory_space<hbm>> -> memref<40x128xi32, #tpu.memory_space<hbm>>
      tpu.wait_dma2 semaphore(%run_scoped3A : memref<!tpu.dma_semaphore, #tpu.memory_space<semaphore_mem>>) src(%dma_wait3A_49 : memref<40x128xi32, #tpu.memory_space<hbm>>) dst(%arg10 : memref<40x128xi32, #tpu.memory_space<vmem>>)
      tpu.yield
    }) : () -> ()
    %dma_start3A = arith.constant 0 : i32
    %dma_start3A_8 = arith.constant 0 : i32
    %dma_start3A_9 = tpu.memref_slice %arg9[%dma_start3A, %dma_start3A_8] : memref<40x128xi32, #tpu.memory_space<vmem>> -> memref<1x128xi32, #tpu.memory_space<vmem>>
    %dma_start3A_10 = tpu.memref_squeeze %dma_start3A_9 : memref<1x128xi32, #tpu.memory_space<vmem>> -> memref<128xi32, #tpu.memory_space<vmem>>
    %dma_start3A_11 = arith.constant 0 : i32
    %dma_start3A_12 = arith.constant 0 : i32
    %dma_start3A_13 = tpu.memref_slice %arg2[%dma_start3A_11, %dma_start3A_12] : memref<10000x128xf32, #tpu.memory_space<hbm>> -> memref<10000x128xf32, #tpu.memory_space<hbm>>
    tpu.enqueue_indirect_dma source(%dma_start3A_13 : memref<10000x128xf32, #tpu.memory_space<hbm>>) target(%arg11 : memref<128x128xf32, #tpu.memory_space<vmem>>) offsets(%dma_start3A_10 : memref<128xi32, #tpu.memory_space<vmem>>) semaphore(%arg13 : memref<!tpu.dma_semaphore, #tpu.memory_space<semaphore_mem>>)
    %scan3A = arith.constant 0 : i32
    %scan3A_14 = arith.constant 0 : i32
    %scan3A_15 = arith.constant 20 : i32
    %scan3A_16 = arith.addi %scan3A_14, %scan3A_15 : i32
    %scan3A_17 = arith.constant 1 : i32
    scf.for %scan3A_43 = %scan3A_14 to %scan3A_16 step %scan3A_17  : i32 {
      %mul3A_44 = arith.constant 2 : i32
      %mul3A_45 = arith.muli %mul3A_44, %scan3A_43 : i32
      %add3A_46 = arith.constant 1 : i32
      %add3A_47 = arith.addi %mul3A_45, %add3A_46 : i32
      %dma_start3A_48 = arith.constant 0 : i32
      %dma_start3A_49 = tpu.memref_slice %arg9[%add3A_47, %dma_start3A_48] : memref<40x128xi32, #tpu.memory_space<vmem>> -> memref<1x128xi32, #tpu.memory_space<vmem>>
      %dma_start3A_50 = tpu.memref_squeeze %dma_start3A_49 : memref<1x128xi32, #tpu.memory_space<vmem>> -> memref<128xi32, #tpu.memory_space<vmem>>
      %dma_start3A_51 = arith.constant 0 : i32
      %dma_start3A_52 = arith.constant 0 : i32
      %dma_start3A_53 = tpu.memref_slice %arg2[%dma_start3A_51, %dma_start3A_52] : memref<10000x128xf32, #tpu.memory_space<hbm>> -> memref<10000x128xf32, #tpu.memory_space<hbm>>
      tpu.enqueue_indirect_dma source(%dma_start3A_53 : memref<10000x128xf32, #tpu.memory_space<hbm>>) target(%arg12 : memref<128x128xf32, #tpu.memory_space<vmem>>) offsets(%dma_start3A_50 : memref<128xi32, #tpu.memory_space<vmem>>) semaphore(%arg14 : memref<!tpu.dma_semaphore, #tpu.memory_space<semaphore_mem>>)
      %dma_wait3A = arith.constant 0 : i32
      %dma_wait3A_54 = tpu.memref_slice %arg9[%mul3A_45, %dma_wait3A] : memref<40x128xi32, #tpu.memory_space<vmem>> -> memref<1x128xi32, #tpu.memory_space<vmem>>
      %dma_wait3A_55 = tpu.memref_squeeze %dma_wait3A_54 : memref<1x128xi32, #tpu.memory_space<vmem>> -> memref<128xi32, #tpu.memory_space<vmem>>
      %dma_wait3A_56 = arith.constant 0 : i32
      %dma_wait3A_57 = arith.constant 0 : i32
      %dma_wait3A_58 = tpu.memref_slice %arg2[%dma_wait3A_56, %dma_wait3A_57] : memref<10000x128xf32, #tpu.memory_space<hbm>> -> memref<10000x128xf32, #tpu.memory_space<hbm>>
      tpu.wait_indirect_dma semaphore(%arg13 : memref<!tpu.dma_semaphore, #tpu.memory_space<semaphore_mem>>) src(%dma_wait3A_58 : memref<10000x128xf32, #tpu.memory_space<hbm>>) dst(%arg11 : memref<128x128xf32, #tpu.memory_space<vmem>>)
      "tpu.region"() ({
        %run_scoped3A = tpu.sem_alloc : memref<!tpu.dma_semaphore, #tpu.memory_space<semaphore_mem>>
        %dma_start3A_71 = arith.constant 0 : i32
        %dma_start3A_72 = tpu.memref_slice %arg10[%mul3A_45, %dma_start3A_71] : memref<40x128xi32, #tpu.memory_space<vmem>> -> memref<1x128xi32, #tpu.memory_space<vmem>>
        %dma_start3A_73 = tpu.memref_squeeze %dma_start3A_72 : memref<1x128xi32, #tpu.memory_space<vmem>> -> memref<128xi32, #tpu.memory_space<vmem>>
        %dma_start3A_74 = arith.constant 0 : i32
        %dma_start3A_75 = arith.constant 0 : i32
        %dma_start3A_76 = tpu.memref_slice %arg8[%dma_start3A_74, %dma_start3A_75] : memref<10136x128xf32, #tpu.memory_space<vmem_shared>> -> memref<10136x128xf32, #tpu.memory_space<vmem_shared>>
        tpu.enqueue_indirect_dma source(%arg11 : memref<128x128xf32, #tpu.memory_space<vmem>>) target(%dma_start3A_76 : memref<10136x128xf32, #tpu.memory_space<vmem_shared>>) offsets(%dma_start3A_73 : memref<128xi32, #tpu.memory_space<vmem>>) semaphore(%run_scoped3A : memref<!tpu.dma_semaphore, #tpu.memory_space<semaphore_mem>>) {add = true}
        %dma_wait3A_77 = arith.constant 0 : i32
        %dma_wait3A_78 = tpu.memref_slice %arg10[%mul3A_45, %dma_wait3A_77] : memref<40x128xi32, #tpu.memory_space<vmem>> -> memref<1x128xi32, #tpu.memory_space<vmem>>
        %dma_wait3A_79 = tpu.memref_squeeze %dma_wait3A_78 : memref<1x128xi32, #tpu.memory_space<vmem>> -> memref<128xi32, #tpu.memory_space<vmem>>
        %dma_wait3A_80 = arith.constant 0 : i32
        %dma_wait3A_81 = arith.constant 0 : i32
        %dma_wait3A_82 = tpu.memref_slice %arg8[%dma_wait3A_80, %dma_wait3A_81] : memref<10136x128xf32, #tpu.memory_space<vmem_shared>> -> memref<10136x128xf32, #tpu.memory_space<vmem_shared>>
        tpu.wait_indirect_dma semaphore(%run_scoped3A : memref<!tpu.dma_semaphore, #tpu.memory_space<semaphore_mem>>) src(%arg11 : memref<128x128xf32, #tpu.memory_space<vmem>>) dst(%dma_wait3A_82 : memref<10136x128xf32, #tpu.memory_space<vmem_shared>>)
        tpu.yield
      }) : () -> ()
      %add3A_59 = arith.constant 1 : i32
      %add3A_60 = arith.addi %scan3A_43, %add3A_59 : i32
      %lt3A = arith.constant 20 : i32
      %lt3A_61 = arith.cmpi slt, %add3A_60, %lt3A : i32
      %convert_element_type3A_62 = arith.extui %lt3A_61 : i1 to i32
      %cond3A_63 = arith.constant 0 : i32
      %cond3A_64 = arith.cmpi ne, %convert_element_type3A_62, %cond3A_63 : i32
      scf.if %cond3A_64 {
        %add3A_71 = arith.constant 2 : i32
        %add3A_72 = arith.addi %mul3A_45, %add3A_71 : i32
        %dma_start3A_73 = arith.constant 0 : i32
        %dma_start3A_74 = tpu.memref_slice %arg9[%add3A_72, %dma_start3A_73] : memref<40x128xi32, #tpu.memory_space<vmem>> -> memref<1x128xi32, #tpu.memory_space<vmem>>
        %dma_start3A_75 = tpu.memref_squeeze %dma_start3A_74 : memref<1x128xi32, #tpu.memory_space<vmem>> -> memref<128xi32, #tpu.memory_space<vmem>>
        %dma_start3A_76 = arith.constant 0 : i32
        %dma_start3A_77 = arith.constant 0 : i32
        %dma_start3A_78 = tpu.memref_slice %arg2[%dma_start3A_76, %dma_start3A_77] : memref<10000x128xf32, #tpu.memory_space<hbm>> -> memref<10000x128xf32, #tpu.memory_space<hbm>>
        tpu.enqueue_indirect_dma source(%dma_start3A_78 : memref<10000x128xf32, #tpu.memory_space<hbm>>) target(%arg11 : memref<128x128xf32, #tpu.memory_space<vmem>>) offsets(%dma_start3A_75 : memref<128xi32, #tpu.memory_space<vmem>>) semaphore(%arg13 : memref<!tpu.dma_semaphore, #tpu.memory_space<semaphore_mem>>)
      } else {
      }
      %dma_wait3A_65 = arith.constant 0 : i32
      %dma_wait3A_66 = tpu.memref_slice %arg9[%add3A_47, %dma_wait3A_65] : memref<40x128xi32, #tpu.memory_space<vmem>> -> memref<1x128xi32, #tpu.memory_space<vmem>>
      %dma_wait3A_67 = tpu.memref_squeeze %dma_wait3A_66 : memref<1x128xi32, #tpu.memory_space<vmem>> -> memref<128xi32, #tpu.memory_space<vmem>>
      %dma_wait3A_68 = arith.constant 0 : i32
      %dma_wait3A_69 = arith.constant 0 : i32
      %dma_wait3A_70 = tpu.memref_slice %arg2[%dma_wait3A_68, %dma_wait3A_69] : memref<10000x128xf32, #tpu.memory_space<hbm>> -> memref<10000x128xf32, #tpu.memory_space<hbm>>
      tpu.wait_indirect_dma semaphore(%arg14 : memref<!tpu.dma_semaphore, #tpu.memory_space<semaphore_mem>>) src(%dma_wait3A_70 : memref<10000x128xf32, #tpu.memory_space<hbm>>) dst(%arg12 : memref<128x128xf32, #tpu.memory_space<vmem>>)
      "tpu.region"() ({
        %run_scoped3A = tpu.sem_alloc : memref<!tpu.dma_semaphore, #tpu.memory_space<semaphore_mem>>
        %dma_start3A_71 = arith.constant 0 : i32
        %dma_start3A_72 = tpu.memref_slice %arg10[%add3A_47, %dma_start3A_71] : memref<40x128xi32, #tpu.memory_space<vmem>> -> memref<1x128xi32, #tpu.memory_space<vmem>>
        %dma_start3A_73 = tpu.memref_squeeze %dma_start3A_72 : memref<1x128xi32, #tpu.memory_space<vmem>> -> memref<128xi32, #tpu.memory_space<vmem>>
        %dma_start3A_74 = arith.constant 0 : i32
        %dma_start3A_75 = arith.constant 0 : i32
        %dma_start3A_76 = tpu.memref_slice %arg8[%dma_start3A_74, %dma_start3A_75] : memref<10136x128xf32, #tpu.memory_space<vmem_shared>> -> memref<10136x128xf32, #tpu.memory_space<vmem_shared>>
        tpu.enqueue_indirect_dma source(%arg12 : memref<128x128xf32, #tpu.memory_space<vmem>>) target(%dma_start3A_76 : memref<10136x128xf32, #tpu.memory_space<vmem_shared>>) offsets(%dma_start3A_73 : memref<128xi32, #tpu.memory_space<vmem>>) semaphore(%run_scoped3A : memref<!tpu.dma_semaphore, #tpu.memory_space<semaphore_mem>>) {add = true}
        %dma_wait3A_77 = arith.constant 0 : i32
        %dma_wait3A_78 = tpu.memref_slice %arg10[%add3A_47, %dma_wait3A_77] : memref<40x128xi32, #tpu.memory_space<vmem>> -> memref<1x128xi32, #tpu.memory_space<vmem>>
        %dma_wait3A_79 = tpu.memref_squeeze %dma_wait3A_78 : memref<1x128xi32, #tpu.memory_space<vmem>> -> memref<128xi32, #tpu.memory_space<vmem>>
        %dma_wait3A_80 = arith.constant 0 : i32
        %dma_wait3A_81 = arith.constant 0 : i32
        %dma_wait3A_82 = tpu.memref_slice %arg8[%dma_wait3A_80, %dma_wait3A_81] : memref<10136x128xf32, #tpu.memory_space<vmem_shared>> -> memref<10136x128xf32, #tpu.memory_space<vmem_shared>>
        tpu.wait_indirect_dma semaphore(%run_scoped3A : memref<!tpu.dma_semaphore, #tpu.memory_space<semaphore_mem>>) src(%arg12 : memref<128x128xf32, #tpu.memory_space<vmem>>) dst(%dma_wait3A_82 : memref<10136x128xf32, #tpu.memory_space<vmem_shared>>)
        tpu.yield
      }) : () -> ()
    }
    %scan3A_18 = arith.constant 20 : i32
    %add3A_19 = arith.constant 40 : i32
    %add3A_20 = arith.addi %mul3A_5, %add3A_19 : i32
    "tpu.region"() ({
      %run_scoped3A = tpu.sem_alloc : memref<!tpu.dma_semaphore, #tpu.memory_space<semaphore_mem>>
      %dma_start3A_43 = arith.constant 0 : i32
      %dma_start3A_44 = tpu.memref_slice %arg3[%add3A_20, %dma_start3A_43] : memref<2560x128xi32, #tpu.memory_space<hbm>> -> memref<40x128xi32, #tpu.memory_space<hbm>>
      %dma_start3A_45 = arith.constant 0 : i32
      %dma_start3A_46 = tpu.memref_slice %arg3[%add3A_20, %dma_start3A_45] : memref<2560x128xi32, #tpu.memory_space<hbm>> -> memref<40x128xi32, #tpu.memory_space<hbm>>
      tpu.enqueue_dma source(%dma_start3A_46 : memref<40x128xi32, #tpu.memory_space<hbm>>) target(%arg9 : memref<40x128xi32, #tpu.memory_space<vmem>>) target_semaphore(%run_scoped3A : memref<!tpu.dma_semaphore, #tpu.memory_space<semaphore_mem>>)
      %dma_wait3A = arith.constant 0 : i32
      %dma_wait3A_47 = tpu.memref_slice %arg3[%add3A_20, %dma_wait3A] : memref<2560x128xi32, #tpu.memory_space<hbm>> -> memref<40x128xi32, #tpu.memory_space<hbm>>
      %dma_wait3A_48 = arith.constant 0 : i32
      %dma_wait3A_49 = tpu.memref_slice %arg3[%add3A_20, %dma_wait3A_48] : memref<2560x128xi32, #tpu.memory_space<hbm>> -> memref<40x128xi32, #tpu.memory_space<hbm>>
      tpu.wait_dma2 semaphore(%run_scoped3A : memref<!tpu.dma_semaphore, #tpu.memory_space<semaphore_mem>>) src(%dma_wait3A_49 : memref<40x128xi32, #tpu.memory_space<hbm>>) dst(%arg9 : memref<40x128xi32, #tpu.memory_space<vmem>>)
      tpu.yield
    }) : () -> ()
    "tpu.region"() ({
      %run_scoped3A = tpu.sem_alloc : memref<!tpu.dma_semaphore, #tpu.memory_space<semaphore_mem>>
      %dma_start3A_43 = arith.constant 0 : i32
      %dma_start3A_44 = tpu.memref_slice %arg4[%add3A_20, %dma_start3A_43] : memref<2560x128xi32, #tpu.memory_space<hbm>> -> memref<40x128xi32, #tpu.memory_space<hbm>>
      %dma_start3A_45 = arith.constant 0 : i32
      %dma_start3A_46 = tpu.memref_slice %arg4[%add3A_20, %dma_start3A_45] : memref<2560x128xi32, #tpu.memory_space<hbm>> -> memref<40x128xi32, #tpu.memory_space<hbm>>
      tpu.enqueue_dma source(%dma_start3A_46 : memref<40x128xi32, #tpu.memory_space<hbm>>) target(%arg10 : memref<40x128xi32, #tpu.memory_space<vmem>>) target_semaphore(%run_scoped3A : memref<!tpu.dma_semaphore, #tpu.memory_space<semaphore_mem>>)
      %dma_wait3A = arith.constant 0 : i32
      %dma_wait3A_47 = tpu.memref_slice %arg4[%add3A_20, %dma_wait3A] : memref<2560x128xi32, #tpu.memory_space<hbm>> -> memref<40x128xi32, #tpu.memory_space<hbm>>
      %dma_wait3A_48 = arith.constant 0 : i32
      %dma_wait3A_49 = tpu.memref_slice %arg4[%add3A_20, %dma_wait3A_48] : memref<2560x128xi32, #tpu.memory_space<hbm>> -> memref<40x128xi32, #tpu.memory_space<hbm>>
      tpu.wait_dma2 semaphore(%run_scoped3A : memref<!tpu.dma_semaphore, #tpu.memory_space<semaphore_mem>>) src(%dma_wait3A_49 : memref<40x128xi32, #tpu.memory_space<hbm>>) dst(%arg10 : memref<40x128xi32, #tpu.memory_space<vmem>>)
      tpu.yield
    }) : () -> ()
    %dma_start3A_21 = arith.constant 0 : i32
    %dma_start3A_22 = arith.constant 0 : i32
    %dma_start3A_23 = tpu.memref_slice %arg9[%dma_start3A_21, %dma_start3A_22] : memref<40x128xi32, #tpu.memory_space<vmem>> -> memref<1x128xi32, #tpu.memory_space<vmem>>
    %dma_start3A_24 = tpu.memref_squeeze %dma_start3A_23 : memref<1x128xi32, #tpu.memory_space<vmem>> -> memref<128xi32, #tpu.memory_space<vmem>>
    %dma_start3A_25 = arith.constant 0 : i32
    %dma_start3A_26 = arith.constant 0 : i32
    %dma_start3A_27 = tpu.memref_slice %arg2[%dma_start3A_25, %dma_start3A_26] : memref<10000x128xf32, #tpu.memory_space<hbm>> -> memref<10000x128xf32, #tpu.memory_space<hbm>>
    tpu.enqueue_indirect_dma source(%dma_start3A_27 : memref<10000x128xf32, #tpu.memory_space<hbm>>) target(%arg11 : memref<128x128xf32, #tpu.memory_space<vmem>>) offsets(%dma_start3A_24 : memref<128xi32, #tpu.memory_space<vmem>>) semaphore(%arg13 : memref<!tpu.dma_semaphore, #tpu.memory_space<semaphore_mem>>)
    %scan3A_28 = arith.constant 0 : i32
    %scan3A_29 = arith.constant 0 : i32
    %scan3A_30 = arith.constant 20 : i32
    %scan3A_31 = arith.addi %scan3A_29, %scan3A_30 : i32
    %scan3A_32 = arith.constant 1 : i32
    scf.for %scan3A_43 = %scan3A_29 to %scan3A_31 step %scan3A_32  : i32 {
      %mul3A_44 = arith.constant 2 : i32
      %mul3A_45 = arith.muli %mul3A_44, %scan3A_43 : i32
      %add3A_46 = arith.constant 1 : i32
      %add3A_47 = arith.addi %mul3A_45, %add3A_46 : i32
      %dma_start3A_48 = arith.constant 0 : i32
      %dma_start3A_49 = tpu.memref_slice %arg9[%add3A_47, %dma_start3A_48] : memref<40x128xi32, #tpu.memory_space<vmem>> -> memref<1x128xi32, #tpu.memory_space<vmem>>
      %dma_start3A_50 = tpu.memref_squeeze %dma_start3A_49 : memref<1x128xi32, #tpu.memory_space<vmem>> -> memref<128xi32, #tpu.memory_space<vmem>>
      %dma_start3A_51 = arith.constant 0 : i32
      %dma_start3A_52 = arith.constant 0 : i32
      %dma_start3A_53 = tpu.memref_slice %arg2[%dma_start3A_51, %dma_start3A_52] : memref<10000x128xf32, #tpu.memory_space<hbm>> -> memref<10000x128xf32, #tpu.memory_space<hbm>>
      tpu.enqueue_indirect_dma source(%dma_start3A_53 : memref<10000x128xf32, #tpu.memory_space<hbm>>) target(%arg12 : memref<128x128xf32, #tpu.memory_space<vmem>>) offsets(%dma_start3A_50 : memref<128xi32, #tpu.memory_space<vmem>>) semaphore(%arg14 : memref<!tpu.dma_semaphore, #tpu.memory_space<semaphore_mem>>)
      %dma_wait3A = arith.constant 0 : i32
      %dma_wait3A_54 = tpu.memref_slice %arg9[%mul3A_45, %dma_wait3A] : memref<40x128xi32, #tpu.memory_space<vmem>> -> memref<1x128xi32, #tpu.memory_space<vmem>>
      %dma_wait3A_55 = tpu.memref_squeeze %dma_wait3A_54 : memref<1x128xi32, #tpu.memory_space<vmem>> -> memref<128xi32, #tpu.memory_space<vmem>>
      %dma_wait3A_56 = arith.constant 0 : i32
      %dma_wait3A_57 = arith.constant 0 : i32
      %dma_wait3A_58 = tpu.memref_slice %arg2[%dma_wait3A_56, %dma_wait3A_57] : memref<10000x128xf32, #tpu.memory_space<hbm>> -> memref<10000x128xf32, #tpu.memory_space<hbm>>
      tpu.wait_indirect_dma semaphore(%arg13 : memref<!tpu.dma_semaphore, #tpu.memory_space<semaphore_mem>>) src(%dma_wait3A_58 : memref<10000x128xf32, #tpu.memory_space<hbm>>) dst(%arg11 : memref<128x128xf32, #tpu.memory_space<vmem>>)
      "tpu.region"() ({
        %run_scoped3A = tpu.sem_alloc : memref<!tpu.dma_semaphore, #tpu.memory_space<semaphore_mem>>
        %dma_start3A_71 = arith.constant 0 : i32
        %dma_start3A_72 = tpu.memref_slice %arg10[%mul3A_45, %dma_start3A_71] : memref<40x128xi32, #tpu.memory_space<vmem>> -> memref<1x128xi32, #tpu.memory_space<vmem>>
        %dma_start3A_73 = tpu.memref_squeeze %dma_start3A_72 : memref<1x128xi32, #tpu.memory_space<vmem>> -> memref<128xi32, #tpu.memory_space<vmem>>
        %dma_start3A_74 = arith.constant 0 : i32
        %dma_start3A_75 = arith.constant 0 : i32
        %dma_start3A_76 = tpu.memref_slice %arg8[%dma_start3A_74, %dma_start3A_75] : memref<10136x128xf32, #tpu.memory_space<vmem_shared>> -> memref<10136x128xf32, #tpu.memory_space<vmem_shared>>
        tpu.enqueue_indirect_dma source(%arg11 : memref<128x128xf32, #tpu.memory_space<vmem>>) target(%dma_start3A_76 : memref<10136x128xf32, #tpu.memory_space<vmem_shared>>) offsets(%dma_start3A_73 : memref<128xi32, #tpu.memory_space<vmem>>) semaphore(%run_scoped3A : memref<!tpu.dma_semaphore, #tpu.memory_space<semaphore_mem>>) {add = true}
        %dma_wait3A_77 = arith.constant 0 : i32
        %dma_wait3A_78 = tpu.memref_slice %arg10[%mul3A_45, %dma_wait3A_77] : memref<40x128xi32, #tpu.memory_space<vmem>> -> memref<1x128xi32, #tpu.memory_space<vmem>>
        %dma_wait3A_79 = tpu.memref_squeeze %dma_wait3A_78 : memref<1x128xi32, #tpu.memory_space<vmem>> -> memref<128xi32, #tpu.memory_space<vmem>>
        %dma_wait3A_80 = arith.constant 0 : i32
        %dma_wait3A_81 = arith.constant 0 : i32
        %dma_wait3A_82 = tpu.memref_slice %arg8[%dma_wait3A_80, %dma_wait3A_81] : memref<10136x128xf32, #tpu.memory_space<vmem_shared>> -> memref<10136x128xf32, #tpu.memory_space<vmem_shared>>
        tpu.wait_indirect_dma semaphore(%run_scoped3A : memref<!tpu.dma_semaphore, #tpu.memory_space<semaphore_mem>>) src(%arg11 : memref<128x128xf32, #tpu.memory_space<vmem>>) dst(%dma_wait3A_82 : memref<10136x128xf32, #tpu.memory_space<vmem_shared>>)
        tpu.yield
      }) : () -> ()
      %add3A_59 = arith.constant 1 : i32
      %add3A_60 = arith.addi %scan3A_43, %add3A_59 : i32
      %lt3A = arith.constant 20 : i32
      %lt3A_61 = arith.cmpi slt, %add3A_60, %lt3A : i32
      %convert_element_type3A_62 = arith.extui %lt3A_61 : i1 to i32
      %cond3A_63 = arith.constant 0 : i32
      %cond3A_64 = arith.cmpi ne, %convert_element_type3A_62, %cond3A_63 : i32
      scf.if %cond3A_64 {
        %add3A_71 = arith.constant 2 : i32
        %add3A_72 = arith.addi %mul3A_45, %add3A_71 : i32
        %dma_start3A_73 = arith.constant 0 : i32
        %dma_start3A_74 = tpu.memref_slice %arg9[%add3A_72, %dma_start3A_73] : memref<40x128xi32, #tpu.memory_space<vmem>> -> memref<1x128xi32, #tpu.memory_space<vmem>>
        %dma_start3A_75 = tpu.memref_squeeze %dma_start3A_74 : memref<1x128xi32, #tpu.memory_space<vmem>> -> memref<128xi32, #tpu.memory_space<vmem>>
        %dma_start3A_76 = arith.constant 0 : i32
        %dma_start3A_77 = arith.constant 0 : i32
        %dma_start3A_78 = tpu.memref_slice %arg2[%dma_start3A_76, %dma_start3A_77] : memref<10000x128xf32, #tpu.memory_space<hbm>> -> memref<10000x128xf32, #tpu.memory_space<hbm>>
        tpu.enqueue_indirect_dma source(%dma_start3A_78 : memref<10000x128xf32, #tpu.memory_space<hbm>>) target(%arg11 : memref<128x128xf32, #tpu.memory_space<vmem>>) offsets(%dma_start3A_75 : memref<128xi32, #tpu.memory_space<vmem>>) semaphore(%arg13 : memref<!tpu.dma_semaphore, #tpu.memory_space<semaphore_mem>>)
      } else {
      }
      %dma_wait3A_65 = arith.constant 0 : i32
      %dma_wait3A_66 = tpu.memref_slice %arg9[%add3A_47, %dma_wait3A_65] : memref<40x128xi32, #tpu.memory_space<vmem>> -> memref<1x128xi32, #tpu.memory_space<vmem>>
      %dma_wait3A_67 = tpu.memref_squeeze %dma_wait3A_66 : memref<1x128xi32, #tpu.memory_space<vmem>> -> memref<128xi32, #tpu.memory_space<vmem>>
      %dma_wait3A_68 = arith.constant 0 : i32
      %dma_wait3A_69 = arith.constant 0 : i32
      %dma_wait3A_70 = tpu.memref_slice %arg2[%dma_wait3A_68, %dma_wait3A_69] : memref<10000x128xf32, #tpu.memory_space<hbm>> -> memref<10000x128xf32, #tpu.memory_space<hbm>>
      tpu.wait_indirect_dma semaphore(%arg14 : memref<!tpu.dma_semaphore, #tpu.memory_space<semaphore_mem>>) src(%dma_wait3A_70 : memref<10000x128xf32, #tpu.memory_space<hbm>>) dst(%arg12 : memref<128x128xf32, #tpu.memory_space<vmem>>)
      "tpu.region"() ({
        %run_scoped3A = tpu.sem_alloc : memref<!tpu.dma_semaphore, #tpu.memory_space<semaphore_mem>>
        %dma_start3A_71 = arith.constant 0 : i32
        %dma_start3A_72 = tpu.memref_slice %arg10[%add3A_47, %dma_start3A_71] : memref<40x128xi32, #tpu.memory_space<vmem>> -> memref<1x128xi32, #tpu.memory_space<vmem>>
        %dma_start3A_73 = tpu.memref_squeeze %dma_start3A_72 : memref<1x128xi32, #tpu.memory_space<vmem>> -> memref<128xi32, #tpu.memory_space<vmem>>
        %dma_start3A_74 = arith.constant 0 : i32
        %dma_start3A_75 = arith.constant 0 : i32
        %dma_start3A_76 = tpu.memref_slice %arg8[%dma_start3A_74, %dma_start3A_75] : memref<10136x128xf32, #tpu.memory_space<vmem_shared>> -> memref<10136x128xf32, #tpu.memory_space<vmem_shared>>
        tpu.enqueue_indirect_dma source(%arg12 : memref<128x128xf32, #tpu.memory_space<vmem>>) target(%dma_start3A_76 : memref<10136x128xf32, #tpu.memory_space<vmem_shared>>) offsets(%dma_start3A_73 : memref<128xi32, #tpu.memory_space<vmem>>) semaphore(%run_scoped3A : memref<!tpu.dma_semaphore, #tpu.memory_space<semaphore_mem>>) {add = true}
        %dma_wait3A_77 = arith.constant 0 : i32
        %dma_wait3A_78 = tpu.memref_slice %arg10[%add3A_47, %dma_wait3A_77] : memref<40x128xi32, #tpu.memory_space<vmem>> -> memref<1x128xi32, #tpu.memory_space<vmem>>
        %dma_wait3A_79 = tpu.memref_squeeze %dma_wait3A_78 : memref<1x128xi32, #tpu.memory_space<vmem>> -> memref<128xi32, #tpu.memory_space<vmem>>
        %dma_wait3A_80 = arith.constant 0 : i32
        %dma_wait3A_81 = arith.constant 0 : i32
        %dma_wait3A_82 = tpu.memref_slice %arg8[%dma_wait3A_80, %dma_wait3A_81] : memref<10136x128xf32, #tpu.memory_space<vmem_shared>> -> memref<10136x128xf32, #tpu.memory_space<vmem_shared>>
        tpu.wait_indirect_dma semaphore(%run_scoped3A : memref<!tpu.dma_semaphore, #tpu.memory_space<semaphore_mem>>) src(%arg12 : memref<128x128xf32, #tpu.memory_space<vmem>>) dst(%dma_wait3A_82 : memref<10136x128xf32, #tpu.memory_space<vmem_shared>>)
        tpu.yield
      }) : () -> ()
    }
    %scan3A_33 = arith.constant 20 : i32
    %barrier3A_34 = arith.constant 0 : index
    tpu.barrier barrier_id(%barrier3A_34)
    %eq3A_35 = arith.constant 0 : i32
    %eq3A_36 = arith.cmpi eq, %arg0, %eq3A_35 : i32
    %convert_element_type3A = arith.extui %eq3A_36 : i1 to i32
    %cond3A = arith.constant 0 : i32
    %cond3A_37 = arith.cmpi ne, %convert_element_type3A, %cond3A : i32
    scf.if %cond3A_37 {
      %eq3A_43 = arith.constant 15 : i32
      %eq3A_44 = arith.cmpi eq, %arg1, %eq3A_43 : i32
      %mul3A_45 = arith.constant 632 : i32
      %mul3A_46 = arith.muli %arg1, %mul3A_45 : i32
      %jit3A_47 = arith.constant 9368 : i32
      %select_n3A_48 = arith.select %eq3A_44, %jit3A_47, %mul3A_46 : i32
      %multiple_of3A_49 = tpu.assume_multiple %select_n3A_48, 8 : i32
      "tpu.region"() ({
        %run_scoped3A = tpu.sem_alloc : memref<!tpu.dma_semaphore, #tpu.memory_space<semaphore_mem>>
        %dma_start3A_50 = arith.constant 0 : i32
        %dma_start3A_51 = tpu.memref_slice %arg6[%multiple_of3A_49, %dma_start3A_50] : memref<10000x128xf32, #tpu.memory_space<hbm>> -> memref<632x128xf32, #tpu.memory_space<hbm>>
        %dma_start3A_52 = arith.constant 0 : i32
        %dma_start3A_53 = tpu.memref_slice %arg8[%multiple_of3A_49, %dma_start3A_52] : memref<10136x128xf32, #tpu.memory_space<vmem_shared>> -> memref<632x128xf32, #tpu.memory_space<vmem_shared>>
        tpu.enqueue_dma source(%dma_start3A_53 : memref<632x128xf32, #tpu.memory_space<vmem_shared>>) target(%dma_start3A_51 : memref<632x128xf32, #tpu.memory_space<hbm>>) target_semaphore(%run_scoped3A : memref<!tpu.dma_semaphore, #tpu.memory_space<semaphore_mem>>)
        %dma_wait3A = arith.constant 0 : i32
        %dma_wait3A_54 = tpu.memref_slice %arg6[%multiple_of3A_49, %dma_wait3A] : memref<10000x128xf32, #tpu.memory_space<hbm>> -> memref<632x128xf32, #tpu.memory_space<hbm>>
        %dma_wait3A_55 = arith.constant 0 : i32
        %dma_wait3A_56 = tpu.memref_slice %arg8[%multiple_of3A_49, %dma_wait3A_55] : memref<10136x128xf32, #tpu.memory_space<vmem_shared>> -> memref<632x128xf32, #tpu.memory_space<vmem_shared>>
        tpu.wait_dma2 semaphore(%run_scoped3A : memref<!tpu.dma_semaphore, #tpu.memory_space<semaphore_mem>>) src(%dma_wait3A_56 : memref<632x128xf32, #tpu.memory_space<vmem_shared>>) dst(%dma_wait3A_54 : memref<632x128xf32, #tpu.memory_space<hbm>>)
        tpu.yield
      }) : () -> ()
    } else {
    }
    %eq3A_38 = arith.constant 1 : i32
    %eq3A_39 = arith.cmpi eq, %arg0, %eq3A_38 : i32
    %convert_element_type3A_40 = arith.extui %eq3A_39 : i1 to i32
    %cond3A_41 = arith.constant 0 : i32
    %cond3A_42 = arith.cmpi ne, %convert_element_type3A_40, %cond3A_41 : i32
    scf.if %cond3A_42 {
      %eq3A_43 = arith.constant 15 : i32
      %eq3A_44 = arith.cmpi eq, %arg1, %eq3A_43 : i32
      %mul3A_45 = arith.constant 632 : i32
      %mul3A_46 = arith.muli %arg1, %mul3A_45 : i32
      %jit3A_47 = arith.constant 9368 : i32
      %select_n3A_48 = arith.select %eq3A_44, %jit3A_47, %mul3A_46 : i32
      %multiple_of3A_49 = tpu.assume_multiple %select_n3A_48, 8 : i32
      "tpu.region"() ({
        %run_scoped3A = tpu.sem_alloc : memref<!tpu.dma_semaphore, #tpu.memory_space<semaphore_mem>>
        %dma_start3A_50 = arith.constant 0 : i32
        %dma_start3A_51 = tpu.memref_slice %arg7[%multiple_of3A_49, %dma_start3A_50] : memref<10000x128xf32, #tpu.memory_space<hbm>> -> memref<632x128xf32, #tpu.memory_space<hbm>>
        %dma_start3A_52 = arith.constant 0 : i32
        %dma_start3A_53 = tpu.memref_slice %arg8[%multiple_of3A_49, %dma_start3A_52] : memref<10136x128xf32, #tpu.memory_space<vmem_shared>> -> memref<632x128xf32, #tpu.memory_space<vmem_shared>>
        tpu.enqueue_dma source(%dma_start3A_53 : memref<632x128xf32, #tpu.memory_space<vmem_shared>>) target(%dma_start3A_51 : memref<632x128xf32, #tpu.memory_space<hbm>>) target_semaphore(%run_scoped3A : memref<!tpu.dma_semaphore, #tpu.memory_space<semaphore_mem>>)
        %dma_wait3A = arith.constant 0 : i32
        %dma_wait3A_54 = tpu.memref_slice %arg7[%multiple_of3A_49, %dma_wait3A] : memref<10000x128xf32, #tpu.memory_space<hbm>> -> memref<632x128xf32, #tpu.memory_space<hbm>>
        %dma_wait3A_55 = arith.constant 0 : i32
        %dma_wait3A_56 = tpu.memref_slice %arg8[%multiple_of3A_49, %dma_wait3A_55] : memref<10136x128xf32, #tpu.memory_space<vmem_shared>> -> memref<632x128xf32, #tpu.memory_space<vmem_shared>>
        tpu.wait_dma2 semaphore(%run_scoped3A : memref<!tpu.dma_semaphore, #tpu.memory_space<semaphore_mem>>) src(%dma_wait3A_56 : memref<632x128xf32, #tpu.memory_space<vmem_shared>>) dst(%dma_wait3A_54 : memref<632x128xf32, #tpu.memory_space<hbm>>)
        tpu.yield
      }) : () -> ()
    } else {
    }
    return
  }
}

#map = affine_map<(d0, d1) -> (0, 0)>
module attributes {stable_mosaic.version = 14 : i64} {
  func.func @_spmm_split_body(%arg0: i32, %arg1: i32, %arg2: memref<10000x128xf32, #tpu.memory_space<hbm>>, %arg3: memref<2560x128xi32, #tpu.memory_space<hbm>>, %arg4: memref<2560x128xi32, #tpu.memory_space<hbm>>, %arg5: memref<10000x128xf32, #tpu.memory_space<hbm>>, %arg6: memref<10000x128xf32, #tpu.memory_space<hbm>>, %arg7: memref<10000x128xf32, #tpu.memory_space<hbm>>, %arg8: memref<10136x128xf32, #tpu.memory_space<vmem_shared>>, %arg9: memref<40x128xi32, #tpu.memory_space<vmem>>, %arg10: memref<40x128xi32, #tpu.memory_space<vmem>>, %arg11: memref<128x128xf32, #tpu.memory_space<vmem>>, %arg12: memref<128x128xf32, #tpu.memory_space<vmem>>, %arg13: memref<!tpu.dma_semaphore, #tpu.memory_space<semaphore_mem>>, %arg14: memref<!tpu.dma_semaphore, #tpu.memory_space<semaphore_mem>>) attributes {dimension_semantics = [#tpu.dimension_semantics<core_parallel>, #tpu.dimension_semantics<subcore_parallel>], iteration_bounds = array<i64: 2, 16>, scalar_prefetch = 0 : i64, scratch_operands = 7 : i64, tpu.core_type = #tpu.core_type<sc_vector_subcore>, window_params = [{transform_indices = #map}, {transform_indices = #map}, {transform_indices = #map}, {transform_indices = #map}, {transform_indices = #map}, {transform_indices = #map}]} {
    %eq3A = arith.constant 15 : i32
    %eq3A_0 = arith.cmpi eq, %arg1, %eq3A : i32
    %mul3A = arith.constant 632 : i32
    %mul3A_1 = arith.muli %arg1, %mul3A : i32
    %jit3A = arith.constant 9368 : i32
    %select_n3A = arith.select %eq3A_0, %jit3A, %mul3A_1 : i32
    %multiple_of3A = tpu.assume_multiple %select_n3A, 8 : i32
    "tpu.region"() ({
      %run_scoped3A = tpu.sem_alloc : memref<!tpu.dma_semaphore, #tpu.memory_space<semaphore_mem>>
      %dma_start3A_43 = arith.constant 0 : i32
      %dma_start3A_44 = tpu.memref_slice %arg8[%multiple_of3A, %dma_start3A_43] : memref<10136x128xf32, #tpu.memory_space<vmem_shared>> -> memref<632x128xf32, #tpu.memory_space<vmem_shared>>
      %dma_start3A_45 = arith.constant 0 : i32
      %dma_start3A_46 = tpu.memref_slice %arg5[%multiple_of3A, %dma_start3A_45] : memref<10000x128xf32, #tpu.memory_space<hbm>> -> memref<632x128xf32, #tpu.memory_space<hbm>>
      tpu.enqueue_dma source(%dma_start3A_46 : memref<632x128xf32, #tpu.memory_space<hbm>>) target(%dma_start3A_44 : memref<632x128xf32, #tpu.memory_space<vmem_shared>>) target_semaphore(%run_scoped3A : memref<!tpu.dma_semaphore, #tpu.memory_space<semaphore_mem>>)
      %dma_wait3A = arith.constant 0 : i32
      %dma_wait3A_47 = tpu.memref_slice %arg8[%multiple_of3A, %dma_wait3A] : memref<10136x128xf32, #tpu.memory_space<vmem_shared>> -> memref<632x128xf32, #tpu.memory_space<vmem_shared>>
      %dma_wait3A_48 = arith.constant 0 : i32
      %dma_wait3A_49 = tpu.memref_slice %arg5[%multiple_of3A, %dma_wait3A_48] : memref<10000x128xf32, #tpu.memory_space<hbm>> -> memref<632x128xf32, #tpu.memory_space<hbm>>
      tpu.wait_dma2 semaphore(%run_scoped3A : memref<!tpu.dma_semaphore, #tpu.memory_space<semaphore_mem>>) src(%dma_wait3A_49 : memref<632x128xf32, #tpu.memory_space<hbm>>) dst(%dma_wait3A_47 : memref<632x128xf32, #tpu.memory_space<vmem_shared>>)
      tpu.yield
    }) : () -> ()
    %mul3A_2 = arith.constant 16 : i32
    %mul3A_3 = arith.muli %arg0, %mul3A_2 : i32
    %add3A = arith.addi %mul3A_3, %arg1 : i32
    %mul3A_4 = arith.constant 80 : i32
    %mul3A_5 = arith.muli %add3A, %mul3A_4 : i32
    %barrier3A = arith.constant 0 : index
    tpu.barrier barrier_id(%barrier3A)
    %add3A_6 = arith.constant 0 : i32
    %add3A_7 = arith.addi %mul3A_5, %add3A_6 : i32
    "tpu.region"() ({
      %run_scoped3A = tpu.sem_alloc : memref<!tpu.dma_semaphore, #tpu.memory_space<semaphore_mem>>
      %dma_start3A_43 = arith.constant 0 : i32
      %dma_start3A_44 = tpu.memref_slice %arg3[%add3A_7, %dma_start3A_43] : memref<2560x128xi32, #tpu.memory_space<hbm>> -> memref<40x128xi32, #tpu.memory_space<hbm>>
      %dma_start3A_45 = arith.constant 0 : i32
      %dma_start3A_46 = tpu.memref_slice %arg3[%add3A_7, %dma_start3A_45] : memref<2560x128xi32, #tpu.memory_space<hbm>> -> memref<40x128xi32, #tpu.memory_space<hbm>>
      tpu.enqueue_dma source(%dma_start3A_46 : memref<40x128xi32, #tpu.memory_space<hbm>>) target(%arg9 : memref<40x128xi32, #tpu.memory_space<vmem>>) target_semaphore(%run_scoped3A : memref<!tpu.dma_semaphore, #tpu.memory_space<semaphore_mem>>)
      %dma_wait3A = arith.constant 0 : i32
      %dma_wait3A_47 = tpu.memref_slice %arg3[%add3A_7, %dma_wait3A] : memref<2560x128xi32, #tpu.memory_space<hbm>> -> memref<40x128xi32, #tpu.memory_space<hbm>>
      %dma_wait3A_48 = arith.constant 0 : i32
      %dma_wait3A_49 = tpu.memref_slice %arg3[%add3A_7, %dma_wait3A_48] : memref<2560x128xi32, #tpu.memory_space<hbm>> -> memref<40x128xi32, #tpu.memory_space<hbm>>
      tpu.wait_dma2 semaphore(%run_scoped3A : memref<!tpu.dma_semaphore, #tpu.memory_space<semaphore_mem>>) src(%dma_wait3A_49 : memref<40x128xi32, #tpu.memory_space<hbm>>) dst(%arg9 : memref<40x128xi32, #tpu.memory_space<vmem>>)
      tpu.yield
    }) : () -> ()
    "tpu.region"() ({
      %run_scoped3A = tpu.sem_alloc : memref<!tpu.dma_semaphore, #tpu.memory_space<semaphore_mem>>
      %dma_start3A_43 = arith.constant 0 : i32
      %dma_start3A_44 = tpu.memref_slice %arg4[%add3A_7, %dma_start3A_43] : memref<2560x128xi32, #tpu.memory_space<hbm>> -> memref<40x128xi32, #tpu.memory_space<hbm>>
      %dma_start3A_45 = arith.constant 0 : i32
      %dma_start3A_46 = tpu.memref_slice %arg4[%add3A_7, %dma_start3A_45] : memref<2560x128xi32, #tpu.memory_space<hbm>> -> memref<40x128xi32, #tpu.memory_space<hbm>>
      tpu.enqueue_dma source(%dma_start3A_46 : memref<40x128xi32, #tpu.memory_space<hbm>>) target(%arg10 : memref<40x128xi32, #tpu.memory_space<vmem>>) target_semaphore(%run_scoped3A : memref<!tpu.dma_semaphore, #tpu.memory_space<semaphore_mem>>)
      %dma_wait3A = arith.constant 0 : i32
      %dma_wait3A_47 = tpu.memref_slice %arg4[%add3A_7, %dma_wait3A] : memref<2560x128xi32, #tpu.memory_space<hbm>> -> memref<40x128xi32, #tpu.memory_space<hbm>>
      %dma_wait3A_48 = arith.constant 0 : i32
      %dma_wait3A_49 = tpu.memref_slice %arg4[%add3A_7, %dma_wait3A_48] : memref<2560x128xi32, #tpu.memory_space<hbm>> -> memref<40x128xi32, #tpu.memory_space<hbm>>
      tpu.wait_dma2 semaphore(%run_scoped3A : memref<!tpu.dma_semaphore, #tpu.memory_space<semaphore_mem>>) src(%dma_wait3A_49 : memref<40x128xi32, #tpu.memory_space<hbm>>) dst(%arg10 : memref<40x128xi32, #tpu.memory_space<vmem>>)
      tpu.yield
    }) : () -> ()
    %dma_start3A = arith.constant 0 : i32
    %dma_start3A_8 = arith.constant 0 : i32
    %dma_start3A_9 = tpu.memref_slice %arg9[%dma_start3A, %dma_start3A_8] : memref<40x128xi32, #tpu.memory_space<vmem>> -> memref<1x128xi32, #tpu.memory_space<vmem>>
    %dma_start3A_10 = tpu.memref_squeeze %dma_start3A_9 : memref<1x128xi32, #tpu.memory_space<vmem>> -> memref<128xi32, #tpu.memory_space<vmem>>
    %dma_start3A_11 = arith.constant 0 : i32
    %dma_start3A_12 = arith.constant 0 : i32
    %dma_start3A_13 = tpu.memref_slice %arg2[%dma_start3A_11, %dma_start3A_12] : memref<10000x128xf32, #tpu.memory_space<hbm>> -> memref<10000x128xf32, #tpu.memory_space<hbm>>
    tpu.enqueue_indirect_dma source(%dma_start3A_13 : memref<10000x128xf32, #tpu.memory_space<hbm>>) target(%arg11 : memref<128x128xf32, #tpu.memory_space<vmem>>) offsets(%dma_start3A_10 : memref<128xi32, #tpu.memory_space<vmem>>) semaphore(%arg13 : memref<!tpu.dma_semaphore, #tpu.memory_space<semaphore_mem>>)
    %scan3A = arith.constant 0 : i32
    %scan3A_14 = arith.constant 0 : i32
    %scan3A_15 = arith.constant 20 : i32
    %scan3A_16 = arith.addi %scan3A_14, %scan3A_15 : i32
    %scan3A_17 = arith.constant 1 : i32
    scf.for %scan3A_43 = %scan3A_14 to %scan3A_16 step %scan3A_17  : i32 {
      %mul3A_44 = arith.constant 2 : i32
      %mul3A_45 = arith.muli %mul3A_44, %scan3A_43 : i32
      %add3A_46 = arith.constant 1 : i32
      %add3A_47 = arith.addi %mul3A_45, %add3A_46 : i32
      %dma_start3A_48 = arith.constant 0 : i32
      %dma_start3A_49 = tpu.memref_slice %arg9[%add3A_47, %dma_start3A_48] : memref<40x128xi32, #tpu.memory_space<vmem>> -> memref<1x128xi32, #tpu.memory_space<vmem>>
      %dma_start3A_50 = tpu.memref_squeeze %dma_start3A_49 : memref<1x128xi32, #tpu.memory_space<vmem>> -> memref<128xi32, #tpu.memory_space<vmem>>
      %dma_start3A_51 = arith.constant 0 : i32
      %dma_start3A_52 = arith.constant 0 : i32
      %dma_start3A_53 = tpu.memref_slice %arg2[%dma_start3A_51, %dma_start3A_52] : memref<10000x128xf32, #tpu.memory_space<hbm>> -> memref<10000x128xf32, #tpu.memory_space<hbm>>
      tpu.enqueue_indirect_dma source(%dma_start3A_53 : memref<10000x128xf32, #tpu.memory_space<hbm>>) target(%arg12 : memref<128x128xf32, #tpu.memory_space<vmem>>) offsets(%dma_start3A_50 : memref<128xi32, #tpu.memory_space<vmem>>) semaphore(%arg14 : memref<!tpu.dma_semaphore, #tpu.memory_space<semaphore_mem>>)
      %dma_wait3A = arith.constant 0 : i32
      %dma_wait3A_54 = tpu.memref_slice %arg9[%mul3A_45, %dma_wait3A] : memref<40x128xi32, #tpu.memory_space<vmem>> -> memref<1x128xi32, #tpu.memory_space<vmem>>
      %dma_wait3A_55 = tpu.memref_squeeze %dma_wait3A_54 : memref<1x128xi32, #tpu.memory_space<vmem>> -> memref<128xi32, #tpu.memory_space<vmem>>
      %dma_wait3A_56 = arith.constant 0 : i32
      %dma_wait3A_57 = arith.constant 0 : i32
      %dma_wait3A_58 = tpu.memref_slice %arg2[%dma_wait3A_56, %dma_wait3A_57] : memref<10000x128xf32, #tpu.memory_space<hbm>> -> memref<10000x128xf32, #tpu.memory_space<hbm>>
      tpu.wait_indirect_dma semaphore(%arg13 : memref<!tpu.dma_semaphore, #tpu.memory_space<semaphore_mem>>) src(%dma_wait3A_58 : memref<10000x128xf32, #tpu.memory_space<hbm>>) dst(%arg11 : memref<128x128xf32, #tpu.memory_space<vmem>>)
      "tpu.region"() ({
        %run_scoped3A = tpu.sem_alloc : memref<!tpu.dma_semaphore, #tpu.memory_space<semaphore_mem>>
        %dma_start3A_71 = arith.constant 0 : i32
        %dma_start3A_72 = tpu.memref_slice %arg10[%mul3A_45, %dma_start3A_71] : memref<40x128xi32, #tpu.memory_space<vmem>> -> memref<1x128xi32, #tpu.memory_space<vmem>>
        %dma_start3A_73 = tpu.memref_squeeze %dma_start3A_72 : memref<1x128xi32, #tpu.memory_space<vmem>> -> memref<128xi32, #tpu.memory_space<vmem>>
        %dma_start3A_74 = arith.constant 0 : i32
        %dma_start3A_75 = arith.constant 0 : i32
        %dma_start3A_76 = tpu.memref_slice %arg8[%dma_start3A_74, %dma_start3A_75] : memref<10136x128xf32, #tpu.memory_space<vmem_shared>> -> memref<10136x128xf32, #tpu.memory_space<vmem_shared>>
        tpu.enqueue_indirect_dma source(%arg11 : memref<128x128xf32, #tpu.memory_space<vmem>>) target(%dma_start3A_76 : memref<10136x128xf32, #tpu.memory_space<vmem_shared>>) offsets(%dma_start3A_73 : memref<128xi32, #tpu.memory_space<vmem>>) semaphore(%run_scoped3A : memref<!tpu.dma_semaphore, #tpu.memory_space<semaphore_mem>>) {add = true}
        %dma_wait3A_77 = arith.constant 0 : i32
        %dma_wait3A_78 = tpu.memref_slice %arg10[%mul3A_45, %dma_wait3A_77] : memref<40x128xi32, #tpu.memory_space<vmem>> -> memref<1x128xi32, #tpu.memory_space<vmem>>
        %dma_wait3A_79 = tpu.memref_squeeze %dma_wait3A_78 : memref<1x128xi32, #tpu.memory_space<vmem>> -> memref<128xi32, #tpu.memory_space<vmem>>
        %dma_wait3A_80 = arith.constant 0 : i32
        %dma_wait3A_81 = arith.constant 0 : i32
        %dma_wait3A_82 = tpu.memref_slice %arg8[%dma_wait3A_80, %dma_wait3A_81] : memref<10136x128xf32, #tpu.memory_space<vmem_shared>> -> memref<10136x128xf32, #tpu.memory_space<vmem_shared>>
        tpu.wait_indirect_dma semaphore(%run_scoped3A : memref<!tpu.dma_semaphore, #tpu.memory_space<semaphore_mem>>) src(%arg11 : memref<128x128xf32, #tpu.memory_space<vmem>>) dst(%dma_wait3A_82 : memref<10136x128xf32, #tpu.memory_space<vmem_shared>>)
        tpu.yield
      }) : () -> ()
      %add3A_59 = arith.constant 1 : i32
      %add3A_60 = arith.addi %scan3A_43, %add3A_59 : i32
      %lt3A = arith.constant 20 : i32
      %lt3A_61 = arith.cmpi slt, %add3A_60, %lt3A : i32
      %convert_element_type3A_62 = arith.extui %lt3A_61 : i1 to i32
      %cond3A_63 = arith.constant 0 : i32
      %cond3A_64 = arith.cmpi ne, %convert_element_type3A_62, %cond3A_63 : i32
      scf.if %cond3A_64 {
        %add3A_71 = arith.constant 2 : i32
        %add3A_72 = arith.addi %mul3A_45, %add3A_71 : i32
        %dma_start3A_73 = arith.constant 0 : i32
        %dma_start3A_74 = tpu.memref_slice %arg9[%add3A_72, %dma_start3A_73] : memref<40x128xi32, #tpu.memory_space<vmem>> -> memref<1x128xi32, #tpu.memory_space<vmem>>
        %dma_start3A_75 = tpu.memref_squeeze %dma_start3A_74 : memref<1x128xi32, #tpu.memory_space<vmem>> -> memref<128xi32, #tpu.memory_space<vmem>>
        %dma_start3A_76 = arith.constant 0 : i32
        %dma_start3A_77 = arith.constant 0 : i32
        %dma_start3A_78 = tpu.memref_slice %arg2[%dma_start3A_76, %dma_start3A_77] : memref<10000x128xf32, #tpu.memory_space<hbm>> -> memref<10000x128xf32, #tpu.memory_space<hbm>>
        tpu.enqueue_indirect_dma source(%dma_start3A_78 : memref<10000x128xf32, #tpu.memory_space<hbm>>) target(%arg11 : memref<128x128xf32, #tpu.memory_space<vmem>>) offsets(%dma_start3A_75 : memref<128xi32, #tpu.memory_space<vmem>>) semaphore(%arg13 : memref<!tpu.dma_semaphore, #tpu.memory_space<semaphore_mem>>)
      } else {
      }
      %dma_wait3A_65 = arith.constant 0 : i32
      %dma_wait3A_66 = tpu.memref_slice %arg9[%add3A_47, %dma_wait3A_65] : memref<40x128xi32, #tpu.memory_space<vmem>> -> memref<1x128xi32, #tpu.memory_space<vmem>>
      %dma_wait3A_67 = tpu.memref_squeeze %dma_wait3A_66 : memref<1x128xi32, #tpu.memory_space<vmem>> -> memref<128xi32, #tpu.memory_space<vmem>>
      %dma_wait3A_68 = arith.constant 0 : i32
      %dma_wait3A_69 = arith.constant 0 : i32
      %dma_wait3A_70 = tpu.memref_slice %arg2[%dma_wait3A_68, %dma_wait3A_69] : memref<10000x128xf32, #tpu.memory_space<hbm>> -> memref<10000x128xf32, #tpu.memory_space<hbm>>
      tpu.wait_indirect_dma semaphore(%arg14 : memref<!tpu.dma_semaphore, #tpu.memory_space<semaphore_mem>>) src(%dma_wait3A_70 : memref<10000x128xf32, #tpu.memory_space<hbm>>) dst(%arg12 : memref<128x128xf32, #tpu.memory_space<vmem>>)
      "tpu.region"() ({
        %run_scoped3A = tpu.sem_alloc : memref<!tpu.dma_semaphore, #tpu.memory_space<semaphore_mem>>
        %dma_start3A_71 = arith.constant 0 : i32
        %dma_start3A_72 = tpu.memref_slice %arg10[%add3A_47, %dma_start3A_71] : memref<40x128xi32, #tpu.memory_space<vmem>> -> memref<1x128xi32, #tpu.memory_space<vmem>>
        %dma_start3A_73 = tpu.memref_squeeze %dma_start3A_72 : memref<1x128xi32, #tpu.memory_space<vmem>> -> memref<128xi32, #tpu.memory_space<vmem>>
        %dma_start3A_74 = arith.constant 0 : i32
        %dma_start3A_75 = arith.constant 0 : i32
        %dma_start3A_76 = tpu.memref_slice %arg8[%dma_start3A_74, %dma_start3A_75] : memref<10136x128xf32, #tpu.memory_space<vmem_shared>> -> memref<10136x128xf32, #tpu.memory_space<vmem_shared>>
        tpu.enqueue_indirect_dma source(%arg12 : memref<128x128xf32, #tpu.memory_space<vmem>>) target(%dma_start3A_76 : memref<10136x128xf32, #tpu.memory_space<vmem_shared>>) offsets(%dma_start3A_73 : memref<128xi32, #tpu.memory_space<vmem>>) semaphore(%run_scoped3A : memref<!tpu.dma_semaphore, #tpu.memory_space<semaphore_mem>>) {add = true}
        %dma_wait3A_77 = arith.constant 0 : i32
        %dma_wait3A_78 = tpu.memref_slice %arg10[%add3A_47, %dma_wait3A_77] : memref<40x128xi32, #tpu.memory_space<vmem>> -> memref<1x128xi32, #tpu.memory_space<vmem>>
        %dma_wait3A_79 = tpu.memref_squeeze %dma_wait3A_78 : memref<1x128xi32, #tpu.memory_space<vmem>> -> memref<128xi32, #tpu.memory_space<vmem>>
        %dma_wait3A_80 = arith.constant 0 : i32
        %dma_wait3A_81 = arith.constant 0 : i32
        %dma_wait3A_82 = tpu.memref_slice %arg8[%dma_wait3A_80, %dma_wait3A_81] : memref<10136x128xf32, #tpu.memory_space<vmem_shared>> -> memref<10136x128xf32, #tpu.memory_space<vmem_shared>>
        tpu.wait_indirect_dma semaphore(%run_scoped3A : memref<!tpu.dma_semaphore, #tpu.memory_space<semaphore_mem>>) src(%arg12 : memref<128x128xf32, #tpu.memory_space<vmem>>) dst(%dma_wait3A_82 : memref<10136x128xf32, #tpu.memory_space<vmem_shared>>)
        tpu.yield
      }) : () -> ()
    }
    %scan3A_18 = arith.constant 20 : i32
    %add3A_19 = arith.constant 40 : i32
    %add3A_20 = arith.addi %mul3A_5, %add3A_19 : i32
    "tpu.region"() ({
      %run_scoped3A = tpu.sem_alloc : memref<!tpu.dma_semaphore, #tpu.memory_space<semaphore_mem>>
      %dma_start3A_43 = arith.constant 0 : i32
      %dma_start3A_44 = tpu.memref_slice %arg3[%add3A_20, %dma_start3A_43] : memref<2560x128xi32, #tpu.memory_space<hbm>> -> memref<40x128xi32, #tpu.memory_space<hbm>>
      %dma_start3A_45 = arith.constant 0 : i32
      %dma_start3A_46 = tpu.memref_slice %arg3[%add3A_20, %dma_start3A_45] : memref<2560x128xi32, #tpu.memory_space<hbm>> -> memref<40x128xi32, #tpu.memory_space<hbm>>
      tpu.enqueue_dma source(%dma_start3A_46 : memref<40x128xi32, #tpu.memory_space<hbm>>) target(%arg9 : memref<40x128xi32, #tpu.memory_space<vmem>>) target_semaphore(%run_scoped3A : memref<!tpu.dma_semaphore, #tpu.memory_space<semaphore_mem>>)
      %dma_wait3A = arith.constant 0 : i32
      %dma_wait3A_47 = tpu.memref_slice %arg3[%add3A_20, %dma_wait3A] : memref<2560x128xi32, #tpu.memory_space<hbm>> -> memref<40x128xi32, #tpu.memory_space<hbm>>
      %dma_wait3A_48 = arith.constant 0 : i32
      %dma_wait3A_49 = tpu.memref_slice %arg3[%add3A_20, %dma_wait3A_48] : memref<2560x128xi32, #tpu.memory_space<hbm>> -> memref<40x128xi32, #tpu.memory_space<hbm>>
      tpu.wait_dma2 semaphore(%run_scoped3A : memref<!tpu.dma_semaphore, #tpu.memory_space<semaphore_mem>>) src(%dma_wait3A_49 : memref<40x128xi32, #tpu.memory_space<hbm>>) dst(%arg9 : memref<40x128xi32, #tpu.memory_space<vmem>>)
      tpu.yield
    }) : () -> ()
    "tpu.region"() ({
      %run_scoped3A = tpu.sem_alloc : memref<!tpu.dma_semaphore, #tpu.memory_space<semaphore_mem>>
      %dma_start3A_43 = arith.constant 0 : i32
      %dma_start3A_44 = tpu.memref_slice %arg4[%add3A_20, %dma_start3A_43] : memref<2560x128xi32, #tpu.memory_space<hbm>> -> memref<40x128xi32, #tpu.memory_space<hbm>>
      %dma_start3A_45 = arith.constant 0 : i32
      %dma_start3A_46 = tpu.memref_slice %arg4[%add3A_20, %dma_start3A_45] : memref<2560x128xi32, #tpu.memory_space<hbm>> -> memref<40x128xi32, #tpu.memory_space<hbm>>
      tpu.enqueue_dma source(%dma_start3A_46 : memref<40x128xi32, #tpu.memory_space<hbm>>) target(%arg10 : memref<40x128xi32, #tpu.memory_space<vmem>>) target_semaphore(%run_scoped3A : memref<!tpu.dma_semaphore, #tpu.memory_space<semaphore_mem>>)
      %dma_wait3A = arith.constant 0 : i32
      %dma_wait3A_47 = tpu.memref_slice %arg4[%add3A_20, %dma_wait3A] : memref<2560x128xi32, #tpu.memory_space<hbm>> -> memref<40x128xi32, #tpu.memory_space<hbm>>
      %dma_wait3A_48 = arith.constant 0 : i32
      %dma_wait3A_49 = tpu.memref_slice %arg4[%add3A_20, %dma_wait3A_48] : memref<2560x128xi32, #tpu.memory_space<hbm>> -> memref<40x128xi32, #tpu.memory_space<hbm>>
      tpu.wait_dma2 semaphore(%run_scoped3A : memref<!tpu.dma_semaphore, #tpu.memory_space<semaphore_mem>>) src(%dma_wait3A_49 : memref<40x128xi32, #tpu.memory_space<hbm>>) dst(%arg10 : memref<40x128xi32, #tpu.memory_space<vmem>>)
      tpu.yield
    }) : () -> ()
    %dma_start3A_21 = arith.constant 0 : i32
    %dma_start3A_22 = arith.constant 0 : i32
    %dma_start3A_23 = tpu.memref_slice %arg9[%dma_start3A_21, %dma_start3A_22] : memref<40x128xi32, #tpu.memory_space<vmem>> -> memref<1x128xi32, #tpu.memory_space<vmem>>
    %dma_start3A_24 = tpu.memref_squeeze %dma_start3A_23 : memref<1x128xi32, #tpu.memory_space<vmem>> -> memref<128xi32, #tpu.memory_space<vmem>>
    %dma_start3A_25 = arith.constant 0 : i32
    %dma_start3A_26 = arith.constant 0 : i32
    %dma_start3A_27 = tpu.memref_slice %arg2[%dma_start3A_25, %dma_start3A_26] : memref<10000x128xf32, #tpu.memory_space<hbm>> -> memref<10000x128xf32, #tpu.memory_space<hbm>>
    tpu.enqueue_indirect_dma source(%dma_start3A_27 : memref<10000x128xf32, #tpu.memory_space<hbm>>) target(%arg11 : memref<128x128xf32, #tpu.memory_space<vmem>>) offsets(%dma_start3A_24 : memref<128xi32, #tpu.memory_space<vmem>>) semaphore(%arg13 : memref<!tpu.dma_semaphore, #tpu.memory_space<semaphore_mem>>)
    %scan3A_28 = arith.constant 0 : i32
    %scan3A_29 = arith.constant 0 : i32
    %scan3A_30 = arith.constant 20 : i32
    %scan3A_31 = arith.addi %scan3A_29, %scan3A_30 : i32
    %scan3A_32 = arith.constant 1 : i32
    scf.for %scan3A_43 = %scan3A_29 to %scan3A_31 step %scan3A_32  : i32 {
      %mul3A_44 = arith.constant 2 : i32
      %mul3A_45 = arith.muli %mul3A_44, %scan3A_43 : i32
      %add3A_46 = arith.constant 1 : i32
      %add3A_47 = arith.addi %mul3A_45, %add3A_46 : i32
      %dma_start3A_48 = arith.constant 0 : i32
      %dma_start3A_49 = tpu.memref_slice %arg9[%add3A_47, %dma_start3A_48] : memref<40x128xi32, #tpu.memory_space<vmem>> -> memref<1x128xi32, #tpu.memory_space<vmem>>
      %dma_start3A_50 = tpu.memref_squeeze %dma_start3A_49 : memref<1x128xi32, #tpu.memory_space<vmem>> -> memref<128xi32, #tpu.memory_space<vmem>>
      %dma_start3A_51 = arith.constant 0 : i32
      %dma_start3A_52 = arith.constant 0 : i32
      %dma_start3A_53 = tpu.memref_slice %arg2[%dma_start3A_51, %dma_start3A_52] : memref<10000x128xf32, #tpu.memory_space<hbm>> -> memref<10000x128xf32, #tpu.memory_space<hbm>>
      tpu.enqueue_indirect_dma source(%dma_start3A_53 : memref<10000x128xf32, #tpu.memory_space<hbm>>) target(%arg12 : memref<128x128xf32, #tpu.memory_space<vmem>>) offsets(%dma_start3A_50 : memref<128xi32, #tpu.memory_space<vmem>>) semaphore(%arg14 : memref<!tpu.dma_semaphore, #tpu.memory_space<semaphore_mem>>)
      %dma_wait3A = arith.constant 0 : i32
      %dma_wait3A_54 = tpu.memref_slice %arg9[%mul3A_45, %dma_wait3A] : memref<40x128xi32, #tpu.memory_space<vmem>> -> memref<1x128xi32, #tpu.memory_space<vmem>>
      %dma_wait3A_55 = tpu.memref_squeeze %dma_wait3A_54 : memref<1x128xi32, #tpu.memory_space<vmem>> -> memref<128xi32, #tpu.memory_space<vmem>>
      %dma_wait3A_56 = arith.constant 0 : i32
      %dma_wait3A_57 = arith.constant 0 : i32
      %dma_wait3A_58 = tpu.memref_slice %arg2[%dma_wait3A_56, %dma_wait3A_57] : memref<10000x128xf32, #tpu.memory_space<hbm>> -> memref<10000x128xf32, #tpu.memory_space<hbm>>
      tpu.wait_indirect_dma semaphore(%arg13 : memref<!tpu.dma_semaphore, #tpu.memory_space<semaphore_mem>>) src(%dma_wait3A_58 : memref<10000x128xf32, #tpu.memory_space<hbm>>) dst(%arg11 : memref<128x128xf32, #tpu.memory_space<vmem>>)
      "tpu.region"() ({
        %run_scoped3A = tpu.sem_alloc : memref<!tpu.dma_semaphore, #tpu.memory_space<semaphore_mem>>
        %dma_start3A_71 = arith.constant 0 : i32
        %dma_start3A_72 = tpu.memref_slice %arg10[%mul3A_45, %dma_start3A_71] : memref<40x128xi32, #tpu.memory_space<vmem>> -> memref<1x128xi32, #tpu.memory_space<vmem>>
        %dma_start3A_73 = tpu.memref_squeeze %dma_start3A_72 : memref<1x128xi32, #tpu.memory_space<vmem>> -> memref<128xi32, #tpu.memory_space<vmem>>
        %dma_start3A_74 = arith.constant 0 : i32
        %dma_start3A_75 = arith.constant 0 : i32
        %dma_start3A_76 = tpu.memref_slice %arg8[%dma_start3A_74, %dma_start3A_75] : memref<10136x128xf32, #tpu.memory_space<vmem_shared>> -> memref<10136x128xf32, #tpu.memory_space<vmem_shared>>
        tpu.enqueue_indirect_dma source(%arg11 : memref<128x128xf32, #tpu.memory_space<vmem>>) target(%dma_start3A_76 : memref<10136x128xf32, #tpu.memory_space<vmem_shared>>) offsets(%dma_start3A_73 : memref<128xi32, #tpu.memory_space<vmem>>) semaphore(%run_scoped3A : memref<!tpu.dma_semaphore, #tpu.memory_space<semaphore_mem>>) {add = true}
        %dma_wait3A_77 = arith.constant 0 : i32
        %dma_wait3A_78 = tpu.memref_slice %arg10[%mul3A_45, %dma_wait3A_77] : memref<40x128xi32, #tpu.memory_space<vmem>> -> memref<1x128xi32, #tpu.memory_space<vmem>>
        %dma_wait3A_79 = tpu.memref_squeeze %dma_wait3A_78 : memref<1x128xi32, #tpu.memory_space<vmem>> -> memref<128xi32, #tpu.memory_space<vmem>>
        %dma_wait3A_80 = arith.constant 0 : i32
        %dma_wait3A_81 = arith.constant 0 : i32
        %dma_wait3A_82 = tpu.memref_slice %arg8[%dma_wait3A_80, %dma_wait3A_81] : memref<10136x128xf32, #tpu.memory_space<vmem_shared>> -> memref<10136x128xf32, #tpu.memory_space<vmem_shared>>
        tpu.wait_indirect_dma semaphore(%run_scoped3A : memref<!tpu.dma_semaphore, #tpu.memory_space<semaphore_mem>>) src(%arg11 : memref<128x128xf32, #tpu.memory_space<vmem>>) dst(%dma_wait3A_82 : memref<10136x128xf32, #tpu.memory_space<vmem_shared>>)
        tpu.yield
      }) : () -> ()
      %add3A_59 = arith.constant 1 : i32
      %add3A_60 = arith.addi %scan3A_43, %add3A_59 : i32
      %lt3A = arith.constant 20 : i32
      %lt3A_61 = arith.cmpi slt, %add3A_60, %lt3A : i32
      %convert_element_type3A_62 = arith.extui %lt3A_61 : i1 to i32
      %cond3A_63 = arith.constant 0 : i32
      %cond3A_64 = arith.cmpi ne, %convert_element_type3A_62, %cond3A_63 : i32
      scf.if %cond3A_64 {
        %add3A_71 = arith.constant 2 : i32
        %add3A_72 = arith.addi %mul3A_45, %add3A_71 : i32
        %dma_start3A_73 = arith.constant 0 : i32
        %dma_start3A_74 = tpu.memref_slice %arg9[%add3A_72, %dma_start3A_73] : memref<40x128xi32, #tpu.memory_space<vmem>> -> memref<1x128xi32, #tpu.memory_space<vmem>>
        %dma_start3A_75 = tpu.memref_squeeze %dma_start3A_74 : memref<1x128xi32, #tpu.memory_space<vmem>> -> memref<128xi32, #tpu.memory_space<vmem>>
        %dma_start3A_76 = arith.constant 0 : i32
        %dma_start3A_77 = arith.constant 0 : i32
        %dma_start3A_78 = tpu.memref_slice %arg2[%dma_start3A_76, %dma_start3A_77] : memref<10000x128xf32, #tpu.memory_space<hbm>> -> memref<10000x128xf32, #tpu.memory_space<hbm>>
        tpu.enqueue_indirect_dma source(%dma_start3A_78 : memref<10000x128xf32, #tpu.memory_space<hbm>>) target(%arg11 : memref<128x128xf32, #tpu.memory_space<vmem>>) offsets(%dma_start3A_75 : memref<128xi32, #tpu.memory_space<vmem>>) semaphore(%arg13 : memref<!tpu.dma_semaphore, #tpu.memory_space<semaphore_mem>>)
      } else {
      }
      %dma_wait3A_65 = arith.constant 0 : i32
      %dma_wait3A_66 = tpu.memref_slice %arg9[%add3A_47, %dma_wait3A_65] : memref<40x128xi32, #tpu.memory_space<vmem>> -> memref<1x128xi32, #tpu.memory_space<vmem>>
      %dma_wait3A_67 = tpu.memref_squeeze %dma_wait3A_66 : memref<1x128xi32, #tpu.memory_space<vmem>> -> memref<128xi32, #tpu.memory_space<vmem>>
      %dma_wait3A_68 = arith.constant 0 : i32
      %dma_wait3A_69 = arith.constant 0 : i32
      %dma_wait3A_70 = tpu.memref_slice %arg2[%dma_wait3A_68, %dma_wait3A_69] : memref<10000x128xf32, #tpu.memory_space<hbm>> -> memref<10000x128xf32, #tpu.memory_space<hbm>>
      tpu.wait_indirect_dma semaphore(%arg14 : memref<!tpu.dma_semaphore, #tpu.memory_space<semaphore_mem>>) src(%dma_wait3A_70 : memref<10000x128xf32, #tpu.memory_space<hbm>>) dst(%arg12 : memref<128x128xf32, #tpu.memory_space<vmem>>)
      "tpu.region"() ({
        %run_scoped3A = tpu.sem_alloc : memref<!tpu.dma_semaphore, #tpu.memory_space<semaphore_mem>>
        %dma_start3A_71 = arith.constant 0 : i32
        %dma_start3A_72 = tpu.memref_slice %arg10[%add3A_47, %dma_start3A_71] : memref<40x128xi32, #tpu.memory_space<vmem>> -> memref<1x128xi32, #tpu.memory_space<vmem>>
        %dma_start3A_73 = tpu.memref_squeeze %dma_start3A_72 : memref<1x128xi32, #tpu.memory_space<vmem>> -> memref<128xi32, #tpu.memory_space<vmem>>
        %dma_start3A_74 = arith.constant 0 : i32
        %dma_start3A_75 = arith.constant 0 : i32
        %dma_start3A_76 = tpu.memref_slice %arg8[%dma_start3A_74, %dma_start3A_75] : memref<10136x128xf32, #tpu.memory_space<vmem_shared>> -> memref<10136x128xf32, #tpu.memory_space<vmem_shared>>
        tpu.enqueue_indirect_dma source(%arg12 : memref<128x128xf32, #tpu.memory_space<vmem>>) target(%dma_start3A_76 : memref<10136x128xf32, #tpu.memory_space<vmem_shared>>) offsets(%dma_start3A_73 : memref<128xi32, #tpu.memory_space<vmem>>) semaphore(%run_scoped3A : memref<!tpu.dma_semaphore, #tpu.memory_space<semaphore_mem>>) {add = true}
        %dma_wait3A_77 = arith.constant 0 : i32
        %dma_wait3A_78 = tpu.memref_slice %arg10[%add3A_47, %dma_wait3A_77] : memref<40x128xi32, #tpu.memory_space<vmem>> -> memref<1x128xi32, #tpu.memory_space<vmem>>
        %dma_wait3A_79 = tpu.memref_squeeze %dma_wait3A_78 : memref<1x128xi32, #tpu.memory_space<vmem>> -> memref<128xi32, #tpu.memory_space<vmem>>
        %dma_wait3A_80 = arith.constant 0 : i32
        %dma_wait3A_81 = arith.constant 0 : i32
        %dma_wait3A_82 = tpu.memref_slice %arg8[%dma_wait3A_80, %dma_wait3A_81] : memref<10136x128xf32, #tpu.memory_space<vmem_shared>> -> memref<10136x128xf32, #tpu.memory_space<vmem_shared>>
        tpu.wait_indirect_dma semaphore(%run_scoped3A : memref<!tpu.dma_semaphore, #tpu.memory_space<semaphore_mem>>) src(%arg12 : memref<128x128xf32, #tpu.memory_space<vmem>>) dst(%dma_wait3A_82 : memref<10136x128xf32, #tpu.memory_space<vmem_shared>>)
        tpu.yield
      }) : () -> ()
    }
    %scan3A_33 = arith.constant 20 : i32
    %barrier3A_34 = arith.constant 0 : index
    tpu.barrier barrier_id(%barrier3A_34)
    %eq3A_35 = arith.constant 0 : i32
    %eq3A_36 = arith.cmpi eq, %arg0, %eq3A_35 : i32
    %convert_element_type3A = arith.extui %eq3A_36 : i1 to i32
    %cond3A = arith.constant 0 : i32
    %cond3A_37 = arith.cmpi ne, %convert_element_type3A, %cond3A : i32
    scf.if %cond3A_37 {
      %eq3A_43 = arith.constant 15 : i32
      %eq3A_44 = arith.cmpi eq, %arg1, %eq3A_43 : i32
      %mul3A_45 = arith.constant 632 : i32
      %mul3A_46 = arith.muli %arg1, %mul3A_45 : i32
      %jit3A_47 = arith.constant 9368 : i32
      %select_n3A_48 = arith.select %eq3A_44, %jit3A_47, %mul3A_46 : i32
      %multiple_of3A_49 = tpu.assume_multiple %select_n3A_48, 8 : i32
      "tpu.region"() ({
        %run_scoped3A = tpu.sem_alloc : memref<!tpu.dma_semaphore, #tpu.memory_space<semaphore_mem>>
        %dma_start3A_50 = arith.constant 0 : i32
        %dma_start3A_51 = tpu.memref_slice %arg6[%multiple_of3A_49, %dma_start3A_50] : memref<10000x128xf32, #tpu.memory_space<hbm>> -> memref<632x128xf32, #tpu.memory_space<hbm>>
        %dma_start3A_52 = arith.constant 0 : i32
        %dma_start3A_53 = tpu.memref_slice %arg8[%multiple_of3A_49, %dma_start3A_52] : memref<10136x128xf32, #tpu.memory_space<vmem_shared>> -> memref<632x128xf32, #tpu.memory_space<vmem_shared>>
        tpu.enqueue_dma source(%dma_start3A_53 : memref<632x128xf32, #tpu.memory_space<vmem_shared>>) target(%dma_start3A_51 : memref<632x128xf32, #tpu.memory_space<hbm>>) target_semaphore(%run_scoped3A : memref<!tpu.dma_semaphore, #tpu.memory_space<semaphore_mem>>)
        %dma_wait3A = arith.constant 0 : i32
        %dma_wait3A_54 = tpu.memref_slice %arg6[%multiple_of3A_49, %dma_wait3A] : memref<10000x128xf32, #tpu.memory_space<hbm>> -> memref<632x128xf32, #tpu.memory_space<hbm>>
        %dma_wait3A_55 = arith.constant 0 : i32
        %dma_wait3A_56 = tpu.memref_slice %arg8[%multiple_of3A_49, %dma_wait3A_55] : memref<10136x128xf32, #tpu.memory_space<vmem_shared>> -> memref<632x128xf32, #tpu.memory_space<vmem_shared>>
        tpu.wait_dma2 semaphore(%run_scoped3A : memref<!tpu.dma_semaphore, #tpu.memory_space<semaphore_mem>>) src(%dma_wait3A_56 : memref<632x128xf32, #tpu.memory_space<vmem_shared>>) dst(%dma_wait3A_54 : memref<632x128xf32, #tpu.memory_space<hbm>>)
        tpu.yield
      }) : () -> ()
    } else {
    }
    %eq3A_38 = arith.constant 1 : i32
    %eq3A_39 = arith.cmpi eq, %arg0, %eq3A_38 : i32
    %convert_element_type3A_40 = arith.extui %eq3A_39 : i1 to i32
    %cond3A_41 = arith.constant 0 : i32
    %cond3A_42 = arith.cmpi ne, %convert_element_type3A_40, %cond3A_41 : i32
    scf.if %cond3A_42 {
      %eq3A_43 = arith.constant 15 : i32
      %eq3A_44 = arith.cmpi eq, %arg1, %eq3A_43 : i32
      %mul3A_45 = arith.constant 632 : i32
      %mul3A_46 = arith.muli %arg1, %mul3A_45 : i32
      %jit3A_47 = arith.constant 9368 : i32
      %select_n3A_48 = arith.select %eq3A_44, %jit3A_47, %mul3A_46 : i32
      %multiple_of3A_49 = tpu.assume_multiple %select_n3A_48, 8 : i32
      "tpu.region"() ({
        %run_scoped3A = tpu.sem_alloc : memref<!tpu.dma_semaphore, #tpu.memory_space<semaphore_mem>>
        %dma_start3A_50 = arith.constant 0 : i32
        %dma_start3A_51 = tpu.memref_slice %arg7[%multiple_of3A_49, %dma_start3A_50] : memref<10000x128xf32, #tpu.memory_space<hbm>> -> memref<632x128xf32, #tpu.memory_space<hbm>>
        %dma_start3A_52 = arith.constant 0 : i32
        %dma_start3A_53 = tpu.memref_slice %arg8[%multiple_of3A_49, %dma_start3A_52] : memref<10136x128xf32, #tpu.memory_space<vmem_shared>> -> memref<632x128xf32, #tpu.memory_space<vmem_shared>>
        tpu.enqueue_dma source(%dma_start3A_53 : memref<632x128xf32, #tpu.memory_space<vmem_shared>>) target(%dma_start3A_51 : memref<632x128xf32, #tpu.memory_space<hbm>>) target_semaphore(%run_scoped3A : memref<!tpu.dma_semaphore, #tpu.memory_space<semaphore_mem>>)
        %dma_wait3A = arith.constant 0 : i32
        %dma_wait3A_54 = tpu.memref_slice %arg7[%multiple_of3A_49, %dma_wait3A] : memref<10000x128xf32, #tpu.memory_space<hbm>> -> memref<632x128xf32, #tpu.memory_space<hbm>>
        %dma_wait3A_55 = arith.constant 0 : i32
        %dma_wait3A_56 = tpu.memref_slice %arg8[%multiple_of3A_49, %dma_wait3A_55] : memref<10136x128xf32, #tpu.memory_space<vmem_shared>> -> memref<632x128xf32, #tpu.memory_space<vmem_shared>>
        tpu.wait_dma2 semaphore(%run_scoped3A : memref<!tpu.dma_semaphore, #tpu.memory_space<semaphore_mem>>) src(%dma_wait3A_56 : memref<632x128xf32, #tpu.memory_space<vmem_shared>>) dst(%dma_wait3A_54 : memref<632x128xf32, #tpu.memory_space<hbm>>)
        tpu.yield
      }) : () -> ()
    } else {
    }
    return
  }
}

#map = affine_map<(d0, d1) -> (0, 0)>
module attributes {stable_mosaic.version = 14 : i64} {
  func.func @_spmm_split_body(%arg0: i32, %arg1: i32, %arg2: memref<10000x128xf32, #tpu.memory_space<hbm>>, %arg3: memref<2560x128xi32, #tpu.memory_space<hbm>>, %arg4: memref<2560x128xi32, #tpu.memory_space<hbm>>, %arg5: memref<10000x128xf32, #tpu.memory_space<hbm>>, %arg6: memref<10000x128xf32, #tpu.memory_space<hbm>>, %arg7: memref<10000x128xf32, #tpu.memory_space<hbm>>, %arg8: memref<10136x128xf32, #tpu.memory_space<vmem_shared>>, %arg9: memref<40x128xi32, #tpu.memory_space<vmem>>, %arg10: memref<40x128xi32, #tpu.memory_space<vmem>>, %arg11: memref<128x128xf32, #tpu.memory_space<vmem>>, %arg12: memref<128x128xf32, #tpu.memory_space<vmem>>, %arg13: memref<!tpu.dma_semaphore, #tpu.memory_space<semaphore_mem>>, %arg14: memref<!tpu.dma_semaphore, #tpu.memory_space<semaphore_mem>>) attributes {dimension_semantics = [#tpu.dimension_semantics<core_parallel>, #tpu.dimension_semantics<subcore_parallel>], iteration_bounds = array<i64: 2, 16>, scalar_prefetch = 0 : i64, scratch_operands = 7 : i64, tpu.core_type = #tpu.core_type<sc_vector_subcore>, window_params = [{transform_indices = #map}, {transform_indices = #map}, {transform_indices = #map}, {transform_indices = #map}, {transform_indices = #map}, {transform_indices = #map}]} {
    %eq3A = arith.constant 15 : i32
    %eq3A_0 = arith.cmpi eq, %arg1, %eq3A : i32
    %mul3A = arith.constant 632 : i32
    %mul3A_1 = arith.muli %arg1, %mul3A : i32
    %jit3A = arith.constant 9368 : i32
    %select_n3A = arith.select %eq3A_0, %jit3A, %mul3A_1 : i32
    %multiple_of3A = tpu.assume_multiple %select_n3A, 8 : i32
    "tpu.region"() ({
      %run_scoped3A = tpu.sem_alloc : memref<!tpu.dma_semaphore, #tpu.memory_space<semaphore_mem>>
      %dma_start3A_43 = arith.constant 0 : i32
      %dma_start3A_44 = tpu.memref_slice %arg8[%multiple_of3A, %dma_start3A_43] : memref<10136x128xf32, #tpu.memory_space<vmem_shared>> -> memref<632x128xf32, #tpu.memory_space<vmem_shared>>
      %dma_start3A_45 = arith.constant 0 : i32
      %dma_start3A_46 = tpu.memref_slice %arg5[%multiple_of3A, %dma_start3A_45] : memref<10000x128xf32, #tpu.memory_space<hbm>> -> memref<632x128xf32, #tpu.memory_space<hbm>>
      tpu.enqueue_dma source(%dma_start3A_46 : memref<632x128xf32, #tpu.memory_space<hbm>>) target(%dma_start3A_44 : memref<632x128xf32, #tpu.memory_space<vmem_shared>>) target_semaphore(%run_scoped3A : memref<!tpu.dma_semaphore, #tpu.memory_space<semaphore_mem>>)
      %dma_wait3A = arith.constant 0 : i32
      %dma_wait3A_47 = tpu.memref_slice %arg8[%multiple_of3A, %dma_wait3A] : memref<10136x128xf32, #tpu.memory_space<vmem_shared>> -> memref<632x128xf32, #tpu.memory_space<vmem_shared>>
      %dma_wait3A_48 = arith.constant 0 : i32
      %dma_wait3A_49 = tpu.memref_slice %arg5[%multiple_of3A, %dma_wait3A_48] : memref<10000x128xf32, #tpu.memory_space<hbm>> -> memref<632x128xf32, #tpu.memory_space<hbm>>
      tpu.wait_dma2 semaphore(%run_scoped3A : memref<!tpu.dma_semaphore, #tpu.memory_space<semaphore_mem>>) src(%dma_wait3A_49 : memref<632x128xf32, #tpu.memory_space<hbm>>) dst(%dma_wait3A_47 : memref<632x128xf32, #tpu.memory_space<vmem_shared>>)
      tpu.yield
    }) : () -> ()
    %mul3A_2 = arith.constant 16 : i32
    %mul3A_3 = arith.muli %arg0, %mul3A_2 : i32
    %add3A = arith.addi %mul3A_3, %arg1 : i32
    %mul3A_4 = arith.constant 80 : i32
    %mul3A_5 = arith.muli %add3A, %mul3A_4 : i32
    %barrier3A = arith.constant 0 : index
    tpu.barrier barrier_id(%barrier3A)
    %add3A_6 = arith.constant 0 : i32
    %add3A_7 = arith.addi %mul3A_5, %add3A_6 : i32
    "tpu.region"() ({
      %run_scoped3A = tpu.sem_alloc : memref<!tpu.dma_semaphore, #tpu.memory_space<semaphore_mem>>
      %dma_start3A_43 = arith.constant 0 : i32
      %dma_start3A_44 = tpu.memref_slice %arg3[%add3A_7, %dma_start3A_43] : memref<2560x128xi32, #tpu.memory_space<hbm>> -> memref<40x128xi32, #tpu.memory_space<hbm>>
      %dma_start3A_45 = arith.constant 0 : i32
      %dma_start3A_46 = tpu.memref_slice %arg3[%add3A_7, %dma_start3A_45] : memref<2560x128xi32, #tpu.memory_space<hbm>> -> memref<40x128xi32, #tpu.memory_space<hbm>>
      tpu.enqueue_dma source(%dma_start3A_46 : memref<40x128xi32, #tpu.memory_space<hbm>>) target(%arg9 : memref<40x128xi32, #tpu.memory_space<vmem>>) target_semaphore(%run_scoped3A : memref<!tpu.dma_semaphore, #tpu.memory_space<semaphore_mem>>)
      %dma_wait3A = arith.constant 0 : i32
      %dma_wait3A_47 = tpu.memref_slice %arg3[%add3A_7, %dma_wait3A] : memref<2560x128xi32, #tpu.memory_space<hbm>> -> memref<40x128xi32, #tpu.memory_space<hbm>>
      %dma_wait3A_48 = arith.constant 0 : i32
      %dma_wait3A_49 = tpu.memref_slice %arg3[%add3A_7, %dma_wait3A_48] : memref<2560x128xi32, #tpu.memory_space<hbm>> -> memref<40x128xi32, #tpu.memory_space<hbm>>
      tpu.wait_dma2 semaphore(%run_scoped3A : memref<!tpu.dma_semaphore, #tpu.memory_space<semaphore_mem>>) src(%dma_wait3A_49 : memref<40x128xi32, #tpu.memory_space<hbm>>) dst(%arg9 : memref<40x128xi32, #tpu.memory_space<vmem>>)
      tpu.yield
    }) : () -> ()
    "tpu.region"() ({
      %run_scoped3A = tpu.sem_alloc : memref<!tpu.dma_semaphore, #tpu.memory_space<semaphore_mem>>
      %dma_start3A_43 = arith.constant 0 : i32
      %dma_start3A_44 = tpu.memref_slice %arg4[%add3A_7, %dma_start3A_43] : memref<2560x128xi32, #tpu.memory_space<hbm>> -> memref<40x128xi32, #tpu.memory_space<hbm>>
      %dma_start3A_45 = arith.constant 0 : i32
      %dma_start3A_46 = tpu.memref_slice %arg4[%add3A_7, %dma_start3A_45] : memref<2560x128xi32, #tpu.memory_space<hbm>> -> memref<40x128xi32, #tpu.memory_space<hbm>>
      tpu.enqueue_dma source(%dma_start3A_46 : memref<40x128xi32, #tpu.memory_space<hbm>>) target(%arg10 : memref<40x128xi32, #tpu.memory_space<vmem>>) target_semaphore(%run_scoped3A : memref<!tpu.dma_semaphore, #tpu.memory_space<semaphore_mem>>)
      %dma_wait3A = arith.constant 0 : i32
      %dma_wait3A_47 = tpu.memref_slice %arg4[%add3A_7, %dma_wait3A] : memref<2560x128xi32, #tpu.memory_space<hbm>> -> memref<40x128xi32, #tpu.memory_space<hbm>>
      %dma_wait3A_48 = arith.constant 0 : i32
      %dma_wait3A_49 = tpu.memref_slice %arg4[%add3A_7, %dma_wait3A_48] : memref<2560x128xi32, #tpu.memory_space<hbm>> -> memref<40x128xi32, #tpu.memory_space<hbm>>
      tpu.wait_dma2 semaphore(%run_scoped3A : memref<!tpu.dma_semaphore, #tpu.memory_space<semaphore_mem>>) src(%dma_wait3A_49 : memref<40x128xi32, #tpu.memory_space<hbm>>) dst(%arg10 : memref<40x128xi32, #tpu.memory_space<vmem>>)
      tpu.yield
    }) : () -> ()
    %dma_start3A = arith.constant 0 : i32
    %dma_start3A_8 = arith.constant 0 : i32
    %dma_start3A_9 = tpu.memref_slice %arg9[%dma_start3A, %dma_start3A_8] : memref<40x128xi32, #tpu.memory_space<vmem>> -> memref<1x128xi32, #tpu.memory_space<vmem>>
    %dma_start3A_10 = tpu.memref_squeeze %dma_start3A_9 : memref<1x128xi32, #tpu.memory_space<vmem>> -> memref<128xi32, #tpu.memory_space<vmem>>
    %dma_start3A_11 = arith.constant 0 : i32
    %dma_start3A_12 = arith.constant 0 : i32
    %dma_start3A_13 = tpu.memref_slice %arg2[%dma_start3A_11, %dma_start3A_12] : memref<10000x128xf32, #tpu.memory_space<hbm>> -> memref<10000x128xf32, #tpu.memory_space<hbm>>
    tpu.enqueue_indirect_dma source(%dma_start3A_13 : memref<10000x128xf32, #tpu.memory_space<hbm>>) target(%arg11 : memref<128x128xf32, #tpu.memory_space<vmem>>) offsets(%dma_start3A_10 : memref<128xi32, #tpu.memory_space<vmem>>) semaphore(%arg13 : memref<!tpu.dma_semaphore, #tpu.memory_space<semaphore_mem>>)
    %scan3A = arith.constant 0 : i32
    %scan3A_14 = arith.constant 0 : i32
    %scan3A_15 = arith.constant 20 : i32
    %scan3A_16 = arith.addi %scan3A_14, %scan3A_15 : i32
    %scan3A_17 = arith.constant 1 : i32
    scf.for %scan3A_43 = %scan3A_14 to %scan3A_16 step %scan3A_17  : i32 {
      %mul3A_44 = arith.constant 2 : i32
      %mul3A_45 = arith.muli %mul3A_44, %scan3A_43 : i32
      %add3A_46 = arith.constant 1 : i32
      %add3A_47 = arith.addi %mul3A_45, %add3A_46 : i32
      %dma_start3A_48 = arith.constant 0 : i32
      %dma_start3A_49 = tpu.memref_slice %arg9[%add3A_47, %dma_start3A_48] : memref<40x128xi32, #tpu.memory_space<vmem>> -> memref<1x128xi32, #tpu.memory_space<vmem>>
      %dma_start3A_50 = tpu.memref_squeeze %dma_start3A_49 : memref<1x128xi32, #tpu.memory_space<vmem>> -> memref<128xi32, #tpu.memory_space<vmem>>
      %dma_start3A_51 = arith.constant 0 : i32
      %dma_start3A_52 = arith.constant 0 : i32
      %dma_start3A_53 = tpu.memref_slice %arg2[%dma_start3A_51, %dma_start3A_52] : memref<10000x128xf32, #tpu.memory_space<hbm>> -> memref<10000x128xf32, #tpu.memory_space<hbm>>
      tpu.enqueue_indirect_dma source(%dma_start3A_53 : memref<10000x128xf32, #tpu.memory_space<hbm>>) target(%arg12 : memref<128x128xf32, #tpu.memory_space<vmem>>) offsets(%dma_start3A_50 : memref<128xi32, #tpu.memory_space<vmem>>) semaphore(%arg14 : memref<!tpu.dma_semaphore, #tpu.memory_space<semaphore_mem>>)
      %dma_wait3A = arith.constant 0 : i32
      %dma_wait3A_54 = tpu.memref_slice %arg9[%mul3A_45, %dma_wait3A] : memref<40x128xi32, #tpu.memory_space<vmem>> -> memref<1x128xi32, #tpu.memory_space<vmem>>
      %dma_wait3A_55 = tpu.memref_squeeze %dma_wait3A_54 : memref<1x128xi32, #tpu.memory_space<vmem>> -> memref<128xi32, #tpu.memory_space<vmem>>
      %dma_wait3A_56 = arith.constant 0 : i32
      %dma_wait3A_57 = arith.constant 0 : i32
      %dma_wait3A_58 = tpu.memref_slice %arg2[%dma_wait3A_56, %dma_wait3A_57] : memref<10000x128xf32, #tpu.memory_space<hbm>> -> memref<10000x128xf32, #tpu.memory_space<hbm>>
      tpu.wait_indirect_dma semaphore(%arg13 : memref<!tpu.dma_semaphore, #tpu.memory_space<semaphore_mem>>) src(%dma_wait3A_58 : memref<10000x128xf32, #tpu.memory_space<hbm>>) dst(%arg11 : memref<128x128xf32, #tpu.memory_space<vmem>>)
      "tpu.region"() ({
        %run_scoped3A = tpu.sem_alloc : memref<!tpu.dma_semaphore, #tpu.memory_space<semaphore_mem>>
        %dma_start3A_71 = arith.constant 0 : i32
        %dma_start3A_72 = tpu.memref_slice %arg10[%mul3A_45, %dma_start3A_71] : memref<40x128xi32, #tpu.memory_space<vmem>> -> memref<1x128xi32, #tpu.memory_space<vmem>>
        %dma_start3A_73 = tpu.memref_squeeze %dma_start3A_72 : memref<1x128xi32, #tpu.memory_space<vmem>> -> memref<128xi32, #tpu.memory_space<vmem>>
        %dma_start3A_74 = arith.constant 0 : i32
        %dma_start3A_75 = arith.constant 0 : i32
        %dma_start3A_76 = tpu.memref_slice %arg8[%dma_start3A_74, %dma_start3A_75] : memref<10136x128xf32, #tpu.memory_space<vmem_shared>> -> memref<10136x128xf32, #tpu.memory_space<vmem_shared>>
        tpu.enqueue_indirect_dma source(%arg11 : memref<128x128xf32, #tpu.memory_space<vmem>>) target(%dma_start3A_76 : memref<10136x128xf32, #tpu.memory_space<vmem_shared>>) offsets(%dma_start3A_73 : memref<128xi32, #tpu.memory_space<vmem>>) semaphore(%run_scoped3A : memref<!tpu.dma_semaphore, #tpu.memory_space<semaphore_mem>>) {add = true}
        %dma_wait3A_77 = arith.constant 0 : i32
        %dma_wait3A_78 = tpu.memref_slice %arg10[%mul3A_45, %dma_wait3A_77] : memref<40x128xi32, #tpu.memory_space<vmem>> -> memref<1x128xi32, #tpu.memory_space<vmem>>
        %dma_wait3A_79 = tpu.memref_squeeze %dma_wait3A_78 : memref<1x128xi32, #tpu.memory_space<vmem>> -> memref<128xi32, #tpu.memory_space<vmem>>
        %dma_wait3A_80 = arith.constant 0 : i32
        %dma_wait3A_81 = arith.constant 0 : i32
        %dma_wait3A_82 = tpu.memref_slice %arg8[%dma_wait3A_80, %dma_wait3A_81] : memref<10136x128xf32, #tpu.memory_space<vmem_shared>> -> memref<10136x128xf32, #tpu.memory_space<vmem_shared>>
        tpu.wait_indirect_dma semaphore(%run_scoped3A : memref<!tpu.dma_semaphore, #tpu.memory_space<semaphore_mem>>) src(%arg11 : memref<128x128xf32, #tpu.memory_space<vmem>>) dst(%dma_wait3A_82 : memref<10136x128xf32, #tpu.memory_space<vmem_shared>>)
        tpu.yield
      }) : () -> ()
      %add3A_59 = arith.constant 1 : i32
      %add3A_60 = arith.addi %scan3A_43, %add3A_59 : i32
      %lt3A = arith.constant 20 : i32
      %lt3A_61 = arith.cmpi slt, %add3A_60, %lt3A : i32
      %convert_element_type3A_62 = arith.extui %lt3A_61 : i1 to i32
      %cond3A_63 = arith.constant 0 : i32
      %cond3A_64 = arith.cmpi ne, %convert_element_type3A_62, %cond3A_63 : i32
      scf.if %cond3A_64 {
        %add3A_71 = arith.constant 2 : i32
        %add3A_72 = arith.addi %mul3A_45, %add3A_71 : i32
        %dma_start3A_73 = arith.constant 0 : i32
        %dma_start3A_74 = tpu.memref_slice %arg9[%add3A_72, %dma_start3A_73] : memref<40x128xi32, #tpu.memory_space<vmem>> -> memref<1x128xi32, #tpu.memory_space<vmem>>
        %dma_start3A_75 = tpu.memref_squeeze %dma_start3A_74 : memref<1x128xi32, #tpu.memory_space<vmem>> -> memref<128xi32, #tpu.memory_space<vmem>>
        %dma_start3A_76 = arith.constant 0 : i32
        %dma_start3A_77 = arith.constant 0 : i32
        %dma_start3A_78 = tpu.memref_slice %arg2[%dma_start3A_76, %dma_start3A_77] : memref<10000x128xf32, #tpu.memory_space<hbm>> -> memref<10000x128xf32, #tpu.memory_space<hbm>>
        tpu.enqueue_indirect_dma source(%dma_start3A_78 : memref<10000x128xf32, #tpu.memory_space<hbm>>) target(%arg11 : memref<128x128xf32, #tpu.memory_space<vmem>>) offsets(%dma_start3A_75 : memref<128xi32, #tpu.memory_space<vmem>>) semaphore(%arg13 : memref<!tpu.dma_semaphore, #tpu.memory_space<semaphore_mem>>)
      } else {
      }
      %dma_wait3A_65 = arith.constant 0 : i32
      %dma_wait3A_66 = tpu.memref_slice %arg9[%add3A_47, %dma_wait3A_65] : memref<40x128xi32, #tpu.memory_space<vmem>> -> memref<1x128xi32, #tpu.memory_space<vmem>>
      %dma_wait3A_67 = tpu.memref_squeeze %dma_wait3A_66 : memref<1x128xi32, #tpu.memory_space<vmem>> -> memref<128xi32, #tpu.memory_space<vmem>>
      %dma_wait3A_68 = arith.constant 0 : i32
      %dma_wait3A_69 = arith.constant 0 : i32
      %dma_wait3A_70 = tpu.memref_slice %arg2[%dma_wait3A_68, %dma_wait3A_69] : memref<10000x128xf32, #tpu.memory_space<hbm>> -> memref<10000x128xf32, #tpu.memory_space<hbm>>
      tpu.wait_indirect_dma semaphore(%arg14 : memref<!tpu.dma_semaphore, #tpu.memory_space<semaphore_mem>>) src(%dma_wait3A_70 : memref<10000x128xf32, #tpu.memory_space<hbm>>) dst(%arg12 : memref<128x128xf32, #tpu.memory_space<vmem>>)
      "tpu.region"() ({
        %run_scoped3A = tpu.sem_alloc : memref<!tpu.dma_semaphore, #tpu.memory_space<semaphore_mem>>
        %dma_start3A_71 = arith.constant 0 : i32
        %dma_start3A_72 = tpu.memref_slice %arg10[%add3A_47, %dma_start3A_71] : memref<40x128xi32, #tpu.memory_space<vmem>> -> memref<1x128xi32, #tpu.memory_space<vmem>>
        %dma_start3A_73 = tpu.memref_squeeze %dma_start3A_72 : memref<1x128xi32, #tpu.memory_space<vmem>> -> memref<128xi32, #tpu.memory_space<vmem>>
        %dma_start3A_74 = arith.constant 0 : i32
        %dma_start3A_75 = arith.constant 0 : i32
        %dma_start3A_76 = tpu.memref_slice %arg8[%dma_start3A_74, %dma_start3A_75] : memref<10136x128xf32, #tpu.memory_space<vmem_shared>> -> memref<10136x128xf32, #tpu.memory_space<vmem_shared>>
        tpu.enqueue_indirect_dma source(%arg12 : memref<128x128xf32, #tpu.memory_space<vmem>>) target(%dma_start3A_76 : memref<10136x128xf32, #tpu.memory_space<vmem_shared>>) offsets(%dma_start3A_73 : memref<128xi32, #tpu.memory_space<vmem>>) semaphore(%run_scoped3A : memref<!tpu.dma_semaphore, #tpu.memory_space<semaphore_mem>>) {add = true}
        %dma_wait3A_77 = arith.constant 0 : i32
        %dma_wait3A_78 = tpu.memref_slice %arg10[%add3A_47, %dma_wait3A_77] : memref<40x128xi32, #tpu.memory_space<vmem>> -> memref<1x128xi32, #tpu.memory_space<vmem>>
        %dma_wait3A_79 = tpu.memref_squeeze %dma_wait3A_78 : memref<1x128xi32, #tpu.memory_space<vmem>> -> memref<128xi32, #tpu.memory_space<vmem>>
        %dma_wait3A_80 = arith.constant 0 : i32
        %dma_wait3A_81 = arith.constant 0 : i32
        %dma_wait3A_82 = tpu.memref_slice %arg8[%dma_wait3A_80, %dma_wait3A_81] : memref<10136x128xf32, #tpu.memory_space<vmem_shared>> -> memref<10136x128xf32, #tpu.memory_space<vmem_shared>>
        tpu.wait_indirect_dma semaphore(%run_scoped3A : memref<!tpu.dma_semaphore, #tpu.memory_space<semaphore_mem>>) src(%arg12 : memref<128x128xf32, #tpu.memory_space<vmem>>) dst(%dma_wait3A_82 : memref<10136x128xf32, #tpu.memory_space<vmem_shared>>)
        tpu.yield
      }) : () -> ()
    }
    %scan3A_18 = arith.constant 20 : i32
    %add3A_19 = arith.constant 40 : i32
    %add3A_20 = arith.addi %mul3A_5, %add3A_19 : i32
    "tpu.region"() ({
      %run_scoped3A = tpu.sem_alloc : memref<!tpu.dma_semaphore, #tpu.memory_space<semaphore_mem>>
      %dma_start3A_43 = arith.constant 0 : i32
      %dma_start3A_44 = tpu.memref_slice %arg3[%add3A_20, %dma_start3A_43] : memref<2560x128xi32, #tpu.memory_space<hbm>> -> memref<40x128xi32, #tpu.memory_space<hbm>>
      %dma_start3A_45 = arith.constant 0 : i32
      %dma_start3A_46 = tpu.memref_slice %arg3[%add3A_20, %dma_start3A_45] : memref<2560x128xi32, #tpu.memory_space<hbm>> -> memref<40x128xi32, #tpu.memory_space<hbm>>
      tpu.enqueue_dma source(%dma_start3A_46 : memref<40x128xi32, #tpu.memory_space<hbm>>) target(%arg9 : memref<40x128xi32, #tpu.memory_space<vmem>>) target_semaphore(%run_scoped3A : memref<!tpu.dma_semaphore, #tpu.memory_space<semaphore_mem>>)
      %dma_wait3A = arith.constant 0 : i32
      %dma_wait3A_47 = tpu.memref_slice %arg3[%add3A_20, %dma_wait3A] : memref<2560x128xi32, #tpu.memory_space<hbm>> -> memref<40x128xi32, #tpu.memory_space<hbm>>
      %dma_wait3A_48 = arith.constant 0 : i32
      %dma_wait3A_49 = tpu.memref_slice %arg3[%add3A_20, %dma_wait3A_48] : memref<2560x128xi32, #tpu.memory_space<hbm>> -> memref<40x128xi32, #tpu.memory_space<hbm>>
      tpu.wait_dma2 semaphore(%run_scoped3A : memref<!tpu.dma_semaphore, #tpu.memory_space<semaphore_mem>>) src(%dma_wait3A_49 : memref<40x128xi32, #tpu.memory_space<hbm>>) dst(%arg9 : memref<40x128xi32, #tpu.memory_space<vmem>>)
      tpu.yield
    }) : () -> ()
    "tpu.region"() ({
      %run_scoped3A = tpu.sem_alloc : memref<!tpu.dma_semaphore, #tpu.memory_space<semaphore_mem>>
      %dma_start3A_43 = arith.constant 0 : i32
      %dma_start3A_44 = tpu.memref_slice %arg4[%add3A_20, %dma_start3A_43] : memref<2560x128xi32, #tpu.memory_space<hbm>> -> memref<40x128xi32, #tpu.memory_space<hbm>>
      %dma_start3A_45 = arith.constant 0 : i32
      %dma_start3A_46 = tpu.memref_slice %arg4[%add3A_20, %dma_start3A_45] : memref<2560x128xi32, #tpu.memory_space<hbm>> -> memref<40x128xi32, #tpu.memory_space<hbm>>
      tpu.enqueue_dma source(%dma_start3A_46 : memref<40x128xi32, #tpu.memory_space<hbm>>) target(%arg10 : memref<40x128xi32, #tpu.memory_space<vmem>>) target_semaphore(%run_scoped3A : memref<!tpu.dma_semaphore, #tpu.memory_space<semaphore_mem>>)
      %dma_wait3A = arith.constant 0 : i32
      %dma_wait3A_47 = tpu.memref_slice %arg4[%add3A_20, %dma_wait3A] : memref<2560x128xi32, #tpu.memory_space<hbm>> -> memref<40x128xi32, #tpu.memory_space<hbm>>
      %dma_wait3A_48 = arith.constant 0 : i32
      %dma_wait3A_49 = tpu.memref_slice %arg4[%add3A_20, %dma_wait3A_48] : memref<2560x128xi32, #tpu.memory_space<hbm>> -> memref<40x128xi32, #tpu.memory_space<hbm>>
      tpu.wait_dma2 semaphore(%run_scoped3A : memref<!tpu.dma_semaphore, #tpu.memory_space<semaphore_mem>>) src(%dma_wait3A_49 : memref<40x128xi32, #tpu.memory_space<hbm>>) dst(%arg10 : memref<40x128xi32, #tpu.memory_space<vmem>>)
      tpu.yield
    }) : () -> ()
    %dma_start3A_21 = arith.constant 0 : i32
    %dma_start3A_22 = arith.constant 0 : i32
    %dma_start3A_23 = tpu.memref_slice %arg9[%dma_start3A_21, %dma_start3A_22] : memref<40x128xi32, #tpu.memory_space<vmem>> -> memref<1x128xi32, #tpu.memory_space<vmem>>
    %dma_start3A_24 = tpu.memref_squeeze %dma_start3A_23 : memref<1x128xi32, #tpu.memory_space<vmem>> -> memref<128xi32, #tpu.memory_space<vmem>>
    %dma_start3A_25 = arith.constant 0 : i32
    %dma_start3A_26 = arith.constant 0 : i32
    %dma_start3A_27 = tpu.memref_slice %arg2[%dma_start3A_25, %dma_start3A_26] : memref<10000x128xf32, #tpu.memory_space<hbm>> -> memref<10000x128xf32, #tpu.memory_space<hbm>>
    tpu.enqueue_indirect_dma source(%dma_start3A_27 : memref<10000x128xf32, #tpu.memory_space<hbm>>) target(%arg11 : memref<128x128xf32, #tpu.memory_space<vmem>>) offsets(%dma_start3A_24 : memref<128xi32, #tpu.memory_space<vmem>>) semaphore(%arg13 : memref<!tpu.dma_semaphore, #tpu.memory_space<semaphore_mem>>)
    %scan3A_28 = arith.constant 0 : i32
    %scan3A_29 = arith.constant 0 : i32
    %scan3A_30 = arith.constant 20 : i32
    %scan3A_31 = arith.addi %scan3A_29, %scan3A_30 : i32
    %scan3A_32 = arith.constant 1 : i32
    scf.for %scan3A_43 = %scan3A_29 to %scan3A_31 step %scan3A_32  : i32 {
      %mul3A_44 = arith.constant 2 : i32
      %mul3A_45 = arith.muli %mul3A_44, %scan3A_43 : i32
      %add3A_46 = arith.constant 1 : i32
      %add3A_47 = arith.addi %mul3A_45, %add3A_46 : i32
      %dma_start3A_48 = arith.constant 0 : i32
      %dma_start3A_49 = tpu.memref_slice %arg9[%add3A_47, %dma_start3A_48] : memref<40x128xi32, #tpu.memory_space<vmem>> -> memref<1x128xi32, #tpu.memory_space<vmem>>
      %dma_start3A_50 = tpu.memref_squeeze %dma_start3A_49 : memref<1x128xi32, #tpu.memory_space<vmem>> -> memref<128xi32, #tpu.memory_space<vmem>>
      %dma_start3A_51 = arith.constant 0 : i32
      %dma_start3A_52 = arith.constant 0 : i32
      %dma_start3A_53 = tpu.memref_slice %arg2[%dma_start3A_51, %dma_start3A_52] : memref<10000x128xf32, #tpu.memory_space<hbm>> -> memref<10000x128xf32, #tpu.memory_space<hbm>>
      tpu.enqueue_indirect_dma source(%dma_start3A_53 : memref<10000x128xf32, #tpu.memory_space<hbm>>) target(%arg12 : memref<128x128xf32, #tpu.memory_space<vmem>>) offsets(%dma_start3A_50 : memref<128xi32, #tpu.memory_space<vmem>>) semaphore(%arg14 : memref<!tpu.dma_semaphore, #tpu.memory_space<semaphore_mem>>)
      %dma_wait3A = arith.constant 0 : i32
      %dma_wait3A_54 = tpu.memref_slice %arg9[%mul3A_45, %dma_wait3A] : memref<40x128xi32, #tpu.memory_space<vmem>> -> memref<1x128xi32, #tpu.memory_space<vmem>>
      %dma_wait3A_55 = tpu.memref_squeeze %dma_wait3A_54 : memref<1x128xi32, #tpu.memory_space<vmem>> -> memref<128xi32, #tpu.memory_space<vmem>>
      %dma_wait3A_56 = arith.constant 0 : i32
      %dma_wait3A_57 = arith.constant 0 : i32
      %dma_wait3A_58 = tpu.memref_slice %arg2[%dma_wait3A_56, %dma_wait3A_57] : memref<10000x128xf32, #tpu.memory_space<hbm>> -> memref<10000x128xf32, #tpu.memory_space<hbm>>
      tpu.wait_indirect_dma semaphore(%arg13 : memref<!tpu.dma_semaphore, #tpu.memory_space<semaphore_mem>>) src(%dma_wait3A_58 : memref<10000x128xf32, #tpu.memory_space<hbm>>) dst(%arg11 : memref<128x128xf32, #tpu.memory_space<vmem>>)
      "tpu.region"() ({
        %run_scoped3A = tpu.sem_alloc : memref<!tpu.dma_semaphore, #tpu.memory_space<semaphore_mem>>
        %dma_start3A_71 = arith.constant 0 : i32
        %dma_start3A_72 = tpu.memref_slice %arg10[%mul3A_45, %dma_start3A_71] : memref<40x128xi32, #tpu.memory_space<vmem>> -> memref<1x128xi32, #tpu.memory_space<vmem>>
        %dma_start3A_73 = tpu.memref_squeeze %dma_start3A_72 : memref<1x128xi32, #tpu.memory_space<vmem>> -> memref<128xi32, #tpu.memory_space<vmem>>
        %dma_start3A_74 = arith.constant 0 : i32
        %dma_start3A_75 = arith.constant 0 : i32
        %dma_start3A_76 = tpu.memref_slice %arg8[%dma_start3A_74, %dma_start3A_75] : memref<10136x128xf32, #tpu.memory_space<vmem_shared>> -> memref<10136x128xf32, #tpu.memory_space<vmem_shared>>
        tpu.enqueue_indirect_dma source(%arg11 : memref<128x128xf32, #tpu.memory_space<vmem>>) target(%dma_start3A_76 : memref<10136x128xf32, #tpu.memory_space<vmem_shared>>) offsets(%dma_start3A_73 : memref<128xi32, #tpu.memory_space<vmem>>) semaphore(%run_scoped3A : memref<!tpu.dma_semaphore, #tpu.memory_space<semaphore_mem>>) {add = true}
        %dma_wait3A_77 = arith.constant 0 : i32
        %dma_wait3A_78 = tpu.memref_slice %arg10[%mul3A_45, %dma_wait3A_77] : memref<40x128xi32, #tpu.memory_space<vmem>> -> memref<1x128xi32, #tpu.memory_space<vmem>>
        %dma_wait3A_79 = tpu.memref_squeeze %dma_wait3A_78 : memref<1x128xi32, #tpu.memory_space<vmem>> -> memref<128xi32, #tpu.memory_space<vmem>>
        %dma_wait3A_80 = arith.constant 0 : i32
        %dma_wait3A_81 = arith.constant 0 : i32
        %dma_wait3A_82 = tpu.memref_slice %arg8[%dma_wait3A_80, %dma_wait3A_81] : memref<10136x128xf32, #tpu.memory_space<vmem_shared>> -> memref<10136x128xf32, #tpu.memory_space<vmem_shared>>
        tpu.wait_indirect_dma semaphore(%run_scoped3A : memref<!tpu.dma_semaphore, #tpu.memory_space<semaphore_mem>>) src(%arg11 : memref<128x128xf32, #tpu.memory_space<vmem>>) dst(%dma_wait3A_82 : memref<10136x128xf32, #tpu.memory_space<vmem_shared>>)
        tpu.yield
      }) : () -> ()
      %add3A_59 = arith.constant 1 : i32
      %add3A_60 = arith.addi %scan3A_43, %add3A_59 : i32
      %lt3A = arith.constant 20 : i32
      %lt3A_61 = arith.cmpi slt, %add3A_60, %lt3A : i32
      %convert_element_type3A_62 = arith.extui %lt3A_61 : i1 to i32
      %cond3A_63 = arith.constant 0 : i32
      %cond3A_64 = arith.cmpi ne, %convert_element_type3A_62, %cond3A_63 : i32
      scf.if %cond3A_64 {
        %add3A_71 = arith.constant 2 : i32
        %add3A_72 = arith.addi %mul3A_45, %add3A_71 : i32
        %dma_start3A_73 = arith.constant 0 : i32
        %dma_start3A_74 = tpu.memref_slice %arg9[%add3A_72, %dma_start3A_73] : memref<40x128xi32, #tpu.memory_space<vmem>> -> memref<1x128xi32, #tpu.memory_space<vmem>>
        %dma_start3A_75 = tpu.memref_squeeze %dma_start3A_74 : memref<1x128xi32, #tpu.memory_space<vmem>> -> memref<128xi32, #tpu.memory_space<vmem>>
        %dma_start3A_76 = arith.constant 0 : i32
        %dma_start3A_77 = arith.constant 0 : i32
        %dma_start3A_78 = tpu.memref_slice %arg2[%dma_start3A_76, %dma_start3A_77] : memref<10000x128xf32, #tpu.memory_space<hbm>> -> memref<10000x128xf32, #tpu.memory_space<hbm>>
        tpu.enqueue_indirect_dma source(%dma_start3A_78 : memref<10000x128xf32, #tpu.memory_space<hbm>>) target(%arg11 : memref<128x128xf32, #tpu.memory_space<vmem>>) offsets(%dma_start3A_75 : memref<128xi32, #tpu.memory_space<vmem>>) semaphore(%arg13 : memref<!tpu.dma_semaphore, #tpu.memory_space<semaphore_mem>>)
      } else {
      }
      %dma_wait3A_65 = arith.constant 0 : i32
      %dma_wait3A_66 = tpu.memref_slice %arg9[%add3A_47, %dma_wait3A_65] : memref<40x128xi32, #tpu.memory_space<vmem>> -> memref<1x128xi32, #tpu.memory_space<vmem>>
      %dma_wait3A_67 = tpu.memref_squeeze %dma_wait3A_66 : memref<1x128xi32, #tpu.memory_space<vmem>> -> memref<128xi32, #tpu.memory_space<vmem>>
      %dma_wait3A_68 = arith.constant 0 : i32
      %dma_wait3A_69 = arith.constant 0 : i32
      %dma_wait3A_70 = tpu.memref_slice %arg2[%dma_wait3A_68, %dma_wait3A_69] : memref<10000x128xf32, #tpu.memory_space<hbm>> -> memref<10000x128xf32, #tpu.memory_space<hbm>>
      tpu.wait_indirect_dma semaphore(%arg14 : memref<!tpu.dma_semaphore, #tpu.memory_space<semaphore_mem>>) src(%dma_wait3A_70 : memref<10000x128xf32, #tpu.memory_space<hbm>>) dst(%arg12 : memref<128x128xf32, #tpu.memory_space<vmem>>)
      "tpu.region"() ({
        %run_scoped3A = tpu.sem_alloc : memref<!tpu.dma_semaphore, #tpu.memory_space<semaphore_mem>>
        %dma_start3A_71 = arith.constant 0 : i32
        %dma_start3A_72 = tpu.memref_slice %arg10[%add3A_47, %dma_start3A_71] : memref<40x128xi32, #tpu.memory_space<vmem>> -> memref<1x128xi32, #tpu.memory_space<vmem>>
        %dma_start3A_73 = tpu.memref_squeeze %dma_start3A_72 : memref<1x128xi32, #tpu.memory_space<vmem>> -> memref<128xi32, #tpu.memory_space<vmem>>
        %dma_start3A_74 = arith.constant 0 : i32
        %dma_start3A_75 = arith.constant 0 : i32
        %dma_start3A_76 = tpu.memref_slice %arg8[%dma_start3A_74, %dma_start3A_75] : memref<10136x128xf32, #tpu.memory_space<vmem_shared>> -> memref<10136x128xf32, #tpu.memory_space<vmem_shared>>
        tpu.enqueue_indirect_dma source(%arg12 : memref<128x128xf32, #tpu.memory_space<vmem>>) target(%dma_start3A_76 : memref<10136x128xf32, #tpu.memory_space<vmem_shared>>) offsets(%dma_start3A_73 : memref<128xi32, #tpu.memory_space<vmem>>) semaphore(%run_scoped3A : memref<!tpu.dma_semaphore, #tpu.memory_space<semaphore_mem>>) {add = true}
        %dma_wait3A_77 = arith.constant 0 : i32
        %dma_wait3A_78 = tpu.memref_slice %arg10[%add3A_47, %dma_wait3A_77] : memref<40x128xi32, #tpu.memory_space<vmem>> -> memref<1x128xi32, #tpu.memory_space<vmem>>
        %dma_wait3A_79 = tpu.memref_squeeze %dma_wait3A_78 : memref<1x128xi32, #tpu.memory_space<vmem>> -> memref<128xi32, #tpu.memory_space<vmem>>
        %dma_wait3A_80 = arith.constant 0 : i32
        %dma_wait3A_81 = arith.constant 0 : i32
        %dma_wait3A_82 = tpu.memref_slice %arg8[%dma_wait3A_80, %dma_wait3A_81] : memref<10136x128xf32, #tpu.memory_space<vmem_shared>> -> memref<10136x128xf32, #tpu.memory_space<vmem_shared>>
        tpu.wait_indirect_dma semaphore(%run_scoped3A : memref<!tpu.dma_semaphore, #tpu.memory_space<semaphore_mem>>) src(%arg12 : memref<128x128xf32, #tpu.memory_space<vmem>>) dst(%dma_wait3A_82 : memref<10136x128xf32, #tpu.memory_space<vmem_shared>>)
        tpu.yield
      }) : () -> ()
    }
    %scan3A_33 = arith.constant 20 : i32
    %barrier3A_34 = arith.constant 0 : index
    tpu.barrier barrier_id(%barrier3A_34)
    %eq3A_35 = arith.constant 0 : i32
    %eq3A_36 = arith.cmpi eq, %arg0, %eq3A_35 : i32
    %convert_element_type3A = arith.extui %eq3A_36 : i1 to i32
    %cond3A = arith.constant 0 : i32
    %cond3A_37 = arith.cmpi ne, %convert_element_type3A, %cond3A : i32
    scf.if %cond3A_37 {
      %eq3A_43 = arith.constant 15 : i32
      %eq3A_44 = arith.cmpi eq, %arg1, %eq3A_43 : i32
      %mul3A_45 = arith.constant 632 : i32
      %mul3A_46 = arith.muli %arg1, %mul3A_45 : i32
      %jit3A_47 = arith.constant 9368 : i32
      %select_n3A_48 = arith.select %eq3A_44, %jit3A_47, %mul3A_46 : i32
      %multiple_of3A_49 = tpu.assume_multiple %select_n3A_48, 8 : i32
      "tpu.region"() ({
        %run_scoped3A = tpu.sem_alloc : memref<!tpu.dma_semaphore, #tpu.memory_space<semaphore_mem>>
        %dma_start3A_50 = arith.constant 0 : i32
        %dma_start3A_51 = tpu.memref_slice %arg6[%multiple_of3A_49, %dma_start3A_50] : memref<10000x128xf32, #tpu.memory_space<hbm>> -> memref<632x128xf32, #tpu.memory_space<hbm>>
        %dma_start3A_52 = arith.constant 0 : i32
        %dma_start3A_53 = tpu.memref_slice %arg8[%multiple_of3A_49, %dma_start3A_52] : memref<10136x128xf32, #tpu.memory_space<vmem_shared>> -> memref<632x128xf32, #tpu.memory_space<vmem_shared>>
        tpu.enqueue_dma source(%dma_start3A_53 : memref<632x128xf32, #tpu.memory_space<vmem_shared>>) target(%dma_start3A_51 : memref<632x128xf32, #tpu.memory_space<hbm>>) target_semaphore(%run_scoped3A : memref<!tpu.dma_semaphore, #tpu.memory_space<semaphore_mem>>)
        %dma_wait3A = arith.constant 0 : i32
        %dma_wait3A_54 = tpu.memref_slice %arg6[%multiple_of3A_49, %dma_wait3A] : memref<10000x128xf32, #tpu.memory_space<hbm>> -> memref<632x128xf32, #tpu.memory_space<hbm>>
        %dma_wait3A_55 = arith.constant 0 : i32
        %dma_wait3A_56 = tpu.memref_slice %arg8[%multiple_of3A_49, %dma_wait3A_55] : memref<10136x128xf32, #tpu.memory_space<vmem_shared>> -> memref<632x128xf32, #tpu.memory_space<vmem_shared>>
        tpu.wait_dma2 semaphore(%run_scoped3A : memref<!tpu.dma_semaphore, #tpu.memory_space<semaphore_mem>>) src(%dma_wait3A_56 : memref<632x128xf32, #tpu.memory_space<vmem_shared>>) dst(%dma_wait3A_54 : memref<632x128xf32, #tpu.memory_space<hbm>>)
        tpu.yield
      }) : () -> ()
    } else {
    }
    %eq3A_38 = arith.constant 1 : i32
    %eq3A_39 = arith.cmpi eq, %arg0, %eq3A_38 : i32
    %convert_element_type3A_40 = arith.extui %eq3A_39 : i1 to i32
    %cond3A_41 = arith.constant 0 : i32
    %cond3A_42 = arith.cmpi ne, %convert_element_type3A_40, %cond3A_41 : i32
    scf.if %cond3A_42 {
      %eq3A_43 = arith.constant 15 : i32
      %eq3A_44 = arith.cmpi eq, %arg1, %eq3A_43 : i32
      %mul3A_45 = arith.constant 632 : i32
      %mul3A_46 = arith.muli %arg1, %mul3A_45 : i32
      %jit3A_47 = arith.constant 9368 : i32
      %select_n3A_48 = arith.select %eq3A_44, %jit3A_47, %mul3A_46 : i32
      %multiple_of3A_49 = tpu.assume_multiple %select_n3A_48, 8 : i32
      "tpu.region"() ({
        %run_scoped3A = tpu.sem_alloc : memref<!tpu.dma_semaphore, #tpu.memory_space<semaphore_mem>>
        %dma_start3A_50 = arith.constant 0 : i32
        %dma_start3A_51 = tpu.memref_slice %arg7[%multiple_of3A_49, %dma_start3A_50] : memref<10000x128xf32, #tpu.memory_space<hbm>> -> memref<632x128xf32, #tpu.memory_space<hbm>>
        %dma_start3A_52 = arith.constant 0 : i32
        %dma_start3A_53 = tpu.memref_slice %arg8[%multiple_of3A_49, %dma_start3A_52] : memref<10136x128xf32, #tpu.memory_space<vmem_shared>> -> memref<632x128xf32, #tpu.memory_space<vmem_shared>>
        tpu.enqueue_dma source(%dma_start3A_53 : memref<632x128xf32, #tpu.memory_space<vmem_shared>>) target(%dma_start3A_51 : memref<632x128xf32, #tpu.memory_space<hbm>>) target_semaphore(%run_scoped3A : memref<!tpu.dma_semaphore, #tpu.memory_space<semaphore_mem>>)
        %dma_wait3A = arith.constant 0 : i32
        %dma_wait3A_54 = tpu.memref_slice %arg7[%multiple_of3A_49, %dma_wait3A] : memref<10000x128xf32, #tpu.memory_space<hbm>> -> memref<632x128xf32, #tpu.memory_space<hbm>>
        %dma_wait3A_55 = arith.constant 0 : i32
        %dma_wait3A_56 = tpu.memref_slice %arg8[%multiple_of3A_49, %dma_wait3A_55] : memref<10136x128xf32, #tpu.memory_space<vmem_shared>> -> memref<632x128xf32, #tpu.memory_space<vmem_shared>>
        tpu.wait_dma2 semaphore(%run_scoped3A : memref<!tpu.dma_semaphore, #tpu.memory_space<semaphore_mem>>) src(%dma_wait3A_56 : memref<632x128xf32, #tpu.memory_space<vmem_shared>>) dst(%dma_wait3A_54 : memref<632x128xf32, #tpu.memory_space<hbm>>)
        tpu.yield
      }) : () -> ()
    } else {
    }
    return
  }
}

#map = affine_map<(d0, d1) -> (0, 0)>
module attributes {stable_mosaic.version = 14 : i64} {
  func.func @_spmm_split_body(%arg0: i32, %arg1: i32, %arg2: memref<10000x128xf32, #tpu.memory_space<hbm>>, %arg3: memref<2560x128xi32, #tpu.memory_space<hbm>>, %arg4: memref<2560x128xi32, #tpu.memory_space<hbm>>, %arg5: memref<10000x128xf32, #tpu.memory_space<hbm>>, %arg6: memref<10000x128xf32, #tpu.memory_space<hbm>>, %arg7: memref<10000x128xf32, #tpu.memory_space<hbm>>, %arg8: memref<10136x128xf32, #tpu.memory_space<vmem_shared>>, %arg9: memref<40x128xi32, #tpu.memory_space<vmem>>, %arg10: memref<40x128xi32, #tpu.memory_space<vmem>>, %arg11: memref<128x128xf32, #tpu.memory_space<vmem>>, %arg12: memref<128x128xf32, #tpu.memory_space<vmem>>, %arg13: memref<!tpu.dma_semaphore, #tpu.memory_space<semaphore_mem>>, %arg14: memref<!tpu.dma_semaphore, #tpu.memory_space<semaphore_mem>>) attributes {dimension_semantics = [#tpu.dimension_semantics<core_parallel>, #tpu.dimension_semantics<subcore_parallel>], iteration_bounds = array<i64: 2, 16>, scalar_prefetch = 0 : i64, scratch_operands = 7 : i64, tpu.core_type = #tpu.core_type<sc_vector_subcore>, window_params = [{transform_indices = #map}, {transform_indices = #map}, {transform_indices = #map}, {transform_indices = #map}, {transform_indices = #map}, {transform_indices = #map}]} {
    %eq3A = arith.constant 15 : i32
    %eq3A_0 = arith.cmpi eq, %arg1, %eq3A : i32
    %mul3A = arith.constant 632 : i32
    %mul3A_1 = arith.muli %arg1, %mul3A : i32
    %jit3A = arith.constant 9368 : i32
    %select_n3A = arith.select %eq3A_0, %jit3A, %mul3A_1 : i32
    %multiple_of3A = tpu.assume_multiple %select_n3A, 8 : i32
    "tpu.region"() ({
      %run_scoped3A = tpu.sem_alloc : memref<!tpu.dma_semaphore, #tpu.memory_space<semaphore_mem>>
      %dma_start3A_43 = arith.constant 0 : i32
      %dma_start3A_44 = tpu.memref_slice %arg8[%multiple_of3A, %dma_start3A_43] : memref<10136x128xf32, #tpu.memory_space<vmem_shared>> -> memref<632x128xf32, #tpu.memory_space<vmem_shared>>
      %dma_start3A_45 = arith.constant 0 : i32
      %dma_start3A_46 = tpu.memref_slice %arg5[%multiple_of3A, %dma_start3A_45] : memref<10000x128xf32, #tpu.memory_space<hbm>> -> memref<632x128xf32, #tpu.memory_space<hbm>>
      tpu.enqueue_dma source(%dma_start3A_46 : memref<632x128xf32, #tpu.memory_space<hbm>>) target(%dma_start3A_44 : memref<632x128xf32, #tpu.memory_space<vmem_shared>>) target_semaphore(%run_scoped3A : memref<!tpu.dma_semaphore, #tpu.memory_space<semaphore_mem>>)
      %dma_wait3A = arith.constant 0 : i32
      %dma_wait3A_47 = tpu.memref_slice %arg8[%multiple_of3A, %dma_wait3A] : memref<10136x128xf32, #tpu.memory_space<vmem_shared>> -> memref<632x128xf32, #tpu.memory_space<vmem_shared>>
      %dma_wait3A_48 = arith.constant 0 : i32
      %dma_wait3A_49 = tpu.memref_slice %arg5[%multiple_of3A, %dma_wait3A_48] : memref<10000x128xf32, #tpu.memory_space<hbm>> -> memref<632x128xf32, #tpu.memory_space<hbm>>
      tpu.wait_dma2 semaphore(%run_scoped3A : memref<!tpu.dma_semaphore, #tpu.memory_space<semaphore_mem>>) src(%dma_wait3A_49 : memref<632x128xf32, #tpu.memory_space<hbm>>) dst(%dma_wait3A_47 : memref<632x128xf32, #tpu.memory_space<vmem_shared>>)
      tpu.yield
    }) : () -> ()
    %mul3A_2 = arith.constant 16 : i32
    %mul3A_3 = arith.muli %arg0, %mul3A_2 : i32
    %add3A = arith.addi %mul3A_3, %arg1 : i32
    %mul3A_4 = arith.constant 80 : i32
    %mul3A_5 = arith.muli %add3A, %mul3A_4 : i32
    %barrier3A = arith.constant 0 : index
    tpu.barrier barrier_id(%barrier3A)
    %add3A_6 = arith.constant 0 : i32
    %add3A_7 = arith.addi %mul3A_5, %add3A_6 : i32
    "tpu.region"() ({
      %run_scoped3A = tpu.sem_alloc : memref<!tpu.dma_semaphore, #tpu.memory_space<semaphore_mem>>
      %dma_start3A_43 = arith.constant 0 : i32
      %dma_start3A_44 = tpu.memref_slice %arg3[%add3A_7, %dma_start3A_43] : memref<2560x128xi32, #tpu.memory_space<hbm>> -> memref<40x128xi32, #tpu.memory_space<hbm>>
      %dma_start3A_45 = arith.constant 0 : i32
      %dma_start3A_46 = tpu.memref_slice %arg3[%add3A_7, %dma_start3A_45] : memref<2560x128xi32, #tpu.memory_space<hbm>> -> memref<40x128xi32, #tpu.memory_space<hbm>>
      tpu.enqueue_dma source(%dma_start3A_46 : memref<40x128xi32, #tpu.memory_space<hbm>>) target(%arg9 : memref<40x128xi32, #tpu.memory_space<vmem>>) target_semaphore(%run_scoped3A : memref<!tpu.dma_semaphore, #tpu.memory_space<semaphore_mem>>)
      %dma_wait3A = arith.constant 0 : i32
      %dma_wait3A_47 = tpu.memref_slice %arg3[%add3A_7, %dma_wait3A] : memref<2560x128xi32, #tpu.memory_space<hbm>> -> memref<40x128xi32, #tpu.memory_space<hbm>>
      %dma_wait3A_48 = arith.constant 0 : i32
      %dma_wait3A_49 = tpu.memref_slice %arg3[%add3A_7, %dma_wait3A_48] : memref<2560x128xi32, #tpu.memory_space<hbm>> -> memref<40x128xi32, #tpu.memory_space<hbm>>
      tpu.wait_dma2 semaphore(%run_scoped3A : memref<!tpu.dma_semaphore, #tpu.memory_space<semaphore_mem>>) src(%dma_wait3A_49 : memref<40x128xi32, #tpu.memory_space<hbm>>) dst(%arg9 : memref<40x128xi32, #tpu.memory_space<vmem>>)
      tpu.yield
    }) : () -> ()
    "tpu.region"() ({
      %run_scoped3A = tpu.sem_alloc : memref<!tpu.dma_semaphore, #tpu.memory_space<semaphore_mem>>
      %dma_start3A_43 = arith.constant 0 : i32
      %dma_start3A_44 = tpu.memref_slice %arg4[%add3A_7, %dma_start3A_43] : memref<2560x128xi32, #tpu.memory_space<hbm>> -> memref<40x128xi32, #tpu.memory_space<hbm>>
      %dma_start3A_45 = arith.constant 0 : i32
      %dma_start3A_46 = tpu.memref_slice %arg4[%add3A_7, %dma_start3A_45] : memref<2560x128xi32, #tpu.memory_space<hbm>> -> memref<40x128xi32, #tpu.memory_space<hbm>>
      tpu.enqueue_dma source(%dma_start3A_46 : memref<40x128xi32, #tpu.memory_space<hbm>>) target(%arg10 : memref<40x128xi32, #tpu.memory_space<vmem>>) target_semaphore(%run_scoped3A : memref<!tpu.dma_semaphore, #tpu.memory_space<semaphore_mem>>)
      %dma_wait3A = arith.constant 0 : i32
      %dma_wait3A_47 = tpu.memref_slice %arg4[%add3A_7, %dma_wait3A] : memref<2560x128xi32, #tpu.memory_space<hbm>> -> memref<40x128xi32, #tpu.memory_space<hbm>>
      %dma_wait3A_48 = arith.constant 0 : i32
      %dma_wait3A_49 = tpu.memref_slice %arg4[%add3A_7, %dma_wait3A_48] : memref<2560x128xi32, #tpu.memory_space<hbm>> -> memref<40x128xi32, #tpu.memory_space<hbm>>
      tpu.wait_dma2 semaphore(%run_scoped3A : memref<!tpu.dma_semaphore, #tpu.memory_space<semaphore_mem>>) src(%dma_wait3A_49 : memref<40x128xi32, #tpu.memory_space<hbm>>) dst(%arg10 : memref<40x128xi32, #tpu.memory_space<vmem>>)
      tpu.yield
    }) : () -> ()
    %dma_start3A = arith.constant 0 : i32
    %dma_start3A_8 = arith.constant 0 : i32
    %dma_start3A_9 = tpu.memref_slice %arg9[%dma_start3A, %dma_start3A_8] : memref<40x128xi32, #tpu.memory_space<vmem>> -> memref<1x128xi32, #tpu.memory_space<vmem>>
    %dma_start3A_10 = tpu.memref_squeeze %dma_start3A_9 : memref<1x128xi32, #tpu.memory_space<vmem>> -> memref<128xi32, #tpu.memory_space<vmem>>
    %dma_start3A_11 = arith.constant 0 : i32
    %dma_start3A_12 = arith.constant 0 : i32
    %dma_start3A_13 = tpu.memref_slice %arg2[%dma_start3A_11, %dma_start3A_12] : memref<10000x128xf32, #tpu.memory_space<hbm>> -> memref<10000x128xf32, #tpu.memory_space<hbm>>
    tpu.enqueue_indirect_dma source(%dma_start3A_13 : memref<10000x128xf32, #tpu.memory_space<hbm>>) target(%arg11 : memref<128x128xf32, #tpu.memory_space<vmem>>) offsets(%dma_start3A_10 : memref<128xi32, #tpu.memory_space<vmem>>) semaphore(%arg13 : memref<!tpu.dma_semaphore, #tpu.memory_space<semaphore_mem>>)
    %scan3A = arith.constant 0 : i32
    %scan3A_14 = arith.constant 0 : i32
    %scan3A_15 = arith.constant 20 : i32
    %scan3A_16 = arith.addi %scan3A_14, %scan3A_15 : i32
    %scan3A_17 = arith.constant 1 : i32
    scf.for %scan3A_43 = %scan3A_14 to %scan3A_16 step %scan3A_17  : i32 {
      %mul3A_44 = arith.constant 2 : i32
      %mul3A_45 = arith.muli %mul3A_44, %scan3A_43 : i32
      %add3A_46 = arith.constant 1 : i32
      %add3A_47 = arith.addi %mul3A_45, %add3A_46 : i32
      %dma_start3A_48 = arith.constant 0 : i32
      %dma_start3A_49 = tpu.memref_slice %arg9[%add3A_47, %dma_start3A_48] : memref<40x128xi32, #tpu.memory_space<vmem>> -> memref<1x128xi32, #tpu.memory_space<vmem>>
      %dma_start3A_50 = tpu.memref_squeeze %dma_start3A_49 : memref<1x128xi32, #tpu.memory_space<vmem>> -> memref<128xi32, #tpu.memory_space<vmem>>
      %dma_start3A_51 = arith.constant 0 : i32
      %dma_start3A_52 = arith.constant 0 : i32
      %dma_start3A_53 = tpu.memref_slice %arg2[%dma_start3A_51, %dma_start3A_52] : memref<10000x128xf32, #tpu.memory_space<hbm>> -> memref<10000x128xf32, #tpu.memory_space<hbm>>
      tpu.enqueue_indirect_dma source(%dma_start3A_53 : memref<10000x128xf32, #tpu.memory_space<hbm>>) target(%arg12 : memref<128x128xf32, #tpu.memory_space<vmem>>) offsets(%dma_start3A_50 : memref<128xi32, #tpu.memory_space<vmem>>) semaphore(%arg14 : memref<!tpu.dma_semaphore, #tpu.memory_space<semaphore_mem>>)
      %dma_wait3A = arith.constant 0 : i32
      %dma_wait3A_54 = tpu.memref_slice %arg9[%mul3A_45, %dma_wait3A] : memref<40x128xi32, #tpu.memory_space<vmem>> -> memref<1x128xi32, #tpu.memory_space<vmem>>
      %dma_wait3A_55 = tpu.memref_squeeze %dma_wait3A_54 : memref<1x128xi32, #tpu.memory_space<vmem>> -> memref<128xi32, #tpu.memory_space<vmem>>
      %dma_wait3A_56 = arith.constant 0 : i32
      %dma_wait3A_57 = arith.constant 0 : i32
      %dma_wait3A_58 = tpu.memref_slice %arg2[%dma_wait3A_56, %dma_wait3A_57] : memref<10000x128xf32, #tpu.memory_space<hbm>> -> memref<10000x128xf32, #tpu.memory_space<hbm>>
      tpu.wait_indirect_dma semaphore(%arg13 : memref<!tpu.dma_semaphore, #tpu.memory_space<semaphore_mem>>) src(%dma_wait3A_58 : memref<10000x128xf32, #tpu.memory_space<hbm>>) dst(%arg11 : memref<128x128xf32, #tpu.memory_space<vmem>>)
      "tpu.region"() ({
        %run_scoped3A = tpu.sem_alloc : memref<!tpu.dma_semaphore, #tpu.memory_space<semaphore_mem>>
        %dma_start3A_71 = arith.constant 0 : i32
        %dma_start3A_72 = tpu.memref_slice %arg10[%mul3A_45, %dma_start3A_71] : memref<40x128xi32, #tpu.memory_space<vmem>> -> memref<1x128xi32, #tpu.memory_space<vmem>>
        %dma_start3A_73 = tpu.memref_squeeze %dma_start3A_72 : memref<1x128xi32, #tpu.memory_space<vmem>> -> memref<128xi32, #tpu.memory_space<vmem>>
        %dma_start3A_74 = arith.constant 0 : i32
        %dma_start3A_75 = arith.constant 0 : i32
        %dma_start3A_76 = tpu.memref_slice %arg8[%dma_start3A_74, %dma_start3A_75] : memref<10136x128xf32, #tpu.memory_space<vmem_shared>> -> memref<10136x128xf32, #tpu.memory_space<vmem_shared>>
        tpu.enqueue_indirect_dma source(%arg11 : memref<128x128xf32, #tpu.memory_space<vmem>>) target(%dma_start3A_76 : memref<10136x128xf32, #tpu.memory_space<vmem_shared>>) offsets(%dma_start3A_73 : memref<128xi32, #tpu.memory_space<vmem>>) semaphore(%run_scoped3A : memref<!tpu.dma_semaphore, #tpu.memory_space<semaphore_mem>>) {add = true}
        %dma_wait3A_77 = arith.constant 0 : i32
        %dma_wait3A_78 = tpu.memref_slice %arg10[%mul3A_45, %dma_wait3A_77] : memref<40x128xi32, #tpu.memory_space<vmem>> -> memref<1x128xi32, #tpu.memory_space<vmem>>
        %dma_wait3A_79 = tpu.memref_squeeze %dma_wait3A_78 : memref<1x128xi32, #tpu.memory_space<vmem>> -> memref<128xi32, #tpu.memory_space<vmem>>
        %dma_wait3A_80 = arith.constant 0 : i32
        %dma_wait3A_81 = arith.constant 0 : i32
        %dma_wait3A_82 = tpu.memref_slice %arg8[%dma_wait3A_80, %dma_wait3A_81] : memref<10136x128xf32, #tpu.memory_space<vmem_shared>> -> memref<10136x128xf32, #tpu.memory_space<vmem_shared>>
        tpu.wait_indirect_dma semaphore(%run_scoped3A : memref<!tpu.dma_semaphore, #tpu.memory_space<semaphore_mem>>) src(%arg11 : memref<128x128xf32, #tpu.memory_space<vmem>>) dst(%dma_wait3A_82 : memref<10136x128xf32, #tpu.memory_space<vmem_shared>>)
        tpu.yield
      }) : () -> ()
      %add3A_59 = arith.constant 1 : i32
      %add3A_60 = arith.addi %scan3A_43, %add3A_59 : i32
      %lt3A = arith.constant 20 : i32
      %lt3A_61 = arith.cmpi slt, %add3A_60, %lt3A : i32
      %convert_element_type3A_62 = arith.extui %lt3A_61 : i1 to i32
      %cond3A_63 = arith.constant 0 : i32
      %cond3A_64 = arith.cmpi ne, %convert_element_type3A_62, %cond3A_63 : i32
      scf.if %cond3A_64 {
        %add3A_71 = arith.constant 2 : i32
        %add3A_72 = arith.addi %mul3A_45, %add3A_71 : i32
        %dma_start3A_73 = arith.constant 0 : i32
        %dma_start3A_74 = tpu.memref_slice %arg9[%add3A_72, %dma_start3A_73] : memref<40x128xi32, #tpu.memory_space<vmem>> -> memref<1x128xi32, #tpu.memory_space<vmem>>
        %dma_start3A_75 = tpu.memref_squeeze %dma_start3A_74 : memref<1x128xi32, #tpu.memory_space<vmem>> -> memref<128xi32, #tpu.memory_space<vmem>>
        %dma_start3A_76 = arith.constant 0 : i32
        %dma_start3A_77 = arith.constant 0 : i32
        %dma_start3A_78 = tpu.memref_slice %arg2[%dma_start3A_76, %dma_start3A_77] : memref<10000x128xf32, #tpu.memory_space<hbm>> -> memref<10000x128xf32, #tpu.memory_space<hbm>>
        tpu.enqueue_indirect_dma source(%dma_start3A_78 : memref<10000x128xf32, #tpu.memory_space<hbm>>) target(%arg11 : memref<128x128xf32, #tpu.memory_space<vmem>>) offsets(%dma_start3A_75 : memref<128xi32, #tpu.memory_space<vmem>>) semaphore(%arg13 : memref<!tpu.dma_semaphore, #tpu.memory_space<semaphore_mem>>)
      } else {
      }
      %dma_wait3A_65 = arith.constant 0 : i32
      %dma_wait3A_66 = tpu.memref_slice %arg9[%add3A_47, %dma_wait3A_65] : memref<40x128xi32, #tpu.memory_space<vmem>> -> memref<1x128xi32, #tpu.memory_space<vmem>>
      %dma_wait3A_67 = tpu.memref_squeeze %dma_wait3A_66 : memref<1x128xi32, #tpu.memory_space<vmem>> -> memref<128xi32, #tpu.memory_space<vmem>>
      %dma_wait3A_68 = arith.constant 0 : i32
      %dma_wait3A_69 = arith.constant 0 : i32
      %dma_wait3A_70 = tpu.memref_slice %arg2[%dma_wait3A_68, %dma_wait3A_69] : memref<10000x128xf32, #tpu.memory_space<hbm>> -> memref<10000x128xf32, #tpu.memory_space<hbm>>
      tpu.wait_indirect_dma semaphore(%arg14 : memref<!tpu.dma_semaphore, #tpu.memory_space<semaphore_mem>>) src(%dma_wait3A_70 : memref<10000x128xf32, #tpu.memory_space<hbm>>) dst(%arg12 : memref<128x128xf32, #tpu.memory_space<vmem>>)
      "tpu.region"() ({
        %run_scoped3A = tpu.sem_alloc : memref<!tpu.dma_semaphore, #tpu.memory_space<semaphore_mem>>
        %dma_start3A_71 = arith.constant 0 : i32
        %dma_start3A_72 = tpu.memref_slice %arg10[%add3A_47, %dma_start3A_71] : memref<40x128xi32, #tpu.memory_space<vmem>> -> memref<1x128xi32, #tpu.memory_space<vmem>>
        %dma_start3A_73 = tpu.memref_squeeze %dma_start3A_72 : memref<1x128xi32, #tpu.memory_space<vmem>> -> memref<128xi32, #tpu.memory_space<vmem>>
        %dma_start3A_74 = arith.constant 0 : i32
        %dma_start3A_75 = arith.constant 0 : i32
        %dma_start3A_76 = tpu.memref_slice %arg8[%dma_start3A_74, %dma_start3A_75] : memref<10136x128xf32, #tpu.memory_space<vmem_shared>> -> memref<10136x128xf32, #tpu.memory_space<vmem_shared>>
        tpu.enqueue_indirect_dma source(%arg12 : memref<128x128xf32, #tpu.memory_space<vmem>>) target(%dma_start3A_76 : memref<10136x128xf32, #tpu.memory_space<vmem_shared>>) offsets(%dma_start3A_73 : memref<128xi32, #tpu.memory_space<vmem>>) semaphore(%run_scoped3A : memref<!tpu.dma_semaphore, #tpu.memory_space<semaphore_mem>>) {add = true}
        %dma_wait3A_77 = arith.constant 0 : i32
        %dma_wait3A_78 = tpu.memref_slice %arg10[%add3A_47, %dma_wait3A_77] : memref<40x128xi32, #tpu.memory_space<vmem>> -> memref<1x128xi32, #tpu.memory_space<vmem>>
        %dma_wait3A_79 = tpu.memref_squeeze %dma_wait3A_78 : memref<1x128xi32, #tpu.memory_space<vmem>> -> memref<128xi32, #tpu.memory_space<vmem>>
        %dma_wait3A_80 = arith.constant 0 : i32
        %dma_wait3A_81 = arith.constant 0 : i32
        %dma_wait3A_82 = tpu.memref_slice %arg8[%dma_wait3A_80, %dma_wait3A_81] : memref<10136x128xf32, #tpu.memory_space<vmem_shared>> -> memref<10136x128xf32, #tpu.memory_space<vmem_shared>>
        tpu.wait_indirect_dma semaphore(%run_scoped3A : memref<!tpu.dma_semaphore, #tpu.memory_space<semaphore_mem>>) src(%arg12 : memref<128x128xf32, #tpu.memory_space<vmem>>) dst(%dma_wait3A_82 : memref<10136x128xf32, #tpu.memory_space<vmem_shared>>)
        tpu.yield
      }) : () -> ()
    }
    %scan3A_18 = arith.constant 20 : i32
    %add3A_19 = arith.constant 40 : i32
    %add3A_20 = arith.addi %mul3A_5, %add3A_19 : i32
    "tpu.region"() ({
      %run_scoped3A = tpu.sem_alloc : memref<!tpu.dma_semaphore, #tpu.memory_space<semaphore_mem>>
      %dma_start3A_43 = arith.constant 0 : i32
      %dma_start3A_44 = tpu.memref_slice %arg3[%add3A_20, %dma_start3A_43] : memref<2560x128xi32, #tpu.memory_space<hbm>> -> memref<40x128xi32, #tpu.memory_space<hbm>>
      %dma_start3A_45 = arith.constant 0 : i32
      %dma_start3A_46 = tpu.memref_slice %arg3[%add3A_20, %dma_start3A_45] : memref<2560x128xi32, #tpu.memory_space<hbm>> -> memref<40x128xi32, #tpu.memory_space<hbm>>
      tpu.enqueue_dma source(%dma_start3A_46 : memref<40x128xi32, #tpu.memory_space<hbm>>) target(%arg9 : memref<40x128xi32, #tpu.memory_space<vmem>>) target_semaphore(%run_scoped3A : memref<!tpu.dma_semaphore, #tpu.memory_space<semaphore_mem>>)
      %dma_wait3A = arith.constant 0 : i32
      %dma_wait3A_47 = tpu.memref_slice %arg3[%add3A_20, %dma_wait3A] : memref<2560x128xi32, #tpu.memory_space<hbm>> -> memref<40x128xi32, #tpu.memory_space<hbm>>
      %dma_wait3A_48 = arith.constant 0 : i32
      %dma_wait3A_49 = tpu.memref_slice %arg3[%add3A_20, %dma_wait3A_48] : memref<2560x128xi32, #tpu.memory_space<hbm>> -> memref<40x128xi32, #tpu.memory_space<hbm>>
      tpu.wait_dma2 semaphore(%run_scoped3A : memref<!tpu.dma_semaphore, #tpu.memory_space<semaphore_mem>>) src(%dma_wait3A_49 : memref<40x128xi32, #tpu.memory_space<hbm>>) dst(%arg9 : memref<40x128xi32, #tpu.memory_space<vmem>>)
      tpu.yield
    }) : () -> ()
    "tpu.region"() ({
      %run_scoped3A = tpu.sem_alloc : memref<!tpu.dma_semaphore, #tpu.memory_space<semaphore_mem>>
      %dma_start3A_43 = arith.constant 0 : i32
      %dma_start3A_44 = tpu.memref_slice %arg4[%add3A_20, %dma_start3A_43] : memref<2560x128xi32, #tpu.memory_space<hbm>> -> memref<40x128xi32, #tpu.memory_space<hbm>>
      %dma_start3A_45 = arith.constant 0 : i32
      %dma_start3A_46 = tpu.memref_slice %arg4[%add3A_20, %dma_start3A_45] : memref<2560x128xi32, #tpu.memory_space<hbm>> -> memref<40x128xi32, #tpu.memory_space<hbm>>
      tpu.enqueue_dma source(%dma_start3A_46 : memref<40x128xi32, #tpu.memory_space<hbm>>) target(%arg10 : memref<40x128xi32, #tpu.memory_space<vmem>>) target_semaphore(%run_scoped3A : memref<!tpu.dma_semaphore, #tpu.memory_space<semaphore_mem>>)
      %dma_wait3A = arith.constant 0 : i32
      %dma_wait3A_47 = tpu.memref_slice %arg4[%add3A_20, %dma_wait3A] : memref<2560x128xi32, #tpu.memory_space<hbm>> -> memref<40x128xi32, #tpu.memory_space<hbm>>
      %dma_wait3A_48 = arith.constant 0 : i32
      %dma_wait3A_49 = tpu.memref_slice %arg4[%add3A_20, %dma_wait3A_48] : memref<2560x128xi32, #tpu.memory_space<hbm>> -> memref<40x128xi32, #tpu.memory_space<hbm>>
      tpu.wait_dma2 semaphore(%run_scoped3A : memref<!tpu.dma_semaphore, #tpu.memory_space<semaphore_mem>>) src(%dma_wait3A_49 : memref<40x128xi32, #tpu.memory_space<hbm>>) dst(%arg10 : memref<40x128xi32, #tpu.memory_space<vmem>>)
      tpu.yield
    }) : () -> ()
    %dma_start3A_21 = arith.constant 0 : i32
    %dma_start3A_22 = arith.constant 0 : i32
    %dma_start3A_23 = tpu.memref_slice %arg9[%dma_start3A_21, %dma_start3A_22] : memref<40x128xi32, #tpu.memory_space<vmem>> -> memref<1x128xi32, #tpu.memory_space<vmem>>
    %dma_start3A_24 = tpu.memref_squeeze %dma_start3A_23 : memref<1x128xi32, #tpu.memory_space<vmem>> -> memref<128xi32, #tpu.memory_space<vmem>>
    %dma_start3A_25 = arith.constant 0 : i32
    %dma_start3A_26 = arith.constant 0 : i32
    %dma_start3A_27 = tpu.memref_slice %arg2[%dma_start3A_25, %dma_start3A_26] : memref<10000x128xf32, #tpu.memory_space<hbm>> -> memref<10000x128xf32, #tpu.memory_space<hbm>>
    tpu.enqueue_indirect_dma source(%dma_start3A_27 : memref<10000x128xf32, #tpu.memory_space<hbm>>) target(%arg11 : memref<128x128xf32, #tpu.memory_space<vmem>>) offsets(%dma_start3A_24 : memref<128xi32, #tpu.memory_space<vmem>>) semaphore(%arg13 : memref<!tpu.dma_semaphore, #tpu.memory_space<semaphore_mem>>)
    %scan3A_28 = arith.constant 0 : i32
    %scan3A_29 = arith.constant 0 : i32
    %scan3A_30 = arith.constant 20 : i32
    %scan3A_31 = arith.addi %scan3A_29, %scan3A_30 : i32
    %scan3A_32 = arith.constant 1 : i32
    scf.for %scan3A_43 = %scan3A_29 to %scan3A_31 step %scan3A_32  : i32 {
      %mul3A_44 = arith.constant 2 : i32
      %mul3A_45 = arith.muli %mul3A_44, %scan3A_43 : i32
      %add3A_46 = arith.constant 1 : i32
      %add3A_47 = arith.addi %mul3A_45, %add3A_46 : i32
      %dma_start3A_48 = arith.constant 0 : i32
      %dma_start3A_49 = tpu.memref_slice %arg9[%add3A_47, %dma_start3A_48] : memref<40x128xi32, #tpu.memory_space<vmem>> -> memref<1x128xi32, #tpu.memory_space<vmem>>
      %dma_start3A_50 = tpu.memref_squeeze %dma_start3A_49 : memref<1x128xi32, #tpu.memory_space<vmem>> -> memref<128xi32, #tpu.memory_space<vmem>>
      %dma_start3A_51 = arith.constant 0 : i32
      %dma_start3A_52 = arith.constant 0 : i32
      %dma_start3A_53 = tpu.memref_slice %arg2[%dma_start3A_51, %dma_start3A_52] : memref<10000x128xf32, #tpu.memory_space<hbm>> -> memref<10000x128xf32, #tpu.memory_space<hbm>>
      tpu.enqueue_indirect_dma source(%dma_start3A_53 : memref<10000x128xf32, #tpu.memory_space<hbm>>) target(%arg12 : memref<128x128xf32, #tpu.memory_space<vmem>>) offsets(%dma_start3A_50 : memref<128xi32, #tpu.memory_space<vmem>>) semaphore(%arg14 : memref<!tpu.dma_semaphore, #tpu.memory_space<semaphore_mem>>)
      %dma_wait3A = arith.constant 0 : i32
      %dma_wait3A_54 = tpu.memref_slice %arg9[%mul3A_45, %dma_wait3A] : memref<40x128xi32, #tpu.memory_space<vmem>> -> memref<1x128xi32, #tpu.memory_space<vmem>>
      %dma_wait3A_55 = tpu.memref_squeeze %dma_wait3A_54 : memref<1x128xi32, #tpu.memory_space<vmem>> -> memref<128xi32, #tpu.memory_space<vmem>>
      %dma_wait3A_56 = arith.constant 0 : i32
      %dma_wait3A_57 = arith.constant 0 : i32
      %dma_wait3A_58 = tpu.memref_slice %arg2[%dma_wait3A_56, %dma_wait3A_57] : memref<10000x128xf32, #tpu.memory_space<hbm>> -> memref<10000x128xf32, #tpu.memory_space<hbm>>
      tpu.wait_indirect_dma semaphore(%arg13 : memref<!tpu.dma_semaphore, #tpu.memory_space<semaphore_mem>>) src(%dma_wait3A_58 : memref<10000x128xf32, #tpu.memory_space<hbm>>) dst(%arg11 : memref<128x128xf32, #tpu.memory_space<vmem>>)
      "tpu.region"() ({
        %run_scoped3A = tpu.sem_alloc : memref<!tpu.dma_semaphore, #tpu.memory_space<semaphore_mem>>
        %dma_start3A_71 = arith.constant 0 : i32
        %dma_start3A_72 = tpu.memref_slice %arg10[%mul3A_45, %dma_start3A_71] : memref<40x128xi32, #tpu.memory_space<vmem>> -> memref<1x128xi32, #tpu.memory_space<vmem>>
        %dma_start3A_73 = tpu.memref_squeeze %dma_start3A_72 : memref<1x128xi32, #tpu.memory_space<vmem>> -> memref<128xi32, #tpu.memory_space<vmem>>
        %dma_start3A_74 = arith.constant 0 : i32
        %dma_start3A_75 = arith.constant 0 : i32
        %dma_start3A_76 = tpu.memref_slice %arg8[%dma_start3A_74, %dma_start3A_75] : memref<10136x128xf32, #tpu.memory_space<vmem_shared>> -> memref<10136x128xf32, #tpu.memory_space<vmem_shared>>
        tpu.enqueue_indirect_dma source(%arg11 : memref<128x128xf32, #tpu.memory_space<vmem>>) target(%dma_start3A_76 : memref<10136x128xf32, #tpu.memory_space<vmem_shared>>) offsets(%dma_start3A_73 : memref<128xi32, #tpu.memory_space<vmem>>) semaphore(%run_scoped3A : memref<!tpu.dma_semaphore, #tpu.memory_space<semaphore_mem>>) {add = true}
        %dma_wait3A_77 = arith.constant 0 : i32
        %dma_wait3A_78 = tpu.memref_slice %arg10[%mul3A_45, %dma_wait3A_77] : memref<40x128xi32, #tpu.memory_space<vmem>> -> memref<1x128xi32, #tpu.memory_space<vmem>>
        %dma_wait3A_79 = tpu.memref_squeeze %dma_wait3A_78 : memref<1x128xi32, #tpu.memory_space<vmem>> -> memref<128xi32, #tpu.memory_space<vmem>>
        %dma_wait3A_80 = arith.constant 0 : i32
        %dma_wait3A_81 = arith.constant 0 : i32
        %dma_wait3A_82 = tpu.memref_slice %arg8[%dma_wait3A_80, %dma_wait3A_81] : memref<10136x128xf32, #tpu.memory_space<vmem_shared>> -> memref<10136x128xf32, #tpu.memory_space<vmem_shared>>
        tpu.wait_indirect_dma semaphore(%run_scoped3A : memref<!tpu.dma_semaphore, #tpu.memory_space<semaphore_mem>>) src(%arg11 : memref<128x128xf32, #tpu.memory_space<vmem>>) dst(%dma_wait3A_82 : memref<10136x128xf32, #tpu.memory_space<vmem_shared>>)
        tpu.yield
      }) : () -> ()
      %add3A_59 = arith.constant 1 : i32
      %add3A_60 = arith.addi %scan3A_43, %add3A_59 : i32
      %lt3A = arith.constant 20 : i32
      %lt3A_61 = arith.cmpi slt, %add3A_60, %lt3A : i32
      %convert_element_type3A_62 = arith.extui %lt3A_61 : i1 to i32
      %cond3A_63 = arith.constant 0 : i32
      %cond3A_64 = arith.cmpi ne, %convert_element_type3A_62, %cond3A_63 : i32
      scf.if %cond3A_64 {
        %add3A_71 = arith.constant 2 : i32
        %add3A_72 = arith.addi %mul3A_45, %add3A_71 : i32
        %dma_start3A_73 = arith.constant 0 : i32
        %dma_start3A_74 = tpu.memref_slice %arg9[%add3A_72, %dma_start3A_73] : memref<40x128xi32, #tpu.memory_space<vmem>> -> memref<1x128xi32, #tpu.memory_space<vmem>>
        %dma_start3A_75 = tpu.memref_squeeze %dma_start3A_74 : memref<1x128xi32, #tpu.memory_space<vmem>> -> memref<128xi32, #tpu.memory_space<vmem>>
        %dma_start3A_76 = arith.constant 0 : i32
        %dma_start3A_77 = arith.constant 0 : i32
        %dma_start3A_78 = tpu.memref_slice %arg2[%dma_start3A_76, %dma_start3A_77] : memref<10000x128xf32, #tpu.memory_space<hbm>> -> memref<10000x128xf32, #tpu.memory_space<hbm>>
        tpu.enqueue_indirect_dma source(%dma_start3A_78 : memref<10000x128xf32, #tpu.memory_space<hbm>>) target(%arg11 : memref<128x128xf32, #tpu.memory_space<vmem>>) offsets(%dma_start3A_75 : memref<128xi32, #tpu.memory_space<vmem>>) semaphore(%arg13 : memref<!tpu.dma_semaphore, #tpu.memory_space<semaphore_mem>>)
      } else {
      }
      %dma_wait3A_65 = arith.constant 0 : i32
      %dma_wait3A_66 = tpu.memref_slice %arg9[%add3A_47, %dma_wait3A_65] : memref<40x128xi32, #tpu.memory_space<vmem>> -> memref<1x128xi32, #tpu.memory_space<vmem>>
      %dma_wait3A_67 = tpu.memref_squeeze %dma_wait3A_66 : memref<1x128xi32, #tpu.memory_space<vmem>> -> memref<128xi32, #tpu.memory_space<vmem>>
      %dma_wait3A_68 = arith.constant 0 : i32
      %dma_wait3A_69 = arith.constant 0 : i32
      %dma_wait3A_70 = tpu.memref_slice %arg2[%dma_wait3A_68, %dma_wait3A_69] : memref<10000x128xf32, #tpu.memory_space<hbm>> -> memref<10000x128xf32, #tpu.memory_space<hbm>>
      tpu.wait_indirect_dma semaphore(%arg14 : memref<!tpu.dma_semaphore, #tpu.memory_space<semaphore_mem>>) src(%dma_wait3A_70 : memref<10000x128xf32, #tpu.memory_space<hbm>>) dst(%arg12 : memref<128x128xf32, #tpu.memory_space<vmem>>)
      "tpu.region"() ({
        %run_scoped3A = tpu.sem_alloc : memref<!tpu.dma_semaphore, #tpu.memory_space<semaphore_mem>>
        %dma_start3A_71 = arith.constant 0 : i32
        %dma_start3A_72 = tpu.memref_slice %arg10[%add3A_47, %dma_start3A_71] : memref<40x128xi32, #tpu.memory_space<vmem>> -> memref<1x128xi32, #tpu.memory_space<vmem>>
        %dma_start3A_73 = tpu.memref_squeeze %dma_start3A_72 : memref<1x128xi32, #tpu.memory_space<vmem>> -> memref<128xi32, #tpu.memory_space<vmem>>
        %dma_start3A_74 = arith.constant 0 : i32
        %dma_start3A_75 = arith.constant 0 : i32
        %dma_start3A_76 = tpu.memref_slice %arg8[%dma_start3A_74, %dma_start3A_75] : memref<10136x128xf32, #tpu.memory_space<vmem_shared>> -> memref<10136x128xf32, #tpu.memory_space<vmem_shared>>
        tpu.enqueue_indirect_dma source(%arg12 : memref<128x128xf32, #tpu.memory_space<vmem>>) target(%dma_start3A_76 : memref<10136x128xf32, #tpu.memory_space<vmem_shared>>) offsets(%dma_start3A_73 : memref<128xi32, #tpu.memory_space<vmem>>) semaphore(%run_scoped3A : memref<!tpu.dma_semaphore, #tpu.memory_space<semaphore_mem>>) {add = true}
        %dma_wait3A_77 = arith.constant 0 : i32
        %dma_wait3A_78 = tpu.memref_slice %arg10[%add3A_47, %dma_wait3A_77] : memref<40x128xi32, #tpu.memory_space<vmem>> -> memref<1x128xi32, #tpu.memory_space<vmem>>
        %dma_wait3A_79 = tpu.memref_squeeze %dma_wait3A_78 : memref<1x128xi32, #tpu.memory_space<vmem>> -> memref<128xi32, #tpu.memory_space<vmem>>
        %dma_wait3A_80 = arith.constant 0 : i32
        %dma_wait3A_81 = arith.constant 0 : i32
        %dma_wait3A_82 = tpu.memref_slice %arg8[%dma_wait3A_80, %dma_wait3A_81] : memref<10136x128xf32, #tpu.memory_space<vmem_shared>> -> memref<10136x128xf32, #tpu.memory_space<vmem_shared>>
        tpu.wait_indirect_dma semaphore(%run_scoped3A : memref<!tpu.dma_semaphore, #tpu.memory_space<semaphore_mem>>) src(%arg12 : memref<128x128xf32, #tpu.memory_space<vmem>>) dst(%dma_wait3A_82 : memref<10136x128xf32, #tpu.memory_space<vmem_shared>>)
        tpu.yield
      }) : () -> ()
    }
    %scan3A_33 = arith.constant 20 : i32
    %barrier3A_34 = arith.constant 0 : index
    tpu.barrier barrier_id(%barrier3A_34)
    %eq3A_35 = arith.constant 0 : i32
    %eq3A_36 = arith.cmpi eq, %arg0, %eq3A_35 : i32
    %convert_element_type3A = arith.extui %eq3A_36 : i1 to i32
    %cond3A = arith.constant 0 : i32
    %cond3A_37 = arith.cmpi ne, %convert_element_type3A, %cond3A : i32
    scf.if %cond3A_37 {
      %eq3A_43 = arith.constant 15 : i32
      %eq3A_44 = arith.cmpi eq, %arg1, %eq3A_43 : i32
      %mul3A_45 = arith.constant 632 : i32
      %mul3A_46 = arith.muli %arg1, %mul3A_45 : i32
      %jit3A_47 = arith.constant 9368 : i32
      %select_n3A_48 = arith.select %eq3A_44, %jit3A_47, %mul3A_46 : i32
      %multiple_of3A_49 = tpu.assume_multiple %select_n3A_48, 8 : i32
      "tpu.region"() ({
        %run_scoped3A = tpu.sem_alloc : memref<!tpu.dma_semaphore, #tpu.memory_space<semaphore_mem>>
        %dma_start3A_50 = arith.constant 0 : i32
        %dma_start3A_51 = tpu.memref_slice %arg6[%multiple_of3A_49, %dma_start3A_50] : memref<10000x128xf32, #tpu.memory_space<hbm>> -> memref<632x128xf32, #tpu.memory_space<hbm>>
        %dma_start3A_52 = arith.constant 0 : i32
        %dma_start3A_53 = tpu.memref_slice %arg8[%multiple_of3A_49, %dma_start3A_52] : memref<10136x128xf32, #tpu.memory_space<vmem_shared>> -> memref<632x128xf32, #tpu.memory_space<vmem_shared>>
        tpu.enqueue_dma source(%dma_start3A_53 : memref<632x128xf32, #tpu.memory_space<vmem_shared>>) target(%dma_start3A_51 : memref<632x128xf32, #tpu.memory_space<hbm>>) target_semaphore(%run_scoped3A : memref<!tpu.dma_semaphore, #tpu.memory_space<semaphore_mem>>)
        %dma_wait3A = arith.constant 0 : i32
        %dma_wait3A_54 = tpu.memref_slice %arg6[%multiple_of3A_49, %dma_wait3A] : memref<10000x128xf32, #tpu.memory_space<hbm>> -> memref<632x128xf32, #tpu.memory_space<hbm>>
        %dma_wait3A_55 = arith.constant 0 : i32
        %dma_wait3A_56 = tpu.memref_slice %arg8[%multiple_of3A_49, %dma_wait3A_55] : memref<10136x128xf32, #tpu.memory_space<vmem_shared>> -> memref<632x128xf32, #tpu.memory_space<vmem_shared>>
        tpu.wait_dma2 semaphore(%run_scoped3A : memref<!tpu.dma_semaphore, #tpu.memory_space<semaphore_mem>>) src(%dma_wait3A_56 : memref<632x128xf32, #tpu.memory_space<vmem_shared>>) dst(%dma_wait3A_54 : memref<632x128xf32, #tpu.memory_space<hbm>>)
        tpu.yield
      }) : () -> ()
    } else {
    }
    %eq3A_38 = arith.constant 1 : i32
    %eq3A_39 = arith.cmpi eq, %arg0, %eq3A_38 : i32
    %convert_element_type3A_40 = arith.extui %eq3A_39 : i1 to i32
    %cond3A_41 = arith.constant 0 : i32
    %cond3A_42 = arith.cmpi ne, %convert_element_type3A_40, %cond3A_41 : i32
    scf.if %cond3A_42 {
      %eq3A_43 = arith.constant 15 : i32
      %eq3A_44 = arith.cmpi eq, %arg1, %eq3A_43 : i32
      %mul3A_45 = arith.constant 632 : i32
      %mul3A_46 = arith.muli %arg1, %mul3A_45 : i32
      %jit3A_47 = arith.constant 9368 : i32
      %select_n3A_48 = arith.select %eq3A_44, %jit3A_47, %mul3A_46 : i32
      %multiple_of3A_49 = tpu.assume_multiple %select_n3A_48, 8 : i32
      "tpu.region"() ({
        %run_scoped3A = tpu.sem_alloc : memref<!tpu.dma_semaphore, #tpu.memory_space<semaphore_mem>>
        %dma_start3A_50 = arith.constant 0 : i32
        %dma_start3A_51 = tpu.memref_slice %arg7[%multiple_of3A_49, %dma_start3A_50] : memref<10000x128xf32, #tpu.memory_space<hbm>> -> memref<632x128xf32, #tpu.memory_space<hbm>>
        %dma_start3A_52 = arith.constant 0 : i32
        %dma_start3A_53 = tpu.memref_slice %arg8[%multiple_of3A_49, %dma_start3A_52] : memref<10136x128xf32, #tpu.memory_space<vmem_shared>> -> memref<632x128xf32, #tpu.memory_space<vmem_shared>>
        tpu.enqueue_dma source(%dma_start3A_53 : memref<632x128xf32, #tpu.memory_space<vmem_shared>>) target(%dma_start3A_51 : memref<632x128xf32, #tpu.memory_space<hbm>>) target_semaphore(%run_scoped3A : memref<!tpu.dma_semaphore, #tpu.memory_space<semaphore_mem>>)
        %dma_wait3A = arith.constant 0 : i32
        %dma_wait3A_54 = tpu.memref_slice %arg7[%multiple_of3A_49, %dma_wait3A] : memref<10000x128xf32, #tpu.memory_space<hbm>> -> memref<632x128xf32, #tpu.memory_space<hbm>>
        %dma_wait3A_55 = arith.constant 0 : i32
        %dma_wait3A_56 = tpu.memref_slice %arg8[%multiple_of3A_49, %dma_wait3A_55] : memref<10136x128xf32, #tpu.memory_space<vmem_shared>> -> memref<632x128xf32, #tpu.memory_space<vmem_shared>>
        tpu.wait_dma2 semaphore(%run_scoped3A : memref<!tpu.dma_semaphore, #tpu.memory_space<semaphore_mem>>) src(%dma_wait3A_56 : memref<632x128xf32, #tpu.memory_space<vmem_shared>>) dst(%dma_wait3A_54 : memref<632x128xf32, #tpu.memory_space<hbm>>)
        tpu.yield
      }) : () -> ()
    } else {
    }
    return
  }
}

module attributes {stable_mosaic.version = 14 : i64} {
  func.func @_mm_body(%arg0: i32, %arg1: memref<1000x128xf32, #tpu.memory_space<vmem>>, %arg2: memref<128x128xf32, #tpu.memory_space<vmem>>, %arg3: memref<1000x128xf32, #tpu.memory_space<vmem>>) attributes {dimension_semantics = [#tpu.dimension_semantics<arbitrary>], iteration_bounds = array<i64: 10>, scalar_prefetch = 0 : i64, scratch_operands = 0 : i64, tpu.core_type = #tpu.core_type<tc>, window_params = [{transform_indices = @transform_0, window_bounds = array<i64: 1000, 128>}, {pipeline_mode = #tpu.pipeline_mode<synchronous>, transform_indices = @transform_1, window_bounds = array<i64: 128, 128>}, {transform_indices = @transform_2, window_bounds = array<i64: 1000, 128>}]} {
    %get3A = arith.constant 0 : index
    %get3A_0 = arith.constant 0 : index
    %get3A_1 = vector.load %arg1[%get3A, %get3A_0] : memref<1000x128xf32, #tpu.memory_space<vmem>>, vector<1000x128xf32>
    %get3A_2 = arith.constant 0 : index
    %get3A_3 = arith.constant 0 : index
    %get3A_4 = vector.load %arg2[%get3A_2, %get3A_3] : memref<128x128xf32, #tpu.memory_space<vmem>>, vector<128x128xf32>
    %dot_general3A = arith.constant dense<0.000000e+00> : vector<1000x128xf32>
    %dot_general3A_5 = tpu.matmul %get3A_1, %get3A_4, %dot_general3A {dimension_numbers = #tpu.dot_dimension_numbers<[1], [0], [0], [1], [0, 0, 1, 1], [], []>, transpose_lhs_hint = false} : vector<1000x128xf32>, vector<128x128xf32>, vector<1000x128xf32> -> vector<1000x128xf32>
    %swap3A = arith.constant 0 : index
    %swap3A_6 = arith.constant 0 : index
    %swap3A_7 = vector.load %arg3[%swap3A, %swap3A_6] : memref<1000x128xf32, #tpu.memory_space<vmem>>, vector<1000x128xf32>
    tpu.vector_store %arg3[%swap3A, %swap3A_6], %dot_general3A_5 {strides = array<i32>} : memref<1000x128xf32, #tpu.memory_space<vmem>>, vector<1000x128xf32>,
    return
  }
  func.func @transform_0(%arg0: i32) -> (i32, i32) {
    %c0_i32 = arith.constant 0 : i32
    %c0_i32_0 = arith.constant 0 : i32
    return %arg0, %c0_i32 : i32, i32
  }
  func.func @transform_1(%arg0: i32) -> (i32, i32) {
    %c0_i32 = arith.constant 0 : i32
    %c0_i32_0 = arith.constant 0 : i32
    %c0_i32_1 = arith.constant 0 : i32
    return %c0_i32, %c0_i32_0 : i32, i32
  }
  func.func @transform_2(%arg0: i32) -> (i32, i32) {
    %c0_i32 = arith.constant 0 : i32
    %c0_i32_0 = arith.constant 0 : i32
    return %arg0, %c0_i32 : i32, i32
  }
}

module attributes {stable_mosaic.version = 14 : i64} {
  func.func @_wmix_body(%arg0: memref<128x128xf32, #tpu.memory_space<vmem>>, %arg1: memref<256x128xf32, #tpu.memory_space<vmem>>, %arg2: memref<128x128xf32, #tpu.memory_space<vmem>>, %arg3: memref<128x128xf32, #tpu.memory_space<vmem>>) attributes {dimension_semantics = [], scalar_prefetch = 0 : i64, scratch_operands = 0 : i64, tpu.core_type = #tpu.core_type<tc>} {
    %get3A = arith.constant 0 : index
    %get3A_0 = arith.constant 0 : index
    %get3A_1 = vector.load %arg0[%get3A, %get3A_0] : memref<128x128xf32, #tpu.memory_space<vmem>>, vector<128x128xf32>
    %get3A_2 = arith.constant 0 : index
    %get3A_3 = arith.constant 0 : index
    %get3A_4 = vector.load %arg1[%get3A_2, %get3A_3] : memref<256x128xf32, #tpu.memory_space<vmem>>, vector<128x128xf32>
    %dot_general3A = arith.constant dense<0.000000e+00> : vector<128x128xf32>
    %dot_general3A_5 = tpu.matmul %get3A_1, %get3A_4, %dot_general3A {dimension_numbers = #tpu.dot_dimension_numbers<[1], [0], [0], [1], [0, 0, 1, 1], [], []>, transpose_lhs_hint = false} : vector<128x128xf32>, vector<128x128xf32>, vector<128x128xf32> -> vector<128x128xf32>
    %swap3A = arith.constant 0 : index
    %swap3A_6 = arith.constant 0 : index
    %swap3A_7 = vector.load %arg2[%swap3A, %swap3A_6] : memref<128x128xf32, #tpu.memory_space<vmem>>, vector<128x128xf32>
    tpu.vector_store %arg2[%swap3A, %swap3A_6], %dot_general3A_5 {strides = array<i32>} : memref<128x128xf32, #tpu.memory_space<vmem>>, vector<128x128xf32>,
    %get3A_8 = arith.constant 0 : index
    %get3A_9 = arith.constant 0 : index
    %get3A_10 = vector.load %arg0[%get3A_8, %get3A_9] : memref<128x128xf32, #tpu.memory_space<vmem>>, vector<128x128xf32>
    %get3A_11 = arith.constant 128 : index
    %get3A_12 = arith.constant 0 : index
    %get3A_13 = vector.load %arg1[%get3A_11, %get3A_12] : memref<256x128xf32, #tpu.memory_space<vmem>>, vector<128x128xf32>
    %dot_general3A_14 = arith.constant dense<0.000000e+00> : vector<128x128xf32>
    %dot_general3A_15 = tpu.matmul %get3A_10, %get3A_13, %dot_general3A_14 {dimension_numbers = #tpu.dot_dimension_numbers<[1], [0], [0], [1], [0, 0, 1, 1], [], []>, transpose_lhs_hint = false} : vector<128x128xf32>, vector<128x128xf32>, vector<128x128xf32> -> vector<128x128xf32>
    %swap3A_16 = arith.constant 0 : index
    %swap3A_17 = arith.constant 0 : index
    %swap3A_18 = vector.load %arg3[%swap3A_16, %swap3A_17] : memref<128x128xf32, #tpu.memory_space<vmem>>, vector<128x128xf32>
    tpu.vector_store %arg3[%swap3A_16, %swap3A_17], %dot_general3A_15 {strides = array<i32>} : memref<128x128xf32, #tpu.memory_space<vmem>>, vector<128x128xf32>,
    return
  }
}

module attributes {stable_mosaic.version = 14 : i64} {
  func.func @_low_body(%arg0: i32, %arg1: i32, %arg2: memref<1000x128xf32, #tpu.memory_space<vmem>>, %arg3: memref<1000x128xf32, #tpu.memory_space<vmem>>, %arg4: memref<1000x128xf32, #tpu.memory_space<vmem>>, %arg5: memref<128x128xf32, #tpu.memory_space<vmem>>, %arg6: memref<1x128xf32, #tpu.memory_space<vmem>>, %arg7: memref<1x128xf32, #tpu.memory_space<vmem>>, %arg8: memref<1000x128xf32, #tpu.memory_space<vmem>>, %arg9: memref<1000x128xf32, #tpu.memory_space<vmem>>, %arg10: memref<1x128xf32, #tpu.memory_space<vmem>>, %arg11: memref<1x128xf32, #tpu.memory_space<vmem>>, %arg12: memref<2x128xf32, #tpu.memory_space<vmem>>) attributes {dimension_semantics = [#tpu.dimension_semantics<arbitrary>, #tpu.dimension_semantics<arbitrary>], iteration_bounds = array<i64: 2, 10>, scalar_prefetch = 0 : i64, scratch_operands = 3 : i64, tpu.core_type = #tpu.core_type<tc>, window_params = [{transform_indices = @transform_0, window_bounds = array<i64: 1000, 128>}, {transform_indices = @transform_1, window_bounds = array<i64: 1000, 128>}, {transform_indices = @transform_2, window_bounds = array<i64: 1000, 128>}, {pipeline_mode = #tpu.pipeline_mode<synchronous>, transform_indices = @transform_3, window_bounds = array<i64: 128, 128>}, {pipeline_mode = #tpu.pipeline_mode<synchronous>, transform_indices = @transform_4, window_bounds = array<i64: 1, 128>}, {pipeline_mode = #tpu.pipeline_mode<synchronous>, transform_indices = @transform_5, window_bounds = array<i64: 1, 128>}, {transform_indices = @transform_6, window_bounds = array<i64: 1000, 128>}, {transform_indices = @transform_7, window_bounds = array<i64: 1000, 128>}]} {
    %get3A = arith.constant 0 : index
    %get3A_0 = arith.constant 0 : index
    %get3A_1 = vector.load %arg2[%get3A, %get3A_0] : memref<1000x128xf32, #tpu.memory_space<vmem>>, vector<1000x128xf32>
    %get3A_2 = arith.constant 0 : index
    %get3A_3 = arith.constant 0 : index
    %get3A_4 = vector.load %arg3[%get3A_2, %get3A_3] : memref<1000x128xf32, #tpu.memory_space<vmem>>, vector<1000x128xf32>
    %add3A = arith.addf %get3A_1, %get3A_4 : vector<1000x128xf32>
    %get3A_5 = arith.constant 0 : index
    %get3A_6 = arith.constant 0 : index
    %get3A_7 = vector.load %arg4[%get3A_5, %get3A_6] : memref<1000x128xf32, #tpu.memory_space<vmem>>, vector<1000x128xf32>
    %add3A_8 = arith.addf %add3A, %get3A_7 : vector<1000x128xf32>
    %swap3A = arith.constant 0 : index
    %swap3A_9 = arith.constant 0 : index
    %swap3A_10 = vector.load %arg8[%swap3A, %swap3A_9] : memref<1000x128xf32, #tpu.memory_space<vmem>>, vector<1000x128xf32>
    tpu.vector_store %arg8[%swap3A, %swap3A_9], %add3A {strides = array<i32>} : memref<1000x128xf32, #tpu.memory_space<vmem>>, vector<1000x128xf32>,
    %eq3A = arith.constant 0 : i32
    %eq3A_11 = arith.cmpi eq, %arg0, %eq3A : i32
    %convert_element_type3A = arith.extui %eq3A_11 : i1 to i32
    %cond3A = arith.constant 0 : i32
    %cond3A_12 = arith.cmpi ne, %convert_element_type3A, %cond3A : i32
    scf.if %cond3A_12 {
      %eq3A_18 = arith.constant 0 : i32
      %eq3A_19 = arith.cmpi eq, %arg1, %eq3A_18 : i32
      %convert_element_type3A_20 = arith.extui %eq3A_19 : i1 to i32
      %cond3A_21 = arith.constant 0 : i32
      %cond3A_22 = arith.cmpi ne, %convert_element_type3A_20, %cond3A_21 : i32
      scf.if %cond3A_22 {
        %broadcast_in_dim3A_49 = arith.constant 0.000000e+00 : f32
        %broadcast_in_dim3A_50 = vector.broadcast %broadcast_in_dim3A_49 : f32 to vector<1x128xf32>
        %swap3A_51 = arith.constant 0 : index
        %swap3A_52 = arith.constant 0 : index
        %swap3A_53 = vector.load %arg10[%swap3A_51, %swap3A_52] : memref<1x128xf32, #tpu.memory_space<vmem>>, vector<1x128xf32>
        tpu.vector_store %arg10[%swap3A_51, %swap3A_52], %broadcast_in_dim3A_50 {strides = array<i32>} : memref<1x128xf32, #tpu.memory_space<vmem>>, vector<1x128xf32>,
        %broadcast_in_dim3A_54 = arith.constant 0.000000e+00 : f32
        %broadcast_in_dim3A_55 = vector.broadcast %broadcast_in_dim3A_54 : f32 to vector<1x128xf32>
        %swap3A_56 = arith.constant 0 : index
        %swap3A_57 = arith.constant 0 : index
        %swap3A_58 = vector.load %arg11[%swap3A_56, %swap3A_57] : memref<1x128xf32, #tpu.memory_space<vmem>>, vector<1x128xf32>
        tpu.vector_store %arg11[%swap3A_56, %swap3A_57], %broadcast_in_dim3A_55 {strides = array<i32>} : memref<1x128xf32, #tpu.memory_space<vmem>>, vector<1x128xf32>,
      } else {
      }
      %get3A_23 = arith.constant 0 : index
      %get3A_24 = arith.constant 0 : index
      %get3A_25 = vector.load %arg10[%get3A_23, %get3A_24] : memref<1x128xf32, #tpu.memory_space<vmem>>, vector<1x128xf32>
      %reduce_sum3A = arith.constant dense<0.000000e+00> : vector<128xf32>
      %reduce_sum3A_26 = vector.multi_reduction <add>, %add3A_8, %reduce_sum3A [0] : vector<1000x128xf32> to vector<128xf32>
      %broadcast_in_dim3A = vector.shape_cast %reduce_sum3A_26 : vector<128xf32> to vector<1x128xf32>
      %add3A_27 = arith.addf %get3A_25, %broadcast_in_dim3A : vector<1x128xf32>
      %swap3A_28 = arith.constant 0 : index
      %swap3A_29 = arith.constant 0 : index
      %swap3A_30 = vector.load %arg10[%swap3A_28, %swap3A_29] : memref<1x128xf32, #tpu.memory_space<vmem>>, vector<1x128xf32>
      tpu.vector_store %arg10[%swap3A_28, %swap3A_29], %add3A_27 {strides = array<i32>} : memref<1x128xf32, #tpu.memory_space<vmem>>, vector<1x128xf32>,
      %get3A_31 = arith.constant 0 : index
      %get3A_32 = arith.constant 0 : index
      %get3A_33 = vector.load %arg11[%get3A_31, %get3A_32] : memref<1x128xf32, #tpu.memory_space<vmem>>, vector<1x128xf32>
      %mul3A = arith.mulf %add3A_8, %add3A_8 : vector<1000x128xf32>
      %reduce_sum3A_34 = arith.constant dense<0.000000e+00> : vector<128xf32>
      %reduce_sum3A_35 = vector.multi_reduction <add>, %mul3A, %reduce_sum3A_34 [0] : vector<1000x128xf32> to vector<128xf32>
      %broadcast_in_dim3A_36 = vector.shape_cast %reduce_sum3A_35 : vector<128xf32> to vector<1x128xf32>
      %add3A_37 = arith.addf %get3A_33, %broadcast_in_dim3A_36 : vector<1x128xf32>
      %swap3A_38 = arith.constant 0 : index
      %swap3A_39 = arith.constant 0 : index
      %swap3A_40 = vector.load %arg11[%swap3A_38, %swap3A_39] : memref<1x128xf32, #tpu.memory_space<vmem>>, vector<1x128xf32>
      tpu.vector_store %arg11[%swap3A_38, %swap3A_39], %add3A_37 {strides = array<i32>} : memref<1x128xf32, #tpu.memory_space<vmem>>, vector<1x128xf32>,
      %swap3A_41 = arith.constant 0 : index
      %swap3A_42 = arith.constant 0 : index
      %swap3A_43 = vector.load %arg9[%swap3A_41, %swap3A_42] : memref<1000x128xf32, #tpu.memory_space<vmem>>, vector<1000x128xf32>
      tpu.vector_store %arg9[%swap3A_41, %swap3A_42], %add3A_8 {strides = array<i32>} : memref<1000x128xf32, #tpu.memory_space<vmem>>, vector<1000x128xf32>,
      %eq3A_44 = arith.constant 9 : i32
      %eq3A_45 = arith.cmpi eq, %arg1, %eq3A_44 : i32
      %convert_element_type3A_46 = arith.extui %eq3A_45 : i1 to i32
      %cond3A_47 = arith.constant 0 : i32
      %cond3A_48 = arith.cmpi ne, %convert_element_type3A_46, %cond3A_47 : i32
      scf.if %cond3A_48 {
        %get3A_49 = arith.constant 0 : index
        %get3A_50 = arith.constant 0 : index
        %get3A_51 = vector.load %arg10[%get3A_49, %get3A_50] : memref<1x128xf32, #tpu.memory_space<vmem>>, vector<1x128xf32>
        %div3A = arith.constant 1.000000e+04 : f32
        %div3A_52 = vector.broadcast %div3A : f32 to vector<1x128xf32>
        %div3A_53 = arith.divf %get3A_51, %div3A_52 : vector<1x128xf32>
        %get3A_54 = arith.constant 0 : index
        %get3A_55 = arith.constant 0 : index
        %get3A_56 = vector.load %arg11[%get3A_54, %get3A_55] : memref<1x128xf32, #tpu.memory_space<vmem>>, vector<1x128xf32>
        %div3A_57 = arith.constant 1.000000e+04 : f32
        %div3A_58 = vector.broadcast %div3A_57 : f32 to vector<1x128xf32>
        %div3A_59 = arith.divf %get3A_56, %div3A_58 : vector<1x128xf32>
        %mul3A_60 = arith.mulf %div3A_53, %div3A_53 : vector<1x128xf32>
        %sub3A = arith.subf %div3A_59, %mul3A_60 : vector<1x128xf32>
        %swap3A_61 = arith.constant 0 : index
        %swap3A_62 = arith.constant 0 : index
        %swap3A_63 = vector.load %arg12[%swap3A_61, %swap3A_62] : memref<2x128xf32, #tpu.memory_space<vmem>>, vector<1x128xf32>
        tpu.vector_store %arg12[%swap3A_61, %swap3A_62], %div3A_53 {strides = array<i32>} : memref<2x128xf32, #tpu.memory_space<vmem>>, vector<1x128xf32>,
        %get3A_64 = arith.constant 0 : index
        %get3A_65 = arith.constant 0 : index
        %get3A_66 = vector.load %arg6[%get3A_64, %get3A_65] : memref<1x128xf32, #tpu.memory_space<vmem>>, vector<1x128xf32>
        %add3A_67 = arith.constant 9.99999974E-6 : f32
        %add3A_68 = vector.broadcast %add3A_67 : f32 to vector<1x128xf32>
        %add3A_69 = arith.addf %sub3A, %add3A_68 : vector<1x128xf32>
        %rsqrt3A = math.rsqrt %add3A_69 : vector<1x128xf32>
        %mul3A_70 = arith.mulf %get3A_66, %rsqrt3A : vector<1x128xf32>
        %swap3A_71 = arith.constant 1 : index
        %swap3A_72 = arith.constant 0 : index
        %swap3A_73 = vector.load %arg12[%swap3A_71, %swap3A_72] : memref<2x128xf32, #tpu.memory_space<vmem>>, vector<1x128xf32>
        tpu.vector_store %arg12[%swap3A_71, %swap3A_72], %mul3A_70 {strides = array<i32>} : memref<2x128xf32, #tpu.memory_space<vmem>>, vector<1x128xf32>,
      } else {
      }
    } else {
    }
    %eq3A_13 = arith.constant 1 : i32
    %eq3A_14 = arith.cmpi eq, %arg0, %eq3A_13 : i32
    %convert_element_type3A_15 = arith.extui %eq3A_14 : i1 to i32
    %cond3A_16 = arith.constant 0 : i32
    %cond3A_17 = arith.cmpi ne, %convert_element_type3A_15, %cond3A_16 : i32
    scf.if %cond3A_17 {
      %get3A_18 = arith.constant 0 : index
      %get3A_19 = arith.constant 0 : index
      %get3A_20 = vector.load %arg12[%get3A_18, %get3A_19] : memref<2x128xf32, #tpu.memory_space<vmem>>, vector<1x128xf32>
      %sub3A = vector.broadcast %get3A_20 : vector<1x128xf32> to vector<1000x128xf32>
      %sub3A_21 = arith.subf %add3A_8, %sub3A : vector<1000x128xf32>
      %get3A_22 = arith.constant 1 : index
      %get3A_23 = arith.constant 0 : index
      %get3A_24 = vector.load %arg12[%get3A_22, %get3A_23] : memref<2x128xf32, #tpu.memory_space<vmem>>, vector<1x128xf32>
      %mul3A = vector.broadcast %get3A_24 : vector<1x128xf32> to vector<1000x128xf32>
      %mul3A_25 = arith.mulf %sub3A_21, %mul3A : vector<1000x128xf32>
      %get3A_26 = arith.constant 0 : index
      %get3A_27 = arith.constant 0 : index
      %get3A_28 = vector.load %arg7[%get3A_26, %get3A_27] : memref<1x128xf32, #tpu.memory_space<vmem>>, vector<1x128xf32>
      %add3A_29 = vector.broadcast %get3A_28 : vector<1x128xf32> to vector<1000x128xf32>
      %add3A_30 = arith.addf %mul3A_25, %add3A_29 : vector<1000x128xf32>
      %max3A = arith.constant 0.000000e+00 : f32
      %max3A_31 = vector.broadcast %max3A : f32 to vector<1000x128xf32>
      %max3A_32 = arith.maximumf %add3A_30, %max3A_31 : vector<1000x128xf32>
      %get3A_33 = arith.constant 0 : index
      %get3A_34 = arith.constant 0 : index
      %get3A_35 = vector.load %arg5[%get3A_33, %get3A_34] : memref<128x128xf32, #tpu.memory_space<vmem>>, vector<128x128xf32>
      %dot_general3A = arith.constant dense<0.000000e+00> : vector<1000x128xf32>
      %dot_general3A_36 = tpu.matmul %max3A_32, %get3A_35, %dot_general3A {dimension_numbers = #tpu.dot_dimension_numbers<[1], [0], [0], [1], [0, 0, 1, 1], [], []>, transpose_lhs_hint = false} : vector<1000x128xf32>, vector<128x128xf32>, vector<1000x128xf32> -> vector<1000x128xf32>
      %swap3A_37 = arith.constant 0 : index
      %swap3A_38 = arith.constant 0 : index
      %swap3A_39 = vector.load %arg9[%swap3A_37, %swap3A_38] : memref<1000x128xf32, #tpu.memory_space<vmem>>, vector<1000x128xf32>
      tpu.vector_store %arg9[%swap3A_37, %swap3A_38], %dot_general3A_36 {strides = array<i32>} : memref<1000x128xf32, #tpu.memory_space<vmem>>, vector<1000x128xf32>,
    } else {
    }
    return
  }
  func.func @transform_0(%arg0: i32, %arg1: i32) -> (i32, i32) {
    %c0_i32 = arith.constant 0 : i32
    %c0_i32_0 = arith.constant 0 : i32
    return %arg1, %c0_i32 : i32, i32
  }
  func.func @transform_1(%arg0: i32, %arg1: i32) -> (i32, i32) {
    %c0_i32 = arith.constant 0 : i32
    %c0_i32_0 = arith.constant 0 : i32
    return %arg1, %c0_i32 : i32, i32
  }
  func.func @transform_2(%arg0: i32, %arg1: i32) -> (i32, i32) {
    %c0_i32 = arith.constant 0 : i32
    %c0_i32_0 = arith.constant 0 : i32
    return %arg1, %c0_i32 : i32, i32
  }
  func.func @transform_3(%arg0: i32, %arg1: i32) -> (i32, i32) {
    %c0_i32 = arith.constant 0 : i32
    %c0_i32_0 = arith.constant 0 : i32
    %c0_i32_1 = arith.constant 0 : i32
    return %c0_i32, %c0_i32_0 : i32, i32
  }
  func.func @transform_4(%arg0: i32, %arg1: i32) -> (i32, i32) {
    %c0_i32 = arith.constant 0 : i32
    %c0_i32_0 = arith.constant 0 : i32
    %c0_i32_1 = arith.constant 0 : i32
    return %c0_i32, %c0_i32_0 : i32, i32
  }
  func.func @transform_5(%arg0: i32, %arg1: i32) -> (i32, i32) {
    %c0_i32 = arith.constant 0 : i32
    %c0_i32_0 = arith.constant 0 : i32
    %c0_i32_1 = arith.constant 0 : i32
    return %c0_i32, %c0_i32_0 : i32, i32
  }
  func.func @transform_6(%arg0: i32, %arg1: i32) -> (i32, i32) {
    %c0_i32 = arith.constant 0 : i32
    %c0_i32_0 = arith.constant 0 : i32
    return %arg1, %c0_i32 : i32, i32
  }
  func.func @transform_7(%arg0: i32, %arg1: i32) -> (i32, i32) {
    %c0_i32 = arith.constant 0 : i32
    %c0_i32_0 = arith.constant 0 : i32
    return %arg1, %c0_i32 : i32, i32
  }
}

module attributes {stable_mosaic.version = 14 : i64} {
  func.func @_mid_body(%arg0: i32, %arg1: i32, %arg2: memref<1000x128xf32, #tpu.memory_space<vmem>>, %arg3: memref<1000x128xf32, #tpu.memory_space<vmem>>, %arg4: memref<1000x128xf32, #tpu.memory_space<vmem>>, %arg5: memref<128x128xf32, #tpu.memory_space<vmem>>, %arg6: memref<1x128xf32, #tpu.memory_space<vmem>>, %arg7: memref<1x128xf32, #tpu.memory_space<vmem>>, %arg8: memref<1000x128xf32, #tpu.memory_space<vmem>>, %arg9: memref<1x128xf32, #tpu.memory_space<vmem>>, %arg10: memref<1000x128xf32, #tpu.memory_space<vmem>>, %arg11: memref<1000x128xf32, #tpu.memory_space<vmem>>, %arg12: memref<1x128xf32, #tpu.memory_space<vmem>>, %arg13: memref<1x128xf32, #tpu.memory_space<vmem>>, %arg14: memref<2x128xf32, #tpu.memory_space<vmem>>) attributes {dimension_semantics = [#tpu.dimension_semantics<arbitrary>, #tpu.dimension_semantics<arbitrary>], iteration_bounds = array<i64: 2, 10>, scalar_prefetch = 0 : i64, scratch_operands = 3 : i64, tpu.core_type = #tpu.core_type<tc>, window_params = [{transform_indices = @transform_0, window_bounds = array<i64: 1000, 128>}, {transform_indices = @transform_1, window_bounds = array<i64: 1000, 128>}, {transform_indices = @transform_2, window_bounds = array<i64: 1000, 128>}, {pipeline_mode = #tpu.pipeline_mode<synchronous>, transform_indices = @transform_3, window_bounds = array<i64: 128, 128>}, {pipeline_mode = #tpu.pipeline_mode<synchronous>, transform_indices = @transform_4, window_bounds = array<i64: 1, 128>}, {pipeline_mode = #tpu.pipeline_mode<synchronous>, transform_indices = @transform_5, window_bounds = array<i64: 1, 128>}, {transform_indices = @transform_6, window_bounds = array<i64: 1000, 128>}, {pipeline_mode = #tpu.pipeline_mode<synchronous>, transform_indices = @transform_7, window_bounds = array<i64: 1, 128>}, {transform_indices = @transform_8, window_bounds = array<i64: 1000, 128>}, {transform_indices = @transform_9, window_bounds = array<i64: 1000, 128>}]} {
    %get3A = arith.constant 0 : index
    %get3A_0 = arith.constant 0 : index
    %get3A_1 = vector.load %arg2[%get3A, %get3A_0] : memref<1000x128xf32, #tpu.memory_space<vmem>>, vector<1000x128xf32>
    %get3A_2 = arith.constant 0 : index
    %get3A_3 = arith.constant 0 : index
    %get3A_4 = vector.load %arg3[%get3A_2, %get3A_3] : memref<1000x128xf32, #tpu.memory_space<vmem>>, vector<1000x128xf32>
    %add3A = arith.addf %get3A_1, %get3A_4 : vector<1000x128xf32>
    %get3A_5 = arith.constant 0 : index
    %get3A_6 = arith.constant 0 : index
    %get3A_7 = vector.load %arg4[%get3A_5, %get3A_6] : memref<1000x128xf32, #tpu.memory_space<vmem>>, vector<1000x128xf32>
    %sub3A = arith.subf %add3A, %get3A_7 : vector<1000x128xf32>
    %eq3A = arith.constant 0 : i32
    %eq3A_8 = arith.cmpi eq, %arg0, %eq3A : i32
    %convert_element_type3A = arith.extui %eq3A_8 : i1 to i32
    %cond3A = arith.constant 0 : i32
    %cond3A_9 = arith.cmpi ne, %convert_element_type3A, %cond3A : i32
    scf.if %cond3A_9 {
      %eq3A_15 = arith.constant 0 : i32
      %eq3A_16 = arith.cmpi eq, %arg1, %eq3A_15 : i32
      %convert_element_type3A_17 = arith.extui %eq3A_16 : i1 to i32
      %cond3A_18 = arith.constant 0 : i32
      %cond3A_19 = arith.cmpi ne, %convert_element_type3A_17, %cond3A_18 : i32
      scf.if %cond3A_19 {
        %broadcast_in_dim3A_48 = arith.constant 0.000000e+00 : f32
        %broadcast_in_dim3A_49 = vector.broadcast %broadcast_in_dim3A_48 : f32 to vector<1x128xf32>
        %swap3A_50 = arith.constant 0 : index
        %swap3A_51 = arith.constant 0 : index
        %swap3A_52 = vector.load %arg12[%swap3A_50, %swap3A_51] : memref<1x128xf32, #tpu.memory_space<vmem>>, vector<1x128xf32>
        tpu.vector_store %arg12[%swap3A_50, %swap3A_51], %broadcast_in_dim3A_49 {strides = array<i32>} : memref<1x128xf32, #tpu.memory_space<vmem>>, vector<1x128xf32>,
        %broadcast_in_dim3A_53 = arith.constant 0.000000e+00 : f32
        %broadcast_in_dim3A_54 = vector.broadcast %broadcast_in_dim3A_53 : f32 to vector<1x128xf32>
        %swap3A_55 = arith.constant 0 : index
        %swap3A_56 = arith.constant 0 : index
        %swap3A_57 = vector.load %arg13[%swap3A_55, %swap3A_56] : memref<1x128xf32, #tpu.memory_space<vmem>>, vector<1x128xf32>
        tpu.vector_store %arg13[%swap3A_55, %swap3A_56], %broadcast_in_dim3A_54 {strides = array<i32>} : memref<1x128xf32, #tpu.memory_space<vmem>>, vector<1x128xf32>,
      } else {
      }
      %get3A_20 = arith.constant 0 : index
      %get3A_21 = arith.constant 0 : index
      %get3A_22 = vector.load %arg12[%get3A_20, %get3A_21] : memref<1x128xf32, #tpu.memory_space<vmem>>, vector<1x128xf32>
      %reduce_sum3A = arith.constant dense<0.000000e+00> : vector<128xf32>
      %reduce_sum3A_23 = vector.multi_reduction <add>, %sub3A, %reduce_sum3A [0] : vector<1000x128xf32> to vector<128xf32>
      %broadcast_in_dim3A = vector.shape_cast %reduce_sum3A_23 : vector<128xf32> to vector<1x128xf32>
      %add3A_24 = arith.addf %get3A_22, %broadcast_in_dim3A : vector<1x128xf32>
      %swap3A = arith.constant 0 : index
      %swap3A_25 = arith.constant 0 : index
      %swap3A_26 = vector.load %arg12[%swap3A, %swap3A_25] : memref<1x128xf32, #tpu.memory_space<vmem>>, vector<1x128xf32>
      tpu.vector_store %arg12[%swap3A, %swap3A_25], %add3A_24 {strides = array<i32>} : memref<1x128xf32, #tpu.memory_space<vmem>>, vector<1x128xf32>,
      %get3A_27 = arith.constant 0 : index
      %get3A_28 = arith.constant 0 : index
      %get3A_29 = vector.load %arg13[%get3A_27, %get3A_28] : memref<1x128xf32, #tpu.memory_space<vmem>>, vector<1x128xf32>
      %mul3A = arith.mulf %sub3A, %sub3A : vector<1000x128xf32>
      %reduce_sum3A_30 = arith.constant dense<0.000000e+00> : vector<128xf32>
      %reduce_sum3A_31 = vector.multi_reduction <add>, %mul3A, %reduce_sum3A_30 [0] : vector<1000x128xf32> to vector<128xf32>
      %broadcast_in_dim3A_32 = vector.shape_cast %reduce_sum3A_31 : vector<128xf32> to vector<1x128xf32>
      %add3A_33 = arith.addf %get3A_29, %broadcast_in_dim3A_32 : vector<1x128xf32>
      %swap3A_34 = arith.constant 0 : index
      %swap3A_35 = arith.constant 0 : index
      %swap3A_36 = vector.load %arg13[%swap3A_34, %swap3A_35] : memref<1x128xf32, #tpu.memory_space<vmem>>, vector<1x128xf32>
      tpu.vector_store %arg13[%swap3A_34, %swap3A_35], %add3A_33 {strides = array<i32>} : memref<1x128xf32, #tpu.memory_space<vmem>>, vector<1x128xf32>,
      %swap3A_37 = arith.constant 0 : index
      %swap3A_38 = arith.constant 0 : index
      %swap3A_39 = vector.load %arg10[%swap3A_37, %swap3A_38] : memref<1000x128xf32, #tpu.memory_space<vmem>>, vector<1000x128xf32>
      tpu.vector_store %arg10[%swap3A_37, %swap3A_38], %sub3A {strides = array<i32>} : memref<1000x128xf32, #tpu.memory_space<vmem>>, vector<1000x128xf32>,
      %swap3A_40 = arith.constant 0 : index
      %swap3A_41 = arith.constant 0 : index
      %swap3A_42 = vector.load %arg11[%swap3A_40, %swap3A_41] : memref<1000x128xf32, #tpu.memory_space<vmem>>, vector<1000x128xf32>
      tpu.vector_store %arg11[%swap3A_40, %swap3A_41], %sub3A {strides = array<i32>} : memref<1000x128xf32, #tpu.memory_space<vmem>>, vector<1000x128xf32>,
      %eq3A_43 = arith.constant 9 : i32
      %eq3A_44 = arith.cmpi eq, %arg1, %eq3A_43 : i32
      %convert_element_type3A_45 = arith.extui %eq3A_44 : i1 to i32
      %cond3A_46 = arith.constant 0 : i32
      %cond3A_47 = arith.cmpi ne, %convert_element_type3A_45, %cond3A_46 : i32
      scf.if %cond3A_47 {
        %get3A_48 = arith.constant 0 : index
        %get3A_49 = arith.constant 0 : index
        %get3A_50 = vector.load %arg12[%get3A_48, %get3A_49] : memref<1x128xf32, #tpu.memory_space<vmem>>, vector<1x128xf32>
        %div3A = arith.constant 1.000000e+04 : f32
        %div3A_51 = vector.broadcast %div3A : f32 to vector<1x128xf32>
        %div3A_52 = arith.divf %get3A_50, %div3A_51 : vector<1x128xf32>
        %get3A_53 = arith.constant 0 : index
        %get3A_54 = arith.constant 0 : index
        %get3A_55 = vector.load %arg13[%get3A_53, %get3A_54] : memref<1x128xf32, #tpu.memory_space<vmem>>, vector<1x128xf32>
        %div3A_56 = arith.constant 1.000000e+04 : f32
        %div3A_57 = vector.broadcast %div3A_56 : f32 to vector<1x128xf32>
        %div3A_58 = arith.divf %get3A_55, %div3A_57 : vector<1x128xf32>
        %mul3A_59 = arith.mulf %div3A_52, %div3A_52 : vector<1x128xf32>
        %sub3A_60 = arith.subf %div3A_58, %mul3A_59 : vector<1x128xf32>
        %swap3A_61 = arith.constant 0 : index
        %swap3A_62 = arith.constant 0 : index
        %swap3A_63 = vector.load %arg14[%swap3A_61, %swap3A_62] : memref<2x128xf32, #tpu.memory_space<vmem>>, vector<1x128xf32>
        tpu.vector_store %arg14[%swap3A_61, %swap3A_62], %div3A_52 {strides = array<i32>} : memref<2x128xf32, #tpu.memory_space<vmem>>, vector<1x128xf32>,
        %get3A_64 = arith.constant 0 : index
        %get3A_65 = arith.constant 0 : index
        %get3A_66 = vector.load %arg6[%get3A_64, %get3A_65] : memref<1x128xf32, #tpu.memory_space<vmem>>, vector<1x128xf32>
        %add3A_67 = arith.constant 9.99999974E-6 : f32
        %add3A_68 = vector.broadcast %add3A_67 : f32 to vector<1x128xf32>
        %add3A_69 = arith.addf %sub3A_60, %add3A_68 : vector<1x128xf32>
        %rsqrt3A = math.rsqrt %add3A_69 : vector<1x128xf32>
        %mul3A_70 = arith.mulf %get3A_66, %rsqrt3A : vector<1x128xf32>
        %swap3A_71 = arith.constant 1 : index
        %swap3A_72 = arith.constant 0 : index
        %swap3A_73 = vector.load %arg14[%swap3A_71, %swap3A_72] : memref<2x128xf32, #tpu.memory_space<vmem>>, vector<1x128xf32>
        tpu.vector_store %arg14[%swap3A_71, %swap3A_72], %mul3A_70 {strides = array<i32>} : memref<2x128xf32, #tpu.memory_space<vmem>>, vector<1x128xf32>,
      } else {
      }
    } else {
    }
    %eq3A_10 = arith.constant 1 : i32
    %eq3A_11 = arith.cmpi eq, %arg0, %eq3A_10 : i32
    %convert_element_type3A_12 = arith.extui %eq3A_11 : i1 to i32
    %cond3A_13 = arith.constant 0 : i32
    %cond3A_14 = arith.cmpi ne, %convert_element_type3A_12, %cond3A_13 : i32
    scf.if %cond3A_14 {
      %get3A_15 = arith.constant 0 : index
      %get3A_16 = arith.constant 0 : index
      %get3A_17 = vector.load %arg14[%get3A_15, %get3A_16] : memref<2x128xf32, #tpu.memory_space<vmem>>, vector<1x128xf32>
      %sub3A_18 = vector.broadcast %get3A_17 : vector<1x128xf32> to vector<1000x128xf32>
      %sub3A_19 = arith.subf %sub3A, %sub3A_18 : vector<1000x128xf32>
      %get3A_20 = arith.constant 1 : index
      %get3A_21 = arith.constant 0 : index
      %get3A_22 = vector.load %arg14[%get3A_20, %get3A_21] : memref<2x128xf32, #tpu.memory_space<vmem>>, vector<1x128xf32>
      %mul3A = vector.broadcast %get3A_22 : vector<1x128xf32> to vector<1000x128xf32>
      %mul3A_23 = arith.mulf %sub3A_19, %mul3A : vector<1000x128xf32>
      %get3A_24 = arith.constant 0 : index
      %get3A_25 = arith.constant 0 : index
      %get3A_26 = vector.load %arg7[%get3A_24, %get3A_25] : memref<1x128xf32, #tpu.memory_space<vmem>>, vector<1x128xf32>
      %add3A_27 = vector.broadcast %get3A_26 : vector<1x128xf32> to vector<1000x128xf32>
      %add3A_28 = arith.addf %mul3A_23, %add3A_27 : vector<1000x128xf32>
      %max3A = arith.constant 0.000000e+00 : f32
      %max3A_29 = vector.broadcast %max3A : f32 to vector<1000x128xf32>
      %max3A_30 = arith.maximumf %add3A_28, %max3A_29 : vector<1000x128xf32>
      %get3A_31 = arith.constant 0 : index
      %get3A_32 = arith.constant 0 : index
      %get3A_33 = vector.load %arg5[%get3A_31, %get3A_32] : memref<128x128xf32, #tpu.memory_space<vmem>>, vector<128x128xf32>
      %dot_general3A = arith.constant dense<0.000000e+00> : vector<1000x128xf32>
      %dot_general3A_34 = tpu.matmul %max3A_30, %get3A_33, %dot_general3A {dimension_numbers = #tpu.dot_dimension_numbers<[1], [0], [0], [1], [0, 0, 1, 1], [], []>, transpose_lhs_hint = false} : vector<1000x128xf32>, vector<128x128xf32>, vector<1000x128xf32> -> vector<1000x128xf32>
      %swap3A = arith.constant 0 : index
      %swap3A_35 = arith.constant 0 : index
      %swap3A_36 = vector.load %arg10[%swap3A, %swap3A_35] : memref<1000x128xf32, #tpu.memory_space<vmem>>, vector<1000x128xf32>
      tpu.vector_store %arg10[%swap3A, %swap3A_35], %dot_general3A_34 {strides = array<i32>} : memref<1000x128xf32, #tpu.memory_space<vmem>>, vector<1000x128xf32>,
      %get3A_37 = arith.constant 0 : index
      %get3A_38 = arith.constant 0 : index
      %get3A_39 = vector.load %arg8[%get3A_37, %get3A_38] : memref<1000x128xf32, #tpu.memory_space<vmem>>, vector<1000x128xf32>
      %sub3A_40 = arith.subf %get3A_39, %dot_general3A_34 : vector<1000x128xf32>
      %get3A_41 = arith.constant 0 : index
      %get3A_42 = arith.constant 0 : index
      %get3A_43 = vector.load %arg9[%get3A_41, %get3A_42] : memref<1x128xf32, #tpu.memory_space<vmem>>, vector<1x128xf32>
      %add3A_44 = vector.broadcast %get3A_43 : vector<1x128xf32> to vector<1000x128xf32>
      %add3A_45 = arith.addf %sub3A_40, %add3A_44 : vector<1000x128xf32>
      %swap3A_46 = arith.constant 0 : index
      %swap3A_47 = arith.constant 0 : index
      %swap3A_48 = vector.load %arg11[%swap3A_46, %swap3A_47] : memref<1000x128xf32, #tpu.memory_space<vmem>>, vector<1000x128xf32>
      tpu.vector_store %arg11[%swap3A_46, %swap3A_47], %add3A_45 {strides = array<i32>} : memref<1000x128xf32, #tpu.memory_space<vmem>>, vector<1000x128xf32>,
    } else {
    }
    return
  }
  func.func @transform_0(%arg0: i32, %arg1: i32) -> (i32, i32) {
    %c0_i32 = arith.constant 0 : i32
    %c0_i32_0 = arith.constant 0 : i32
    return %arg1, %c0_i32 : i32, i32
  }
  func.func @transform_1(%arg0: i32, %arg1: i32) -> (i32, i32) {
    %c0_i32 = arith.constant 0 : i32
    %c0_i32_0 = arith.constant 0 : i32
    return %arg1, %c0_i32 : i32, i32
  }
  func.func @transform_2(%arg0: i32, %arg1: i32) -> (i32, i32) {
    %c0_i32 = arith.constant 0 : i32
    %c0_i32_0 = arith.constant 0 : i32
    return %arg1, %c0_i32 : i32, i32
  }
  func.func @transform_3(%arg0: i32, %arg1: i32) -> (i32, i32) {
    %c0_i32 = arith.constant 0 : i32
    %c0_i32_0 = arith.constant 0 : i32
    %c0_i32_1 = arith.constant 0 : i32
    return %c0_i32, %c0_i32_0 : i32, i32
  }
  func.func @transform_4(%arg0: i32, %arg1: i32) -> (i32, i32) {
    %c0_i32 = arith.constant 0 : i32
    %c0_i32_0 = arith.constant 0 : i32
    %c0_i32_1 = arith.constant 0 : i32
    return %c0_i32, %c0_i32_0 : i32, i32
  }
  func.func @transform_5(%arg0: i32, %arg1: i32) -> (i32, i32) {
    %c0_i32 = arith.constant 0 : i32
    %c0_i32_0 = arith.constant 0 : i32
    %c0_i32_1 = arith.constant 0 : i32
    return %c0_i32, %c0_i32_0 : i32, i32
  }
  func.func @transform_6(%arg0: i32, %arg1: i32) -> (i32, i32) {
    %c0_i32 = arith.constant 0 : i32
    %c0_i32_0 = arith.constant 0 : i32
    return %arg1, %c0_i32 : i32, i32
  }
  func.func @transform_7(%arg0: i32, %arg1: i32) -> (i32, i32) {
    %c0_i32 = arith.constant 0 : i32
    %c0_i32_0 = arith.constant 0 : i32
    %c0_i32_1 = arith.constant 0 : i32
    return %c0_i32, %c0_i32_0 : i32, i32
  }
  func.func @transform_8(%arg0: i32, %arg1: i32) -> (i32, i32) {
    %c0_i32 = arith.constant 0 : i32
    %c0_i32_0 = arith.constant 0 : i32
    return %arg1, %c0_i32 : i32, i32
  }
  func.func @transform_9(%arg0: i32, %arg1: i32) -> (i32, i32) {
    %c0_i32 = arith.constant 0 : i32
    %c0_i32_0 = arith.constant 0 : i32
    return %arg1, %c0_i32 : i32, i32
  }
}

module attributes {stable_mosaic.version = 14 : i64} {
  func.func @_add3_body(%arg0: i32, %arg1: memref<1000x128xf32, #tpu.memory_space<vmem>>, %arg2: memref<1000x128xf32, #tpu.memory_space<vmem>>, %arg3: memref<1000x128xf32, #tpu.memory_space<vmem>>, %arg4: memref<1000x128xf32, #tpu.memory_space<vmem>>) attributes {dimension_semantics = [#tpu.dimension_semantics<arbitrary>], iteration_bounds = array<i64: 10>, scalar_prefetch = 0 : i64, scratch_operands = 0 : i64, tpu.core_type = #tpu.core_type<tc>, window_params = [{transform_indices = @transform_0, window_bounds = array<i64: 1000, 128>}, {transform_indices = @transform_1, window_bounds = array<i64: 1000, 128>}, {transform_indices = @transform_2, window_bounds = array<i64: 1000, 128>}, {transform_indices = @transform_3, window_bounds = array<i64: 1000, 128>}]} {
    %get3A = arith.constant 0 : index
    %get3A_0 = arith.constant 0 : index
    %get3A_1 = vector.load %arg1[%get3A, %get3A_0] : memref<1000x128xf32, #tpu.memory_space<vmem>>, vector<1000x128xf32>
    %get3A_2 = arith.constant 0 : index
    %get3A_3 = arith.constant 0 : index
    %get3A_4 = vector.load %arg2[%get3A_2, %get3A_3] : memref<1000x128xf32, #tpu.memory_space<vmem>>, vector<1000x128xf32>
    %add3A = arith.addf %get3A_1, %get3A_4 : vector<1000x128xf32>
    %get3A_5 = arith.constant 0 : index
    %get3A_6 = arith.constant 0 : index
    %get3A_7 = vector.load %arg3[%get3A_5, %get3A_6] : memref<1000x128xf32, #tpu.memory_space<vmem>>, vector<1000x128xf32>
    %add3A_8 = arith.addf %add3A, %get3A_7 : vector<1000x128xf32>
    %swap3A = arith.constant 0 : index
    %swap3A_9 = arith.constant 0 : index
    %swap3A_10 = vector.load %arg4[%swap3A, %swap3A_9] : memref<1000x128xf32, #tpu.memory_space<vmem>>, vector<1000x128xf32>
    tpu.vector_store %arg4[%swap3A, %swap3A_9], %add3A_8 {strides = array<i32>} : memref<1000x128xf32, #tpu.memory_space<vmem>>, vector<1000x128xf32>,
    return
  }
  func.func @transform_0(%arg0: i32) -> (i32, i32) {
    %c0_i32 = arith.constant 0 : i32
    %c0_i32_0 = arith.constant 0 : i32
    return %arg0, %c0_i32 : i32, i32
  }
  func.func @transform_1(%arg0: i32) -> (i32, i32) {
    %c0_i32 = arith.constant 0 : i32
    %c0_i32_0 = arith.constant 0 : i32
    return %arg0, %c0_i32 : i32, i32
  }
  func.func @transform_2(%arg0: i32) -> (i32, i32) {
    %c0_i32 = arith.constant 0 : i32
    %c0_i32_0 = arith.constant 0 : i32
    return %arg0, %c0_i32 : i32, i32
  }
  func.func @transform_3(%arg0: i32) -> (i32, i32) {
    %c0_i32 = arith.constant 0 : i32
    %c0_i32_0 = arith.constant 0 : i32
    return %arg0, %c0_i32 : i32, i32
  }
}

module attributes {stable_mosaic.version = 14 : i64} {
  func.func @_add3_body(%arg0: i32, %arg1: memref<1000x128xf32, #tpu.memory_space<vmem>>, %arg2: memref<1000x128xf32, #tpu.memory_space<vmem>>, %arg3: memref<1000x128xf32, #tpu.memory_space<vmem>>, %arg4: memref<1000x128xf32, #tpu.memory_space<vmem>>) attributes {dimension_semantics = [#tpu.dimension_semantics<arbitrary>], iteration_bounds = array<i64: 10>, scalar_prefetch = 0 : i64, scratch_operands = 0 : i64, tpu.core_type = #tpu.core_type<tc>, window_params = [{transform_indices = @transform_0, window_bounds = array<i64: 1000, 128>}, {transform_indices = @transform_1, window_bounds = array<i64: 1000, 128>}, {transform_indices = @transform_2, window_bounds = array<i64: 1000, 128>}, {transform_indices = @transform_3, window_bounds = array<i64: 1000, 128>}]} {
    %get3A = arith.constant 0 : index
    %get3A_0 = arith.constant 0 : index
    %get3A_1 = vector.load %arg1[%get3A, %get3A_0] : memref<1000x128xf32, #tpu.memory_space<vmem>>, vector<1000x128xf32>
    %get3A_2 = arith.constant 0 : index
    %get3A_3 = arith.constant 0 : index
    %get3A_4 = vector.load %arg2[%get3A_2, %get3A_3] : memref<1000x128xf32, #tpu.memory_space<vmem>>, vector<1000x128xf32>
    %add3A = arith.addf %get3A_1, %get3A_4 : vector<1000x128xf32>
    %get3A_5 = arith.constant 0 : index
    %get3A_6 = arith.constant 0 : index
    %get3A_7 = vector.load %arg3[%get3A_5, %get3A_6] : memref<1000x128xf32, #tpu.memory_space<vmem>>, vector<1000x128xf32>
    %add3A_8 = arith.addf %add3A, %get3A_7 : vector<1000x128xf32>
    %swap3A = arith.constant 0 : index
    %swap3A_9 = arith.constant 0 : index
    %swap3A_10 = vector.load %arg4[%swap3A, %swap3A_9] : memref<1000x128xf32, #tpu.memory_space<vmem>>, vector<1000x128xf32>
    tpu.vector_store %arg4[%swap3A, %swap3A_9], %add3A_8 {strides = array<i32>} : memref<1000x128xf32, #tpu.memory_space<vmem>>, vector<1000x128xf32>,
    return
  }
  func.func @transform_0(%arg0: i32) -> (i32, i32) {
    %c0_i32 = arith.constant 0 : i32
    %c0_i32_0 = arith.constant 0 : i32
    return %arg0, %c0_i32 : i32, i32
  }
  func.func @transform_1(%arg0: i32) -> (i32, i32) {
    %c0_i32 = arith.constant 0 : i32
    %c0_i32_0 = arith.constant 0 : i32
    return %arg0, %c0_i32 : i32, i32
  }
  func.func @transform_2(%arg0: i32) -> (i32, i32) {
    %c0_i32 = arith.constant 0 : i32
    %c0_i32_0 = arith.constant 0 : i32
    return %arg0, %c0_i32 : i32, i32
  }
  func.func @transform_3(%arg0: i32) -> (i32, i32) {
    %c0_i32 = arith.constant 0 : i32
    %c0_i32_0 = arith.constant 0 : i32
    return %arg0, %c0_i32 : i32, i32
  }
}

</mosaic_0001>

<sc_bundles>
// kernel: kernel.12.cloned.1.call-start
scs
__scs_entry_jumppad:
0x0: {  	(pc) =	sbr.rel $0x88, $3  }
0x1: {  	(tag) =	ssettag $0x0;
	lr =	simm.s32 $0x1  }
0x2: {  	[smem:$0x3F97] =	sst lr;
	_ =	strace $0xD0000000  }
0x3: {  	_ = 	snop  }
0x4: {  	_ = 	snop  }
0x5: {  	_ = 	snop  }
0x6: {  	_ = 	snop  }
0x7: {  	_ = 	snop  }
__scs_overlays_trampoline_lowered:
0x8: {  	[smem:$0x3FA6] =	sst s0  }
0x9: {  	[smem:$0x3FA7] =	sst s1  }
0xa: {  	[smem:$0x3FA8] =	sst s2  }
0xb: {  	[smem:$0x3FA9] =	sst s3  }
0xc: {  	[smem:$0x3FAA] =	sst s4  }
0xd: {  	[smem:$0x3FAB] =	sst s5  }
0xe: {  	[smem:$0x3FAC] =	sst s6  }
0xf: {  	[smem:$0x3FAD] =	sst s7  }
0x10: {  	[smem:$0x3FAE] =	sst s8  }
0x11: {  	[smem:$0x3FAF] =	sst s9;
	s0 =	simm.s32 @!p0 $0x0  }
0x12: {  	s1 =	sld [smem:$0x3F95];
	s0 =	simm.s32 @p0 $0x1  }
0x13: {  	[smem:$0x3FB0] =	sst s0;
	s0 =	simm.s32 @!p1 $0x0  }
0x14: {  	s2 =	sld [smem:$0x3F94];
	s0 =	simm.s32 @p1 $0x1  }
0x15: {  	[smem:$0x3FB1] =	sst s0;
	s0 =	simm.s32 @!p2 $0x0  }
0x16: {  	s3 =	sld [smem:$0x3FDB];
	s0 =	simm.s32 @p2 $0x1  }
0x17: {  	s4 =	simm.s32 $0x1BF5;
	[smem:$0x3FB3] =	sst s0  }
0x18: {  	s0 =	sld [smem:$0x3F96];
	_ =	swait.ge [sflag:s4], $0x0  }
0x19: {  	s7 =	sld [smem:$0x3F97]  }
0x1a: {  	s8 =	sadd.s32 $0xFFFFE003, lr  }
0x1b: {  	s9 =	sadd.s32 $0xFFFFFEF7, lr;
	s5 =	simm.s32 $0xFFFFFFFF;
	p2 =	slt.u32 s8, $0xFFFFF086  }
0x1c: {  	p1 =	slt.u32 s9, $0xF7A;
	s5 =	simm.s32 @!p2 $0x0  }
0x1d: {  	s5 =	simm.s32 @p1 $0x1;
	p0 =	seq.s32 s7, s2  }
0x1e: {  	s7 =	smul.u32 @!p0 $0xF7A, s2;
	p2 =	seq.s32 @!p0 s5, $0x0  }
0x1f: {  	s9 =	smul.u32 $0xF7A, s1;
	s8 =	simm.s32 @!p0 $0x1BF5;
	p2 =	por !p2, p0  }
0x20: {  	[sflag:s8] =	ssyncset.s32 @!p0 $0xFFFFF086;
	s6 =	sadd.s32 @!p0 s3, s7;
	s7 =	simm.s32 @!p0 $0x108  }
0x21: {  	s3 =	sadd.s32 s3, s9;
	s6 =	sadd.s32 @!p0 $0x88, s6;
	s7 =	simm.s32 @p2 $0x1082  }
0x22: {  	[simem:s7], [sflag:s8] =	dma.local @!p0 [hbm:s6], $0xF7A  }
0x23: {  	s9 =	sor.u32 $0xD0000000, s2;
	s6 =	simm.s32 $0x108;
	_ =	swait.ge @!p0 [sflag:s8], $0x0  }
0x24: {  	s3 =	sadd.s32 $0x88, s3;
	s6 =	simm.s32 @!p1 $0x1082;
	[sflag:s4] =	ssyncset.s32 $0xFFFFF086  }
0x25: {  	[simem:s6], [sflag:s4] =	dma.local [hbm:s3], $0xF7A  }
0x26: {  	[smem:$0x3F97] =	sst s1;
	(tag) =	ssettag s2;
	_ =	strace s9  }
0x27: {  	s1 =	sld [smem:$0x3FA7]  }
0x28: {  	s2 =	sld [smem:$0x3FA8]  }
0x29: {  	s4 =	sld [smem:$0x3FAA]  }
0x2a: {  	p0 =	seq.s32 s5, $0x0;
	s5 =	sld [smem:$0x3FAB]  }
0x2b: {  	s6 =	sld [smem:$0x3FAC]  }
0x2c: {  	s7 =	sld [smem:$0x3FAD]  }
0x2d: {  	s3 =	simm.s32 $0x108;
	s8 =	sld [smem:$0x3FAE]  }
0x2e: {  	s3 =	simm.s32 @!p0 $0x1082;
	s9 =	sld [smem:$0x3FAF]  }
0x2f: {  	lr =	sadd.s32 s0, s3;
	s0 =	sld [smem:$0x3FA6]  }
0x30: {  	s3 =	sld [smem:$0x3FA9]  }
0x31: {  	[smem:$0x3FB2] =	sst s10  }
0x32: {  	s10 =	sld [smem:$0x3FB0];
	_ =	sdelay $0x3  }
0x33: {  	p0 =	seq.s32 s10, $0x1;
	s10 =	sld [smem:$0x3FB2];
	_ =	sdelay $0x3  }
0x34: {  	[smem:$0x3FB2] =	sst s10  }
0x35: {  	s10 =	sld [smem:$0x3FB1];
	_ =	sdelay $0x3  }
0x36: {  	p1 =	seq.s32 s10, $0x1;
	s10 =	sld [smem:$0x3FB2];
	_ =	sdelay $0x3  }
0x37: {  	[smem:$0x3FB2] =	sst s10  }
0x38: {  	s10 =	sld [smem:$0x3FB3]  }
0x39: {  	_ = 	snop;
	(pc) =	sbr.ind lr, $3  }
0x3a: {  	_ = 	snop  }
0x3b: {  	_ = 	snop  }
0x3c: {  	p2 =	seq.s32 s10, $0x1;
	s10 =	sld [smem:$0x3FB2]  }
0x3d: {  	_ =	shalt  }
0x3e: {  	_ =	shalt  }
0x3f: {  	_ =	shalt  }
0x40: {  	_ =	shalt  }
0x41: {  	_ =	shalt  }
0x42: {  	_ =	shalt  }
0x43: {  	_ =	shalt  }
0x44: {  	_ =	shalt  }
0x45: {  	_ =	shalt  }
0x46: {  	_ =	shalt  }
0x47: {  	_ =	shalt  }
0x48: {  	_ =	shalt  }
0x49: {  	_ =	shalt  }
0x4a: {  	_ =	shalt  }
0x4b: {  	_ =	shalt  }
0x4c: {  	_ =	shalt  }
0x4d: {  	_ =	shalt  }
0x4e: {  	_ =	shalt  }
0x4f: {  	_ =	shalt  }
0x50: {  	_ =	shalt  }
0x51: {  	_ =	shalt  }
0x52: {  	_ =	shalt  }
0x53: {  	_ =	shalt  }
0x54: {  	_ =	shalt  }
0x55: {  	_ =	shalt  }
0x56: {  	_ =	shalt  }
0x57: {  	_ =	shalt  }
0x58: {  	_ =	shalt  }
0x59: {  	_ =	shalt  }
0x5a: {  	_ =	shalt  }
0x5b: {  	_ =	shalt  }
0x5c: {  	_ =	shalt  }
0x5d: {  	_ =	shalt  }
0x5e: {  	_ =	shalt  }
0x5f: {  	_ =	shalt  }
0x60: {  	_ =	shalt  }
0x61: {  	_ =	shalt  }
0x62: {  	_ =	shalt  }
0x63: {  	_ =	shalt  }
0x64: {  	_ =	shalt  }
0x65: {  	_ =	shalt  }
0x66: {  	_ =	shalt  }
0x67: {  	_ =	shalt  }
0x68: {  	_ =	shalt  }
0x69: {  	_ =	shalt  }
0x6a: {  	_ =	shalt  }
0x6b: {  	_ =	shalt  }
0x6c: {  	_ =	shalt  }
0x6d: {  	_ =	shalt  }
0x6e: {  	_ =	shalt  }
0x6f: {  	_ =	shalt  }
0x70: {  	_ =	shalt  }
0x71: {  	_ =	shalt  }
0x72: {  	_ =	shalt  }
0x73: {  	_ =	shalt  }
0x74: {  	_ =	shalt  }
0x75: {  	_ =	shalt  }
0x76: {  	_ =	shalt  }
0x77: {  	_ =	shalt  }
0x78: {  	_ =	shalt  }
0x79: {  	_ =	shalt  }
0x7a: {  	_ =	shalt  }
0x7b: {  	_ =	shalt  }
0x7c: {  	_ =	shalt  }
0x7d: {  	_ =	shalt  }
0x7e: {  	_ =	shalt  }
0x7f: {  	_ =	shalt  }
0x80: {  	_ =	shalt  }
0x81: {  	_ =	shalt  }
0x82: {  	_ =	shalt  }
0x83: {  	_ =	shalt  }
0x84: {  	_ =	shalt  }
0x85: {  	_ =	shalt  }
0x86: {  	_ =	shalt  }
0x87: {  	_ =	shalt  }
.Lfunc_end0:
.L_simem_size_0:
called_computation_lowered:
.L_overlay_start_0:
0x88: {  	s2 =	sld [smem:$0x3FD9]  }
0x89: {  	s3 =	sld [smem:$0x3FFE];
	_ =	sdelay $0x1  }
0x8a: {  	s1 =	srdreg.scid  }
0x8b: {  	s0 =	sand.u32 $0x1, s1  }
0x8c: {  	s17 =	sshll.u32 s0, $0xA;
	s2 =	sadd.s32 s3, s2  }
0x8d: {  	s2 =	sadd.s32 s2, s17  }
0x8e: {  	[smem:$0x3FBE] =	sst s2  }
0x8f: {  	_ = 	snop  }
0x90: {  	s2 =	sld [smem:$0x3FD0];
	(tm) =	ssettm $0x1  }
0x91: {  	s18 =	sld [smem:$0x3FFB];
	_ =	sdelay $0x3  }
0x92: {  	_ =	strace s18  }
0x93: {  	s3 =	sld [smem:$0x3FFC];
	_ =	sdelay $0x3  }
0x94: {  	_ =	strace s3  }
0x95: {  	s3 =	sld [smem:$0x3FFD];
	_ =	sdelay $0x3  }
0x96: {  	_ =	strace s3  }
0x97: {  	_ =	strace $0x8FFFFFFF  }
0x98: {  	s19 =	sld [smem:$0x3FDB];
	_ =	sdelay $0x1  }
0x99: {  	s4 =	simm.s32 $_scs_section_size  }
0x9a: {  	s5 =	simm.s32 $_size__tile_overlayer_lowered;
	s6 =	simm.s32 $_tile_overlayer_lowered  }
0x9b: {  	s22 =	simm.s32 $0x1BFF;
	s21 =	sshll.u32 s6, $0x1;
	s3 =	sadd.s32 s4, s19  }
0x9c: {  	s7 =	simm.s32 $0x0;
	s20 =	sshll.u32 s5, $0x1;
	s5 =	sadd.s32 s21, s3  }
0x9d: {  	[timem:s7], [sflag:s22] =	dma.local [hbm:s5], s20  }
0x9e: {  	_ =	swait.ge [sflag:s22], s20  }
0x9f: {  	s4 =	ssub.s32 $0x0, s20;
	[sflag:s22] =	ssyncset.done $0x0  }
0xa0: {  	[sflag:s22] =	ssyncadd.s32 s4;
	_ =	sdelay $0x1  }
0xa1: {  	s23 =	simm.s32 $0x1B8B  }
0xa2: {  	_ =	swait.ge [sflag:s23], $0x1  }
0xa3: {  	[sflag:s23] =	ssyncset.done $0x0  }
0xa4: {  	s25 =	simm.s32 $0x1B8E;
	s24 =	sld [smem:$0x3FFE];
	[sflag:s23] =	ssyncadd.s32 $0xFFFFFFFF  }
0xa5: {  	s26 =	simm.s32 $execute0_lowered;
	[smem:$0x3FD2] =	sst s25  }
0xa6: {  	s5 =	sshll.u32 s26, $0x1;
	_ =	strace $0x80000046;
	[dreg:$0x1] =	wrdreg $0xFFFFFFFF  }
0xa7: {  	s28 =	simm.s32 $_size_execute0_lowered;
	s3 =	sadd.s32 s3, s5;
	[dreg:$0x0] =	wrdreg $0x0  }
0xa8: {  	s5 =	sshll.u32 s28, $0x1;
	[dreg:$0x2] =	wrdreg s3  }
0xa9: {  	[dreg:$0x3] =	wrdreg s5  }
0xaa: {  	[dreg:$0x4] =	wrdreg $0xC0  }
0xab: {  	_ =	task [dreg:s7], $0x5FFFF  }
0xac: {  	[dreg:$0x1] =	wrdreg $0xFFFFFFFF  }
0xad: {  	[dreg:$0x0] =	wrdreg $0x60  }
0xae: {  	[dreg:$0x2] =	wrdreg s2  }
0xaf: {  	[dreg:$0x3] =	wrdreg s24  }
0xb0: {  	[dreg:$0x4] =	wrdreg $0x0  }
0xb1: {  	[dreg:$0x5] =	wrdreg $0x9  }
0xb2: {  	_ =	task.clear_ibuf [dreg:s7], $0x6FFFF;
	_ =	strace $0x90000046  }
0xb3: {  	s29 =	simm.s32 $0x9;
	_ =	strace $0x80000048  }
0xb4: {  	_ =	swait.ge [sflag:s29], $0x1  }
0xb5: {  	[sflag:s29] =	ssyncadd.s32 $0xFFFFFFFF  }
0xb6: {  	_ =	strace $0x90000048  }
0xb7: {  	_ =	sfence  }
0xb8: {  	s30 =	sld [smem:$0x0];
	_ =	sdelay $0x2  }
0xb9: {  	s31 =	sshll.u32 s1, $0xD;
	s1 =	sshrl.u32 s1, $0x2  }
0xba: {  	s3 =	sand.u32 $0x4000, s31;
	s1 =	sadd.s32 s1, s30  }
0xbb: {  	s0 =	sor.u32 s3, s0;
	s1 =	sshll.u32 s1, $0x11  }
0xbc: {  	s0 =	sor.u32 s1, s0  }
0xbd: {  	s0 =	sadd.s32 $0x8F2B, s0  }
0xbe: {  	[sflag:s0] =	ssyncadd.remote.s32 $0x1  }
0xbf: {  	_ =	sfence.sel $0xFFFF  }
0xc0: {  	[dreg:$0x0] =	wrdreg $0xFFFFFFFF;
	(pc) =	sbr.abs _section_cstart, $3  }
0xc1: {  	[dreg:$0x1] =	wrdreg $0xFFFFFFFF  }
0xc2: {  	_ =	task.clear_ibuf [dreg:s7], $0x2FFFF;
	_ =	strace $0x9FFFFFFF  }
0xc3: {  	(tm) =	ssettm $0x7FFFFFFF  }
tec
execute0_lowered:
.L_overlay_start_1:
0x0: {  	(tag) =	ssettag $0x1  }
0x1: {  	s1 =	rddreg [dreg:$0x0]  }
0x2: {  	s5 =	rddreg [dreg:$0x1]  }
0x3: {  	s2 =	rddreg [dreg:$0x2]  }
0x4: {  	s0 =	rddreg [dreg:$0x3];
	s4 =	simm.s32 $0x0  }
0x5: {  	s3 =	stileid.u32;
	s7 =	srdreg.scid;
	s17 =	simm.s32 $0x80  }
0x6: {  	s18 =	simm.s32 $0x164C0;
	s19 =	simm.s32 $0x1A4C0;
	s20 =	simm.s32 $0x1  }
0x7: {  	s21 =	simm.s32 $0x2;
	s22 =	simm.s32 $0x15040;
	s23 =	simm.s32 $0x163C0  }
0x8: {  	s24 =	simm.s32 $0x16440;
	s25 =	simm.s32 $0x0;
	[smem:$0x7FF] =	sst s4  }
0x9: {  	s9 =	sadd.s32 $0x5400, s5;
	s6 =	smul.u32 $0x278, s3;
	s10 =	sadd.s32 $0xF400, s5  }
0xa: {  	p0 =	seq.s32 s3, $0xF;
	s11 =	sand.u32 $0x1, s7;
	s30 =	sshll.u32 s3, $0x6  }
0xb: {  	_ =	strace $0x80000047;
	s7 =	ssub.s32 $0x2, s11;
	s8 =	sshll.u32 s11, $0x4  }
0xc: {  	s6 =	simm.s32 @p0 $0x2498;
	s13 =	sshrl.u32 s7, $0x1;
	s8 =	sor.u32 s3, s8  }
0xd: {  	p0 =	seq.s32 s11, $0x1;
	s12 =	sshll.u32 s6, $0x4;
	s14 =	smul.u32 $0x500, s8  }
0xe: {  	s13 =	ssub.s32 s7, s13;
	s29 =	sshll.u32 s6, $0x7;
	s15 =	smul.u32 $0x2800, s8  }
0xf: {  	s6 =	sor.u32 $0x1C03, s30;
	s12 =	sadd.s32 s12, s5;
	s16 =	sadd.s32 s29, s2  }
0x10: {  	s11 =	smax.u32 s13, $0x1;
	s5 =	sadd.s32 $0x19400, s12;
	s7 =	sadd.s32 s9, s14  }
0x11: {  	s8 =	sadd.s32 s10, s14;
	s31 =	sshrl.u32 s15, $0x3;
	s15 =	simm.s32 $0x67800  }
0x12: {  	s13 =	sshrl.u32 s16, $0x3;
	s16 =	simm.s32 $0x150C0;
	s14 =	sadd.s32 $0x280, s31  }
0x13: {  	s15 =	simm.s32 @!p0 $0x40600;
	s9 =	sadd.s32 s9, s14;
	s10 =	sadd.s32 s10, s14  }
0x14: {  	s12 =	sadd.s32 s15, s12;
	s14 =	simm.s32 $0x3;
	s15 =	simm.s32 $0x13CC0  }
.LBB2_1:
0x15: {  	[spmem:s13], [sflag:s6] =	dma.local [hbm:s5], $0x2780  }
0x16: {  	_ =	swait.ge [sflag:s14], $0x2780  }
0x17: {  	[sflag:s14] =	ssyncset.done $0x0  }
0x18: {  	[sflag:s14] =	ssyncadd.s32 $0xFFFFD880  }
0x19: {  	[bflag:$0x0] =	sbarrier.arrive $0xFFFF  }
0x1a: {  	[tilespmem:s15], [sflag:$0x3] =	stream.linear.gather [hbm4b:s7+s4], $0x1400, $0x38;
	[tilespmem:$0x1E4C0] =	vst v63  }
0x1b: {  	_ =	swait.ge [sflag:s14], $0x1400  }
0x1c: {  	[sflag:s14] =	ssyncset.done $0x0  }
0x1d: {  	[sflag:s14] =	ssyncadd.s32 $0xFFFFEC00  }
0x1e: {  	[tilespmem:s16], [sflag:$0x3] =	stream.linear.gather [hbm4b:s8+s4], $0x1400, $0x38;
	[tilespmem:$0x1E4C0] =	vst v63  }
0x1f: {  	_ =	swait.ge [sflag:s14], $0x1400  }
0x20: {  	[sflag:s14] =	ssyncset.done $0x0  }
0x21: {  	[sflag:s14] =	ssyncadd.s32 $0xFFFFEC00  }
0x22: {  	[tilespmem:s18], [sflag:$0x1] =	stream.indirect.gather [hbm4b:s1+s17], $0x80, s15, s17, $0xb8;
	[tilespmem:$0x1E4C0] =	vst v63  }
0x23: {  	s26 =	simm.s32 $0x13D40  }
0x24: {  	[tilespmem:s19], [sflag:$0x2] =	stream.indirect.gather [hbm4b:s1+s17], $0x80, s26, s17, $0xb8;
	[tilespmem:$0x1E4C0] =	vst v63  }
0x25: {  	_ =	swait.ge [sflag:s20], $0x4000  }
0x26: {  	[sflag:s20] =	ssyncset.done $0x0  }
0x27: {  	s29 =	simm.s32 $0x150C0;
	[sflag:s20] =	ssyncadd.s32 $0xFFFFC000  }
0x28: {  	[spmem:s2] =	stream.indirect.scatter.add.f32 [tilespmem:s18], [sflag:$0x3], $0x80, s29, s17, $0xb8;
	[tilespmem:$0x1E4C0] =	vst v63  }
0x29: {  	_ =	swait.ge [sflag:s14], $0x4000  }
0x2a: {  	[sflag:s14] =	ssyncset.done $0x0  }
0x2b: {  	s30 =	simm.s32 $0x13DC0;
	[sflag:s14] =	ssyncadd.s32 $0xFFFFC000  }
0x2c: {  	[tilespmem:s18], [sflag:$0x1] =	stream.indirect.gather [hbm4b:s1+s17], $0x80, s30, s17, $0xb8;
	[tilespmem:$0x1E4C0] =	vst v63  }
0x2d: {  	_ =	swait.ge [sflag:s21], $0x4000  }
0x2e: {  	[sflag:s21] =	ssyncset.done $0x0  }
0x2f: {  	s31 =	simm.s32 $0x15140;
	[sflag:s21] =	ssyncadd.s32 $0xFFFFC000  }
0x30: {  	[spmem:s2] =	stream.indirect.scatter.add.f32 [tilespmem:s19], [sflag:$0x3], $0x80, s31, s17, $0xb8;
	[tilespmem:$0x1E4C0] =	vst v63  }
0x31: {  	_ =	swait.ge [sflag:s14], $0x4000  }
0x32: {  	s28 =	simm.s32 $0x800;
	s26 =	simm.s32 $0x100;
	[sflag:s14] =	ssyncset.done $0x0  }
.LBB2_2:
0x33: {  	s29 =	sadd.s32 $0x13D40, s26  }
0x34: {  	[sflag:s14] =	ssyncadd.s32 $0xFFFFC000;
	s30 =	smov.u32 s28;
	s31 =	sadd.s32 $0x400, s28  }
0x35: {  	[tilespmem:s19], [sflag:$0x2] =	stream.indirect.gather [hbm4b:s1+s17], $0x80, s29, s17, $0xb8;
	[tilespmem:$0x1E4C0] =	vst v63  }
0x36: {  	p0 =	sne.s32 s28, $0x4800;
	_ =	swait.ge [sflag:s20], $0x4000  }
0x37: {  	[sflag:s20] =	ssyncset.done $0x0  }
0x38: {  	s28 =	sadd.s32 $0x150C0, s26;
	[sflag:s20] =	ssyncadd.s32 $0xFFFFC000  }
0x39: {  	[spmem:s2] =	stream.indirect.scatter.add.f32 [tilespmem:s18], [sflag:$0x3], $0x80, s28, s17, $0xb8;
	[tilespmem:$0x1E4C0] =	vst v63  }
0x3a: {  	_ =	swait.ge [sflag:s14], $0x4000  }
0x3b: {  	[sflag:s14] =	ssyncset.done $0x0  }
0x3c: {  	s28 =	sadd.s32 $0x13DC0, s26;
	[sflag:s14] =	ssyncadd.s32 $0xFFFFC000  }
0x3d: {  	[tilespmem:s18], [sflag:$0x1] =	stream.indirect.gather [hbm4b:s1+s17], $0x80, s28, s17, $0xb8;
	[tilespmem:$0x1E4C0] =	vst v63  }
0x3e: {  	_ =	swait.ge [sflag:s21], $0x4000  }
.Ltmp0:
0x3f: {  	[sflag:s21] =	ssyncset.done $0x0;
	(pc) =	sbr.rel @p0 .LBB2_2-.Ltmp0, $4  }
0x40: {  	s26 =	sadd.s32 $0x15140, s26;
	[sflag:s21] =	ssyncadd.s32 $0xFFFFC000  }
0x41: {  	[spmem:s2] =	stream.indirect.scatter.add.f32 [tilespmem:s19], [sflag:$0x3], $0x80, s26, s17, $0xb8;
	[tilespmem:$0x1E4C0] =	vst v63  }
0x42: {  	_ =	swait.ge [sflag:s14], $0x4000  }
0x43: {  	s28 =	smov.u32 s31;
	s26 =	sshra.s32 s30, $0x2;
	[sflag:s14] =	ssyncset.done $0x0  }
0x44: {  	s28 =	sadd.s32 $0x13D40, s26;
	[sflag:s14] =	ssyncadd.s32 $0xFFFFC000  }
0x45: {  	[tilespmem:s19], [sflag:$0x2] =	stream.indirect.gather [hbm4b:s1+s17], $0x80, s28, s17, $0xb8;
	[tilespmem:$0x1E4C0] =	vst v63  }
0x46: {  	_ =	swait.ge [sflag:s20], $0x4000  }
0x47: {  	[sflag:s20] =	ssyncset.done $0x0  }
0x48: {  	s28 =	sadd.s32 $0x150C0, s26;
	[sflag:s20] =	ssyncadd.s32 $0xFFFFC000  }
0x49: {  	[spmem:s2] =	stream.indirect.scatter.add.f32 [tilespmem:s18], [sflag:$0x3], $0x80, s28, s17, $0xb8;
	[tilespmem:$0x1E4C0] =	vst v63  }
0x4a: {  	_ =	swait.ge [sflag:s14], $0x4000  }
0x4b: {  	[sflag:s14] =	ssyncset.done $0x0  }
0x4c: {  	s28 =	sadd.s32 $0x13DC0, s26;
	[sflag:s14] =	ssyncadd.s32 $0xFFFFC000  }
0x4d: {  	[tilespmem:s18], [sflag:$0x1] =	stream.indirect.gather [hbm4b:s1+s17], $0x80, s28, s17, $0xb8;
	[tilespmem:$0x1E4C0] =	vst v63  }
0x4e: {  	_ =	swait.ge [sflag:s21], $0x4000  }
0x4f: {  	[sflag:s21] =	ssyncset.done $0x0  }
0x50: {  	s29 =	sadd.s32 $0x15140, s26;
	[sflag:s21] =	ssyncadd.s32 $0xFFFFC000  }
0x51: {  	[spmem:s2] =	stream.indirect.scatter.add.f32 [tilespmem:s19], [sflag:$0x3], $0x80, s29, s17, $0xb8;
	[tilespmem:$0x1E4C0] =	vst v63  }
0x52: {  	_ =	swait.ge [sflag:s14], $0x4000  }
0x53: {  	[sflag:s14] =	ssyncset.done $0x0  }
0x54: {  	[sflag:s14] =	ssyncadd.s32 $0xFFFFC000  }
0x55: {  	[tilespmem:s19], [sflag:$0x2] =	stream.indirect.gather [hbm4b:s1+s17], $0x80, s22, s17, $0xb8;
	[tilespmem:$0x1E4C0] =	vst v63  }
0x56: {  	_ =	swait.ge [sflag:s20], $0x4000  }
0x57: {  	[sflag:s20] =	ssyncset.done $0x0  }
0x58: {  	[sflag:s20] =	ssyncadd.s32 $0xFFFFC000  }
0x59: {  	[spmem:s2] =	stream.indirect.scatter.add.f32 [tilespmem:s18], [sflag:$0x3], $0x80, s23, s17, $0xb8;
	[tilespmem:$0x1E4C0] =	vst v63  }
0x5a: {  	_ =	swait.ge [sflag:s14], $0x4000  }
0x5b: {  	[sflag:s14] =	ssyncset.done $0x0  }
0x5c: {  	[sflag:s14] =	ssyncadd.s32 $0xFFFFC000  }
0x5d: {  	_ =	swait.ge [sflag:s21], $0x4000  }
0x5e: {  	[sflag:s21] =	ssyncset.done $0x0  }
0x5f: {  	[sflag:s21] =	ssyncadd.s32 $0xFFFFC000  }
0x60: {  	[spmem:s2] =	stream.indirect.scatter.add.f32 [tilespmem:s19], [sflag:$0x3], $0x80, s24, s17, $0xb8;
	[tilespmem:$0x1E4C0] =	vst v63  }
0x61: {  	_ =	swait.ge [sflag:s14], $0x4000  }
0x62: {  	[sflag:s14] =	ssyncset.done $0x0  }
0x63: {  	s30 =	simm.s32 $0x0;
	[sflag:s14] =	ssyncadd.s32 $0xFFFFC000  }
0x64: {  	[tilespmem:s15], [sflag:$0x3] =	stream.linear.gather [hbm4b:s9+s30], $0x1400, $0x38;
	[tilespmem:$0x1E4C0] =	vst v63  }
0x65: {  	_ =	swait.ge [sflag:s14], $0x1400  }
0x66: {  	[sflag:s14] =	ssyncset.done $0x0  }
0x67: {  	[sflag:s14] =	ssyncadd.s32 $0xFFFFEC00  }
0x68: {  	[tilespmem:s16], [sflag:$0x3] =	stream.linear.gather [hbm4b:s10+s30], $0x1400, $0x38;
	[tilespmem:$0x1E4C0] =	vst v63  }
0x69: {  	_ =	swait.ge [sflag:s14], $0x1400  }
0x6a: {  	[sflag:s14] =	ssyncset.done $0x0  }
0x6b: {  	[sflag:s14] =	ssyncadd.s32 $0xFFFFEC00  }
0x6c: {  	[tilespmem:s18], [sflag:$0x1] =	stream.indirect.gather [hbm4b:s1+s17], $0x80, s15, s17, $0xb8;
	[tilespmem:$0x1E4C0] =	vst v63  }
0x6d: {  	s31 =	simm.s32 $0x13D40  }
0x6e: {  	[tilespmem:s19], [sflag:$0x2] =	stream.indirect.gather [hbm4b:s1+s17], $0x80, s31, s17, $0xb8;
	[tilespmem:$0x1E4C0] =	vst v63  }
0x6f: {  	_ =	swait.ge [sflag:s20], $0x4000  }
0x70: {  	[sflag:s20] =	ssyncset.done $0x0  }
0x71: {  	s29 =	simm.s32 $0x150C0;
	[sflag:s20] =	ssyncadd.s32 $0xFFFFC000  }
0x72: {  	[spmem:s2] =	stream.indirect.scatter.add.f32 [tilespmem:s18], [sflag:$0x3], $0x80, s29, s17, $0xb8;
	[tilespmem:$0x1E4C0] =	vst v63  }
0x73: {  	_ =	swait.ge [sflag:s14], $0x4000  }
0x74: {  	[sflag:s14] =	ssyncset.done $0x0  }
0x75: {  	s30 =	simm.s32 $0x13DC0;
	[sflag:s14] =	ssyncadd.s32 $0xFFFFC000  }
0x76: {  	[tilespmem:s18], [sflag:$0x1] =	stream.indirect.gather [hbm4b:s1+s17], $0x80, s30, s17, $0xb8;
	[tilespmem:$0x1E4C0] =	vst v63  }
0x77: {  	_ =	swait.ge [sflag:s21], $0x4000  }
0x78: {  	[sflag:s21] =	ssyncset.done $0x0  }
0x79: {  	s31 =	simm.s32 $0x15140;
	[sflag:s21] =	ssyncadd.s32 $0xFFFFC000  }
0x7a: {  	[spmem:s2] =	stream.indirect.scatter.add.f32 [tilespmem:s19], [sflag:$0x3], $0x80, s31, s17, $0xb8;
	[tilespmem:$0x1E4C0] =	vst v63  }
0x7b: {  	_ =	swait.ge [sflag:s14], $0x4000  }
0x7c: {  	s26 =	simm.s32 $0x100;
	s28 =	simm.s32 $0x800;
	[sflag:s14] =	ssyncset.done $0x0  }
.LBB2_4:
0x7d: {  	s29 =	sadd.s32 $0x13D40, s26  }
0x7e: {  	[sflag:s14] =	ssyncadd.s32 $0xFFFFC000;
	s30 =	smov.u32 s28;
	s31 =	sadd.s32 $0x400, s28  }
0x7f: {  	[tilespmem:s19], [sflag:$0x2] =	stream.indirect.gather [hbm4b:s1+s17], $0x80, s29, s17, $0xb8;
	[tilespmem:$0x1E4C0] =	vst v63  }
0x80: {  	p0 =	sne.s32 s28, $0x4800;
	_ =	swait.ge [sflag:s20], $0x4000  }
0x81: {  	[sflag:s20] =	ssyncset.done $0x0  }
0x82: {  	s28 =	sadd.s32 $0x150C0, s26;
	[sflag:s20] =	ssyncadd.s32 $0xFFFFC000  }
0x83: {  	[spmem:s2] =	stream.indirect.scatter.add.f32 [tilespmem:s18], [sflag:$0x3], $0x80, s28, s17, $0xb8;
	[tilespmem:$0x1E4C0] =	vst v63  }
0x84: {  	_ =	swait.ge [sflag:s14], $0x4000  }
0x85: {  	[sflag:s14] =	ssyncset.done $0x0  }
0x86: {  	s28 =	sadd.s32 $0x13DC0, s26;
	[sflag:s14] =	ssyncadd.s32 $0xFFFFC000  }
0x87: {  	[tilespmem:s18], [sflag:$0x1] =	stream.indirect.gather [hbm4b:s1+s17], $0x80, s28, s17, $0xb8;
	[tilespmem:$0x1E4C0] =	vst v63  }
0x88: {  	_ =	swait.ge [sflag:s21], $0x4000  }
.Ltmp1:
0x89: {  	[sflag:s21] =	ssyncset.done $0x0;
	(pc) =	sbr.rel @p0 .LBB2_4-.Ltmp1, $4  }
0x8a: {  	s26 =	sadd.s32 $0x15140, s26;
	[sflag:s21] =	ssyncadd.s32 $0xFFFFC000  }
0x8b: {  	[spmem:s2] =	stream.indirect.scatter.add.f32 [tilespmem:s19], [sflag:$0x3], $0x80, s26, s17, $0xb8;
	[tilespmem:$0x1E4C0] =	vst v63  }
0x8c: {  	_ =	swait.ge [sflag:s14], $0x4000  }
0x8d: {  	s28 =	smov.u32 s31;
	s26 =	sshra.s32 s30, $0x2;
	[sflag:s14] =	ssyncset.done $0x0  }
0x8e: {  	s28 =	sadd.s32 $0x13D40, s26;
	[sflag:s14] =	ssyncadd.s32 $0xFFFFC000  }
0x8f: {  	[tilespmem:s19], [sflag:$0x2] =	stream.indirect.gather [hbm4b:s1+s17], $0x80, s28, s17, $0xb8;
	[tilespmem:$0x1E4C0] =	vst v63  }
0x90: {  	_ =	swait.ge [sflag:s20], $0x4000  }
0x91: {  	[sflag:s20] =	ssyncset.done $0x0  }
0x92: {  	s29 =	sadd.s32 $0x150C0, s26;
	[sflag:s20] =	ssyncadd.s32 $0xFFFFC000  }
0x93: {  	[spmem:s2] =	stream.indirect.scatter.add.f32 [tilespmem:s18], [sflag:$0x3], $0x80, s29, s17, $0xb8;
	[tilespmem:$0x1E4C0] =	vst v63  }
0x94: {  	_ =	swait.ge [sflag:s14], $0x4000  }
0x95: {  	[sflag:s14] =	ssyncset.done $0x0  }
0x96: {  	s30 =	sadd.s32 $0x13DC0, s26;
	[sflag:s14] =	ssyncadd.s32 $0xFFFFC000  }
0x97: {  	[tilespmem:s18], [sflag:$0x1] =	stream.indirect.gather [hbm4b:s1+s17], $0x80, s30, s17, $0xb8;
	[tilespmem:$0x1E4C0] =	vst v63  }
0x98: {  	_ =	swait.ge [sflag:s21], $0x4000  }
0x99: {  	[sflag:s21] =	ssyncset.done $0x0  }
0x9a: {  	s31 =	sadd.s32 $0x15140, s26;
	[sflag:s21] =	ssyncadd.s32 $0xFFFFC000  }
0x9b: {  	[spmem:s2] =	stream.indirect.scatter.add.f32 [tilespmem:s19], [sflag:$0x3], $0x80, s31, s17, $0xb8;
	[tilespmem:$0x1E4C0] =	vst v63  }
0x9c: {  	_ =	swait.ge [sflag:s14], $0x4000  }
0x9d: {  	[sflag:s14] =	ssyncset.done $0x0  }
0x9e: {  	[sflag:s14] =	ssyncadd.s32 $0xFFFFC000  }
0x9f: {  	[tilespmem:s19], [sflag:$0x2] =	stream.indirect.gather [hbm4b:s1+s17], $0x80, s22, s17, $0xb8;
	[tilespmem:$0x1E4C0] =	vst v63  }
0xa0: {  	_ =	swait.ge [sflag:s20], $0x4000  }
0xa1: {  	[sflag:s20] =	ssyncset.done $0x0  }
0xa2: {  	[sflag:s20] =	ssyncadd.s32 $0xFFFFC000  }
0xa3: {  	[spmem:s2] =	stream.indirect.scatter.add.f32 [tilespmem:s18], [sflag:$0x3], $0x80, s23, s17, $0xb8;
	[tilespmem:$0x1E4C0] =	vst v63  }
0xa4: {  	_ =	swait.ge [sflag:s14], $0x4000  }
0xa5: {  	[sflag:s14] =	ssyncset.done $0x0  }
0xa6: {  	[sflag:s14] =	ssyncadd.s32 $0xFFFFC000  }
0xa7: {  	_ =	swait.ge [sflag:s21], $0x4000  }
0xa8: {  	[sflag:s21] =	ssyncset.done $0x0  }
0xa9: {  	[sflag:s21] =	ssyncadd.s32 $0xFFFFC000  }
0xaa: {  	[spmem:s2] =	stream.indirect.scatter.add.f32 [tilespmem:s19], [sflag:$0x3], $0x80, s24, s17, $0xb8;
	[tilespmem:$0x1E4C0] =	vst v63  }
0xab: {  	_ =	swait.ge [sflag:s14], $0x4000  }
0xac: {  	s25 =	sadd.s32 $0x1, s25;
	[sflag:s14] =	ssyncset.done $0x0  }
0xad: {  	p0 =	sne.s32 s25, s11;
	[sflag:s14] =	ssyncadd.s32 $0xFFFFC000  }
.Ltmp2:
0xae: {  	[bflag:$0x0] =	sbarrier.arrive $0xFFFF;
	(pc) =	sbr.rel @p0 .LBB2_1-.Ltmp2, $4  }
0xaf: {  	[hbm:s12], [sflag:s6] =	dma.local [spmem:s13], $0x2780  }
0xb0: {  	_ =	swait.ge [sflag:s14], $0x2780  }
0xb1: {  	[sflag:s14] =	ssyncset.done $0x0  }
0xb2: {  	[sflag:s14] =	ssyncadd.s32 $0xFFFFD880  }
0xb3: {  	_ =	sfence.sel $0x180000  }
0xb4: {  	[bflag:$0x0] =	sbarrier.arrive $0xFFFF  }
0xb5: {  	p0 =	sne.s32 s3, $0x0;
	_ =	strace $0x90000047  }
0xb6: {  	s0 =	sadd.s32 @!p0 $0x100000, s0;
	[bflag:$0x2] =	sbarrier.arrive $0xFFFF  }
0xb7: {  	[sflag:s0] =	ssyncadd.tile.s32 @!p0 $0x1;
	_ =	shalt  }
.Lfunc_end2:
_tile_overlayer_lowered:
.L_overlay_start_2:
0xb8: {  	(tag) =	ssettag $0x2  }
0xb9: {  	s0 =	rddreg [dreg:$0x0];
	s2 =	stileid.u32  }
0xba: {  	s1 =	rddreg [dreg:$0x1];
	p0 =	sne.s32 s2, $0x0  }
0xbb: {  	s3 =	rddreg [dreg:$0x2];
	[bflag:$0x3] =	sbarrier.arrive $0xFFFF;
	s2 =	simm.s32 @!p0 $0x1C03  }
0xbc: {  	[timem:s3], [sflag:s2] =	dma.local @!p0 [hbm:s0], s1  }
0xbd: {  	s0 =	simm.s32 @!p0 $0x3  }
0xbe: {  	_ =	swait.ge @!p0 [sflag:s0], s1  }
0xbf: {  	s1 =	ssub.s32 @!p0 $0x0, s1;
	[sflag:s0] =	ssyncset.done @!p0 $0x0  }
0xc0: {  	[sflag:s0] =	ssyncadd.s32 @!p0 s1  }
0xc1: {  	[bflag:$0x3] =	sbarrier.arrive $0xFFFF  }
0xc2: {  	_ =	shalt  }

// kernel: kernel.15.cloned.1.call-start
scs
__scs_entry_jumppad:
0x0: {  	(pc) =	sbr.rel $0x88, $3  }
0x1: {  	(tag) =	ssettag $0x0;
	lr =	simm.s32 $0x1  }
0x2: {  	[smem:$0x3F97] =	sst lr;
	_ =	strace $0xD0000000  }
0x3: {  	_ = 	snop  }
0x4: {  	_ = 	snop  }
0x5: {  	_ = 	snop  }
0x6: {  	_ = 	snop  }
0x7: {  	_ = 	snop  }
__scs_overlays_trampoline_lowered:
0x8: {  	[smem:$0x3FA6] =	sst s0  }
0x9: {  	[smem:$0x3FA7] =	sst s1  }
0xa: {  	[smem:$0x3FA8] =	sst s2  }
0xb: {  	[smem:$0x3FA9] =	sst s3  }
0xc: {  	[smem:$0x3FAA] =	sst s4  }
0xd: {  	[smem:$0x3FAB] =	sst s5  }
0xe: {  	[smem:$0x3FAC] =	sst s6  }
0xf: {  	[smem:$0x3FAD] =	sst s7  }
0x10: {  	[smem:$0x3FAE] =	sst s8  }
0x11: {  	[smem:$0x3FAF] =	sst s9;
	s0 =	simm.s32 @!p0 $0x0  }
0x12: {  	s1 =	sld [smem:$0x3F95];
	s0 =	simm.s32 @p0 $0x1  }
0x13: {  	[smem:$0x3FB0] =	sst s0;
	s0 =	simm.s32 @!p1 $0x0  }
0x14: {  	s2 =	sld [smem:$0x3F94];
	s0 =	simm.s32 @p1 $0x1  }
0x15: {  	[smem:$0x3FB1] =	sst s0;
	s0 =	simm.s32 @!p2 $0x0  }
0x16: {  	s3 =	sld [smem:$0x3FDB];
	s0 =	simm.s32 @p2 $0x1  }
0x17: {  	s4 =	simm.s32 $0x1BF5;
	[smem:$0x3FB3] =	sst s0  }
0x18: {  	s0 =	sld [smem:$0x3F96];
	_ =	swait.ge [sflag:s4], $0x0  }
0x19: {  	s7 =	sld [smem:$0x3F97]  }
0x1a: {  	s8 =	sadd.s32 $0xFFFFE003, lr  }
0x1b: {  	s9 =	sadd.s32 $0xFFFFFEF7, lr;
	s5 =	simm.s32 $0xFFFFFFFF;
	p2 =	slt.u32 s8, $0xFFFFF086  }
0x1c: {  	p1 =	slt.u32 s9, $0xF7A;
	s5 =	simm.s32 @!p2 $0x0  }
0x1d: {  	s5 =	simm.s32 @p1 $0x1;
	p0 =	seq.s32 s7, s2  }
0x1e: {  	s7 =	smul.u32 @!p0 $0xF7A, s2;
	p2 =	seq.s32 @!p0 s5, $0x0  }
0x1f: {  	s9 =	smul.u32 $0xF7A, s1;
	s8 =	simm.s32 @!p0 $0x1BF5;
	p2 =	por !p2, p0  }
0x20: {  	[sflag:s8] =	ssyncset.s32 @!p0 $0xFFFFF086;
	s6 =	sadd.s32 @!p0 s3, s7;
	s7 =	simm.s32 @!p0 $0x108  }
0x21: {  	s3 =	sadd.s32 s3, s9;
	s6 =	sadd.s32 @!p0 $0x88, s6;
	s7 =	simm.s32 @p2 $0x1082  }
0x22: {  	[simem:s7], [sflag:s8] =	dma.local @!p0 [hbm:s6], $0xF7A  }
0x23: {  	s9 =	sor.u32 $0xD0000000, s2;
	s6 =	simm.s32 $0x108;
	_ =	swait.ge @!p0 [sflag:s8], $0x0  }
0x24: {  	s3 =	sadd.s32 $0x88, s3;
	s6 =	simm.s32 @!p1 $0x1082;
	[sflag:s4] =	ssyncset.s32 $0xFFFFF086  }
0x25: {  	[simem:s6], [sflag:s4] =	dma.local [hbm:s3], $0xF7A  }
0x26: {  	[smem:$0x3F97] =	sst s1;
	(tag) =	ssettag s2;
	_ =	strace s9  }
0x27: {  	s1 =	sld [smem:$0x3FA7]  }
0x28: {  	s2 =	sld [smem:$0x3FA8]  }
0x29: {  	s4 =	sld [smem:$0x3FAA]  }
0x2a: {  	p0 =	seq.s32 s5, $0x0;
	s5 =	sld [smem:$0x3FAB]  }
0x2b: {  	s6 =	sld [smem:$0x3FAC]  }
0x2c: {  	s7 =	sld [smem:$0x3FAD]  }
0x2d: {  	s3 =	simm.s32 $0x108;
	s8 =	sld [smem:$0x3FAE]  }
0x2e: {  	s3 =	simm.s32 @!p0 $0x1082;
	s9 =	sld [smem:$0x3FAF]  }
0x2f: {  	lr =	sadd.s32 s0, s3;
	s0 =	sld [smem:$0x3FA6]  }
0x30: {  	s3 =	sld [smem:$0x3FA9]  }
0x31: {  	[smem:$0x3FB2] =	sst s10  }
0x32: {  	s10 =	sld [smem:$0x3FB0];
	_ =	sdelay $0x3  }
0x33: {  	p0 =	seq.s32 s10, $0x1;
	s10 =	sld [smem:$0x3FB2];
	_ =	sdelay $0x3  }
0x34: {  	[smem:$0x3FB2] =	sst s10  }
0x35: {  	s10 =	sld [smem:$0x3FB1];
	_ =	sdelay $0x3  }
0x36: {  	p1 =	seq.s32 s10, $0x1;
	s10 =	sld [smem:$0x3FB2];
	_ =	sdelay $0x3  }
0x37: {  	[smem:$0x3FB2] =	sst s10  }
0x38: {  	s10 =	sld [smem:$0x3FB3]  }
0x39: {  	_ = 	snop;
	(pc) =	sbr.ind lr, $3  }
0x3a: {  	_ = 	snop  }
0x3b: {  	_ = 	snop  }
0x3c: {  	p2 =	seq.s32 s10, $0x1;
	s10 =	sld [smem:$0x3FB2]  }
0x3d: {  	_ =	shalt  }
0x3e: {  	_ =	shalt  }
0x3f: {  	_ =	shalt  }
0x40: {  	_ =	shalt  }
0x41: {  	_ =	shalt  }
0x42: {  	_ =	shalt  }
0x43: {  	_ =	shalt  }
0x44: {  	_ =	shalt  }
0x45: {  	_ =	shalt  }
0x46: {  	_ =	shalt  }
0x47: {  	_ =	shalt  }
0x48: {  	_ =	shalt  }
0x49: {  	_ =	shalt  }
0x4a: {  	_ =	shalt  }
0x4b: {  	_ =	shalt  }
0x4c: {  	_ =	shalt  }
0x4d: {  	_ =	shalt  }
0x4e: {  	_ =	shalt  }
0x4f: {  	_ =	shalt  }
0x50: {  	_ =	shalt  }
0x51: {  	_ =	shalt  }
0x52: {  	_ =	shalt  }
0x53: {  	_ =	shalt  }
0x54: {  	_ =	shalt  }
0x55: {  	_ =	shalt  }
0x56: {  	_ =	shalt  }
0x57: {  	_ =	shalt  }
0x58: {  	_ =	shalt  }
0x59: {  	_ =	shalt  }
0x5a: {  	_ =	shalt  }
0x5b: {  	_ =	shalt  }
0x5c: {  	_ =	shalt  }
0x5d: {  	_ =	shalt  }
0x5e: {  	_ =	shalt  }
0x5f: {  	_ =	shalt  }
0x60: {  	_ =	shalt  }
0x61: {  	_ =	shalt  }
0x62: {  	_ =	shalt  }
0x63: {  	_ =	shalt  }
0x64: {  	_ =	shalt  }
0x65: {  	_ =	shalt  }
0x66: {  	_ =	shalt  }
0x67: {  	_ =	shalt  }
0x68: {  	_ =	shalt  }
0x69: {  	_ =	shalt  }
0x6a: {  	_ =	shalt  }
0x6b: {  	_ =	shalt  }
0x6c: {  	_ =	shalt  }
0x6d: {  	_ =	shalt  }
0x6e: {  	_ =	shalt  }
0x6f: {  	_ =	shalt  }
0x70: {  	_ =	shalt  }
0x71: {  	_ =	shalt  }
0x72: {  	_ =	shalt  }
0x73: {  	_ =	shalt  }
0x74: {  	_ =	shalt  }
0x75: {  	_ =	shalt  }
0x76: {  	_ =	shalt  }
0x77: {  	_ =	shalt  }
0x78: {  	_ =	shalt  }
0x79: {  	_ =	shalt  }
0x7a: {  	_ =	shalt  }
0x7b: {  	_ =	shalt  }
0x7c: {  	_ =	shalt  }
0x7d: {  	_ =	shalt  }
0x7e: {  	_ =	shalt  }
0x7f: {  	_ =	shalt  }
0x80: {  	_ =	shalt  }
0x81: {  	_ =	shalt  }
0x82: {  	_ =	shalt  }
0x83: {  	_ =	shalt  }
0x84: {  	_ =	shalt  }
0x85: {  	_ =	shalt  }
0x86: {  	_ =	shalt  }
0x87: {  	_ =	shalt  }
.Lfunc_end0:
.L_simem_size_0:
called_computation.1_lowered:
.L_overlay_start_0:
0x88: {  	s2 =	sld [smem:$0x3FD9]  }
0x89: {  	s3 =	sld [smem:$0x3FFE];
	_ =	sdelay $0x1  }
0x8a: {  	s1 =	srdreg.scid  }
0x8b: {  	s0 =	sand.u32 $0x1, s1  }
0x8c: {  	s16 =	sshll.u32 s0, $0xA;
	s2 =	sadd.s32 s3, s2  }
0x8d: {  	s2 =	sadd.s32 s2, s16  }
0x8e: {  	[smem:$0x3FBE] =	sst s2  }
0x8f: {  	_ = 	snop  }
0x90: {  	(tm) =	ssettm $0x1  }
0x91: {  	s17 =	sld [smem:$0x3FFB];
	_ =	sdelay $0x3  }
0x92: {  	_ =	strace s17  }
0x93: {  	s2 =	sld [smem:$0x3FFC];
	_ =	sdelay $0x3  }
0x94: {  	_ =	strace s2  }
0x95: {  	s2 =	sld [smem:$0x3FFD];
	_ =	sdelay $0x3  }
0x96: {  	_ =	strace s2  }
0x97: {  	_ =	strace $0x8FFFFFFF  }
0x98: {  	s18 =	sld [smem:$0x3FDB];
	_ =	sdelay $0x1  }
0x99: {  	s19 =	simm.s32 $_scs_section_size  }
0x9a: {  	s4 =	simm.s32 $_size__tile_overlayer_lowered;
	s5 =	simm.s32 $_tile_overlayer_lowered  }
0x9b: {  	s22 =	simm.s32 $0x1BFF;
	s21 =	sshll.u32 s5, $0x1;
	s2 =	sadd.s32 s19, s18  }
0x9c: {  	s6 =	simm.s32 $0x0;
	s20 =	sshll.u32 s4, $0x1;
	s4 =	sadd.s32 s21, s2  }
0x9d: {  	[timem:s6], [sflag:s22] =	dma.local [hbm:s4], s20  }
0x9e: {  	_ =	swait.ge [sflag:s22], s20  }
0x9f: {  	s3 =	ssub.s32 $0x0, s20;
	[sflag:s22] =	ssyncset.done $0x0  }
0xa0: {  	[sflag:s22] =	ssyncadd.s32 s3;
	_ =	sdelay $0x1  }
0xa1: {  	s23 =	simm.s32 $0x1B8B  }
0xa2: {  	_ =	swait.ge [sflag:s23], $0x1  }
0xa3: {  	[sflag:s23] =	ssyncset.done $0x0  }
0xa4: {  	s25 =	simm.s32 $0x1B8E;
	s24 =	sld [smem:$0x3FFE];
	[sflag:s23] =	ssyncadd.s32 $0xFFFFFFFF  }
0xa5: {  	s26 =	simm.s32 $execute0_lowered;
	[smem:$0x3FD2] =	sst s25  }
0xa6: {  	s4 =	sshll.u32 s26, $0x1;
	_ =	strace $0x80000049;
	[dreg:$0x1] =	wrdreg $0xFFFFFFFF  }
0xa7: {  	s28 =	simm.s32 $_size_execute0_lowered;
	s2 =	sadd.s32 s2, s4;
	[dreg:$0x0] =	wrdreg $0x0  }
0xa8: {  	s4 =	sshll.u32 s28, $0x1;
	[dreg:$0x2] =	wrdreg s2  }
0xa9: {  	[dreg:$0x3] =	wrdreg s4  }
0xaa: {  	[dreg:$0x4] =	wrdreg $0xC0  }
0xab: {  	_ =	task [dreg:s6], $0x5FFFF  }
0xac: {  	[dreg:$0x1] =	wrdreg $0xFFFFFFFF  }
0xad: {  	[dreg:$0x0] =	wrdreg $0x60  }
0xae: {  	[dreg:$0x2] =	wrdreg s24  }
0xaf: {  	[dreg:$0x3] =	wrdreg $0x0  }
0xb0: {  	[dreg:$0x4] =	wrdreg $0x9  }
0xb1: {  	_ =	task.clear_ibuf [dreg:s6], $0x5FFFF;
	_ =	strace $0x90000049  }
0xb2: {  	s29 =	simm.s32 $0x9;
	_ =	strace $0x8000004B  }
0xb3: {  	_ =	swait.ge [sflag:s29], $0x1  }
0xb4: {  	[sflag:s29] =	ssyncadd.s32 $0xFFFFFFFF  }
0xb5: {  	_ =	strace $0x9000004B  }
0xb6: {  	_ =	sfence  }
0xb7: {  	s30 =	sld [smem:$0x0];
	_ =	sdelay $0x2  }
0xb8: {  	s31 =	sshll.u32 s1, $0xD;
	s1 =	sshrl.u32 s1, $0x2  }
0xb9: {  	s3 =	sand.u32 $0x4000, s31;
	s1 =	sadd.s32 s1, s30  }
0xba: {  	s0 =	sor.u32 s3, s0;
	s1 =	sshll.u32 s1, $0x11  }
0xbb: {  	s0 =	sor.u32 s1, s0  }
0xbc: {  	s0 =	sadd.s32 $0x8F2B, s0  }
0xbd: {  	[sflag:s0] =	ssyncadd.remote.s32 $0x1  }
0xbe: {  	_ =	sfence.sel $0xFFFF  }
0xbf: {  	[dreg:$0x0] =	wrdreg $0xFFFFFFFF;
	(pc) =	sbr.abs _section_cstart, $3  }
0xc0: {  	[dreg:$0x1] =	wrdreg $0xFFFFFFFF  }
0xc1: {  	_ =	task.clear_ibuf [dreg:s6], $0x2FFFF;
	_ =	strace $0x9FFFFFFF  }
0xc2: {  	(tm) =	ssettm $0x7FFFFFFF  }
0xc3: {  	_ =	shalt  }
tec
execute0_lowered:
.L_overlay_start_1:
0x0: {  	(tag) =	ssettag $0x1  }
0x1: {  	s5 =	rddreg [dreg:$0x0]  }
0x2: {  	s1 =	rddreg [dreg:$0x1]  }
0x3: {  	s0 =	rddreg [dreg:$0x2];
	s3 =	simm.s32 $0x0;
	s2 =	stileid.u32  }
0x4: {  	s7 =	srdreg.scid;
	s17 =	simm.s32 $0x80;
	s18 =	simm.s32 $0x164C0  }
0x5: {  	s19 =	simm.s32 $0x1A4C0;
	s20 =	simm.s32 $0x1;
	s21 =	simm.s32 $0x2  }
0x6: {  	s22 =	simm.s32 $0x15040;
	s23 =	simm.s32 $0x163C0;
	s24 =	simm.s32 $0x16440  }
0x7: {  	s25 =	simm.s32 $0x0;
	[smem:$0x7FF] =	sst s3;
	s4 =	sadd.s32 $0x40600, s5  }
0x8: {  	s9 =	sadd.s32 $0x5400, s5;
	s6 =	smul.u32 $0x278, s2;
	s10 =	sadd.s32 $0xF400, s5  }
0x9: {  	p0 =	seq.s32 s2, $0xF;
	s11 =	sand.u32 $0x1, s7;
	s30 =	sshll.u32 s2, $0x6  }
0xa: {  	_ =	strace $0x8000004A;
	s7 =	ssub.s32 $0x2, s11;
	s8 =	sshll.u32 s11, $0x4  }
0xb: {  	s6 =	simm.s32 @p0 $0x2498;
	s13 =	sshrl.u32 s7, $0x1;
	s8 =	sor.u32 s2, s8  }
0xc: {  	p0 =	seq.s32 s11, $0x1;
	s12 =	sshll.u32 s6, $0x4;
	s14 =	smul.u32 $0x500, s8  }
0xd: {  	s13 =	ssub.s32 s7, s13;
	s29 =	sshll.u32 s6, $0x7;
	s15 =	smul.u32 $0x2800, s8  }
0xe: {  	s6 =	sor.u32 $0x1C03, s30;
	s12 =	sadd.s32 s12, s5;
	s16 =	sadd.s32 s29, s1  }
0xf: {  	s11 =	smax.u32 s13, $0x1;
	s5 =	sadd.s32 $0x19400, s12;
	s7 =	sadd.s32 s9, s14  }
0x10: {  	s8 =	sadd.s32 s10, s14;
	s31 =	sshrl.u32 s15, $0x3;
	s15 =	simm.s32 $0xB5C00  }
0x11: {  	s13 =	sshrl.u32 s16, $0x3;
	s16 =	simm.s32 $0x150C0;
	s14 =	sadd.s32 $0x280, s31  }
0x12: {  	s15 =	simm.s32 @!p0 $0x8EA00;
	s9 =	sadd.s32 s9, s14;
	s10 =	sadd.s32 s10, s14  }
0x13: {  	s12 =	sadd.s32 s15, s12;
	s14 =	simm.s32 $0x3;
	s15 =	simm.s32 $0x13CC0  }
.LBB2_1:
0x14: {  	[spmem:s13], [sflag:s6] =	dma.local [hbm:s5], $0x2780  }
0x15: {  	_ =	swait.ge [sflag:s14], $0x2780  }
0x16: {  	[sflag:s14] =	ssyncset.done $0x0  }
0x17: {  	[sflag:s14] =	ssyncadd.s32 $0xFFFFD880  }
0x18: {  	[bflag:$0x0] =	sbarrier.arrive $0xFFFF  }
0x19: {  	[tilespmem:s15], [sflag:$0x3] =	stream.linear.gather [hbm4b:s7+s3], $0x1400, $0x38;
	[tilespmem:$0x1E4C0] =	vst v63  }
0x1a: {  	_ =	swait.ge [sflag:s14], $0x1400  }
0x1b: {  	[sflag:s14] =	ssyncset.done $0x0  }
0x1c: {  	[sflag:s14] =	ssyncadd.s32 $0xFFFFEC00  }
0x1d: {  	[tilespmem:s16], [sflag:$0x3] =	stream.linear.gather [hbm4b:s8+s3], $0x1400, $0x38;
	[tilespmem:$0x1E4C0] =	vst v63  }
0x1e: {  	_ =	swait.ge [sflag:s14], $0x1400  }
0x1f: {  	[sflag:s14] =	ssyncset.done $0x0  }
0x20: {  	[sflag:s14] =	ssyncadd.s32 $0xFFFFEC00  }
0x21: {  	[tilespmem:s18], [sflag:$0x1] =	stream.indirect.gather [hbm4b:s4+s17], $0x80, s15, s17, $0xb8;
	[tilespmem:$0x1E4C0] =	vst v63  }
0x22: {  	s26 =	simm.s32 $0x13D40  }
0x23: {  	[tilespmem:s19], [sflag:$0x2] =	stream.indirect.gather [hbm4b:s4+s17], $0x80, s26, s17, $0xb8;
	[tilespmem:$0x1E4C0] =	vst v63  }
0x24: {  	_ =	swait.ge [sflag:s20], $0x4000  }
0x25: {  	[sflag:s20] =	ssyncset.done $0x0  }
0x26: {  	s29 =	simm.s32 $0x150C0;
	[sflag:s20] =	ssyncadd.s32 $0xFFFFC000  }
0x27: {  	[spmem:s1] =	stream.indirect.scatter.add.f32 [tilespmem:s18], [sflag:$0x3], $0x80, s29, s17, $0xb8;
	[tilespmem:$0x1E4C0] =	vst v63  }
0x28: {  	_ =	swait.ge [sflag:s14], $0x4000  }
0x29: {  	[sflag:s14] =	ssyncset.done $0x0  }
0x2a: {  	s30 =	simm.s32 $0x13DC0;
	[sflag:s14] =	ssyncadd.s32 $0xFFFFC000  }
0x2b: {  	[tilespmem:s18], [sflag:$0x1] =	stream.indirect.gather [hbm4b:s4+s17], $0x80, s30, s17, $0xb8;
	[tilespmem:$0x1E4C0] =	vst v63  }
0x2c: {  	_ =	swait.ge [sflag:s21], $0x4000  }
0x2d: {  	[sflag:s21] =	ssyncset.done $0x0  }
0x2e: {  	s31 =	simm.s32 $0x15140;
	[sflag:s21] =	ssyncadd.s32 $0xFFFFC000  }
0x2f: {  	[spmem:s1] =	stream.indirect.scatter.add.f32 [tilespmem:s19], [sflag:$0x3], $0x80, s31, s17, $0xb8;
	[tilespmem:$0x1E4C0] =	vst v63  }
0x30: {  	_ =	swait.ge [sflag:s14], $0x4000  }
0x31: {  	s28 =	simm.s32 $0x800;
	s26 =	simm.s32 $0x100;
	[sflag:s14] =	ssyncset.done $0x0  }
.LBB2_2:
0x32: {  	s29 =	sadd.s32 $0x13D40, s26  }
0x33: {  	[sflag:s14] =	ssyncadd.s32 $0xFFFFC000;
	s30 =	smov.u32 s28;
	s31 =	sadd.s32 $0x400, s28  }
0x34: {  	[tilespmem:s19], [sflag:$0x2] =	stream.indirect.gather [hbm4b:s4+s17], $0x80, s29, s17, $0xb8;
	[tilespmem:$0x1E4C0] =	vst v63  }
0x35: {  	p0 =	sne.s32 s28, $0x4800;
	_ =	swait.ge [sflag:s20], $0x4000  }
0x36: {  	[sflag:s20] =	ssyncset.done $0x0  }
0x37: {  	s28 =	sadd.s32 $0x150C0, s26;
	[sflag:s20] =	ssyncadd.s32 $0xFFFFC000  }
0x38: {  	[spmem:s1] =	stream.indirect.scatter.add.f32 [tilespmem:s18], [sflag:$0x3], $0x80, s28, s17, $0xb8;
	[tilespmem:$0x1E4C0] =	vst v63  }
0x39: {  	_ =	swait.ge [sflag:s14], $0x4000  }
0x3a: {  	[sflag:s14] =	ssyncset.done $0x0  }
0x3b: {  	s28 =	sadd.s32 $0x13DC0, s26;
	[sflag:s14] =	ssyncadd.s32 $0xFFFFC000  }
0x3c: {  	[tilespmem:s18], [sflag:$0x1] =	stream.indirect.gather [hbm4b:s4+s17], $0x80, s28, s17, $0xb8;
	[tilespmem:$0x1E4C0] =	vst v63  }
0x3d: {  	_ =	swait.ge [sflag:s21], $0x4000  }
.Ltmp0:
0x3e: {  	[sflag:s21] =	ssyncset.done $0x0;
	(pc) =	sbr.rel @p0 .LBB2_2-.Ltmp0, $4  }
0x3f: {  	s26 =	sadd.s32 $0x15140, s26;
	[sflag:s21] =	ssyncadd.s32 $0xFFFFC000  }
0x40: {  	[spmem:s1] =	stream.indirect.scatter.add.f32 [tilespmem:s19], [sflag:$0x3], $0x80, s26, s17, $0xb8;
	[tilespmem:$0x1E4C0] =	vst v63  }
0x41: {  	_ =	swait.ge [sflag:s14], $0x4000  }
0x42: {  	s28 =	smov.u32 s31;
	s26 =	sshra.s32 s30, $0x2;
	[sflag:s14] =	ssyncset.done $0x0  }
0x43: {  	s28 =	sadd.s32 $0x13D40, s26;
	[sflag:s14] =	ssyncadd.s32 $0xFFFFC000  }
0x44: {  	[tilespmem:s19], [sflag:$0x2] =	stream.indirect.gather [hbm4b:s4+s17], $0x80, s28, s17, $0xb8;
	[tilespmem:$0x1E4C0] =	vst v63  }
0x45: {  	_ =	swait.ge [sflag:s20], $0x4000  }
0x46: {  	[sflag:s20] =	ssyncset.done $0x0  }
0x47: {  	s28 =	sadd.s32 $0x150C0, s26;
	[sflag:s20] =	ssyncadd.s32 $0xFFFFC000  }
0x48: {  	[spmem:s1] =	stream.indirect.scatter.add.f32 [tilespmem:s18], [sflag:$0x3], $0x80, s28, s17, $0xb8;
	[tilespmem:$0x1E4C0] =	vst v63  }
0x49: {  	_ =	swait.ge [sflag:s14], $0x4000  }
0x4a: {  	[sflag:s14] =	ssyncset.done $0x0  }
0x4b: {  	s28 =	sadd.s32 $0x13DC0, s26;
	[sflag:s14] =	ssyncadd.s32 $0xFFFFC000  }
0x4c: {  	[tilespmem:s18], [sflag:$0x1] =	stream.indirect.gather [hbm4b:s4+s17], $0x80, s28, s17, $0xb8;
	[tilespmem:$0x1E4C0] =	vst v63  }
0x4d: {  	_ =	swait.ge [sflag:s21], $0x4000  }
0x4e: {  	[sflag:s21] =	ssyncset.done $0x0  }
0x4f: {  	s29 =	sadd.s32 $0x15140, s26;
	[sflag:s21] =	ssyncadd.s32 $0xFFFFC000  }
0x50: {  	[spmem:s1] =	stream.indirect.scatter.add.f32 [tilespmem:s19], [sflag:$0x3], $0x80, s29, s17, $0xb8;
	[tilespmem:$0x1E4C0] =	vst v63  }
0x51: {  	_ =	swait.ge [sflag:s14], $0x4000  }
0x52: {  	[sflag:s14] =	ssyncset.done $0x0  }
0x53: {  	[sflag:s14] =	ssyncadd.s32 $0xFFFFC000  }
0x54: {  	[tilespmem:s19], [sflag:$0x2] =	stream.indirect.gather [hbm4b:s4+s17], $0x80, s22, s17, $0xb8;
	[tilespmem:$0x1E4C0] =	vst v63  }
0x55: {  	_ =	swait.ge [sflag:s20], $0x4000  }
0x56: {  	[sflag:s20] =	ssyncset.done $0x0  }
0x57: {  	[sflag:s20] =	ssyncadd.s32 $0xFFFFC000  }
0x58: {  	[spmem:s1] =	stream.indirect.scatter.add.f32 [tilespmem:s18], [sflag:$0x3], $0x80, s23, s17, $0xb8;
	[tilespmem:$0x1E4C0] =	vst v63  }
0x59: {  	_ =	swait.ge [sflag:s14], $0x4000  }
0x5a: {  	[sflag:s14] =	ssyncset.done $0x0  }
0x5b: {  	[sflag:s14] =	ssyncadd.s32 $0xFFFFC000  }
0x5c: {  	_ =	swait.ge [sflag:s21], $0x4000  }
0x5d: {  	[sflag:s21] =	ssyncset.done $0x0  }
0x5e: {  	[sflag:s21] =	ssyncadd.s32 $0xFFFFC000  }
0x5f: {  	[spmem:s1] =	stream.indirect.scatter.add.f32 [tilespmem:s19], [sflag:$0x3], $0x80, s24, s17, $0xb8;
	[tilespmem:$0x1E4C0] =	vst v63  }
0x60: {  	_ =	swait.ge [sflag:s14], $0x4000  }
0x61: {  	[sflag:s14] =	ssyncset.done $0x0  }
0x62: {  	s30 =	simm.s32 $0x0;
	[sflag:s14] =	ssyncadd.s32 $0xFFFFC000  }
0x63: {  	[tilespmem:s15], [sflag:$0x3] =	stream.linear.gather [hbm4b:s9+s30], $0x1400, $0x38;
	[tilespmem:$0x1E4C0] =	vst v63  }
0x64: {  	_ =	swait.ge [sflag:s14], $0x1400  }
0x65: {  	[sflag:s14] =	ssyncset.done $0x0  }
0x66: {  	[sflag:s14] =	ssyncadd.s32 $0xFFFFEC00  }
0x67: {  	[tilespmem:s16], [sflag:$0x3] =	stream.linear.gather [hbm4b:s10+s30], $0x1400, $0x38;
	[tilespmem:$0x1E4C0] =	vst v63  }
0x68: {  	_ =	swait.ge [sflag:s14], $0x1400  }
0x69: {  	[sflag:s14] =	ssyncset.done $0x0  }
0x6a: {  	[sflag:s14] =	ssyncadd.s32 $0xFFFFEC00  }
0x6b: {  	[tilespmem:s18], [sflag:$0x1] =	stream.indirect.gather [hbm4b:s4+s17], $0x80, s15, s17, $0xb8;
	[tilespmem:$0x1E4C0] =	vst v63  }
0x6c: {  	s31 =	simm.s32 $0x13D40  }
0x6d: {  	[tilespmem:s19], [sflag:$0x2] =	stream.indirect.gather [hbm4b:s4+s17], $0x80, s31, s17, $0xb8;
	[tilespmem:$0x1E4C0] =	vst v63  }
0x6e: {  	_ =	swait.ge [sflag:s20], $0x4000  }
0x6f: {  	[sflag:s20] =	ssyncset.done $0x0  }
0x70: {  	s29 =	simm.s32 $0x150C0;
	[sflag:s20] =	ssyncadd.s32 $0xFFFFC000  }
0x71: {  	[spmem:s1] =	stream.indirect.scatter.add.f32 [tilespmem:s18], [sflag:$0x3], $0x80, s29, s17, $0xb8;
	[tilespmem:$0x1E4C0] =	vst v63  }
0x72: {  	_ =	swait.ge [sflag:s14], $0x4000  }
0x73: {  	[sflag:s14] =	ssyncset.done $0x0  }
0x74: {  	s30 =	simm.s32 $0x13DC0;
	[sflag:s14] =	ssyncadd.s32 $0xFFFFC000  }
0x75: {  	[tilespmem:s18], [sflag:$0x1] =	stream.indirect.gather [hbm4b:s4+s17], $0x80, s30, s17, $0xb8;
	[tilespmem:$0x1E4C0] =	vst v63  }
0x76: {  	_ =	swait.ge [sflag:s21], $0x4000  }
0x77: {  	[sflag:s21] =	ssyncset.done $0x0  }
0x78: {  	s31 =	simm.s32 $0x15140;
	[sflag:s21] =	ssyncadd.s32 $0xFFFFC000  }
0x79: {  	[spmem:s1] =	stream.indirect.scatter.add.f32 [tilespmem:s19], [sflag:$0x3], $0x80, s31, s17, $0xb8;
	[tilespmem:$0x1E4C0] =	vst v63  }
0x7a: {  	_ =	swait.ge [sflag:s14], $0x4000  }
0x7b: {  	s26 =	simm.s32 $0x100;
	s28 =	simm.s32 $0x800;
	[sflag:s14] =	ssyncset.done $0x0  }
.LBB2_4:
0x7c: {  	s29 =	sadd.s32 $0x13D40, s26  }
0x7d: {  	[sflag:s14] =	ssyncadd.s32 $0xFFFFC000;
	s30 =	smov.u32 s28;
	s31 =	sadd.s32 $0x400, s28  }
0x7e: {  	[tilespmem:s19], [sflag:$0x2] =	stream.indirect.gather [hbm4b:s4+s17], $0x80, s29, s17, $0xb8;
	[tilespmem:$0x1E4C0] =	vst v63  }
0x7f: {  	p0 =	sne.s32 s28, $0x4800;
	_ =	swait.ge [sflag:s20], $0x4000  }
0x80: {  	[sflag:s20] =	ssyncset.done $0x0  }
0x81: {  	s28 =	sadd.s32 $0x150C0, s26;
	[sflag:s20] =	ssyncadd.s32 $0xFFFFC000  }
0x82: {  	[spmem:s1] =	stream.indirect.scatter.add.f32 [tilespmem:s18], [sflag:$0x3], $0x80, s28, s17, $0xb8;
	[tilespmem:$0x1E4C0] =	vst v63  }
0x83: {  	_ =	swait.ge [sflag:s14], $0x4000  }
0x84: {  	[sflag:s14] =	ssyncset.done $0x0  }
0x85: {  	s28 =	sadd.s32 $0x13DC0, s26;
	[sflag:s14] =	ssyncadd.s32 $0xFFFFC000  }
0x86: {  	[tilespmem:s18], [sflag:$0x1] =	stream.indirect.gather [hbm4b:s4+s17], $0x80, s28, s17, $0xb8;
	[tilespmem:$0x1E4C0] =	vst v63  }
0x87: {  	_ =	swait.ge [sflag:s21], $0x4000  }
.Ltmp1:
0x88: {  	[sflag:s21] =	ssyncset.done $0x0;
	(pc) =	sbr.rel @p0 .LBB2_4-.Ltmp1, $4  }
0x89: {  	s26 =	sadd.s32 $0x15140, s26;
	[sflag:s21] =	ssyncadd.s32 $0xFFFFC000  }
0x8a: {  	[spmem:s1] =	stream.indirect.scatter.add.f32 [tilespmem:s19], [sflag:$0x3], $0x80, s26, s17, $0xb8;
	[tilespmem:$0x1E4C0] =	vst v63  }
0x8b: {  	_ =	swait.ge [sflag:s14], $0x4000  }
0x8c: {  	s28 =	smov.u32 s31;
	s26 =	sshra.s32 s30, $0x2;
	[sflag:s14] =	ssyncset.done $0x0  }
0x8d: {  	s28 =	sadd.s32 $0x13D40, s26;
	[sflag:s14] =	ssyncadd.s32 $0xFFFFC000  }
0x8e: {  	[tilespmem:s19], [sflag:$0x2] =	stream.indirect.gather [hbm4b:s4+s17], $0x80, s28, s17, $0xb8;
	[tilespmem:$0x1E4C0] =	vst v63  }
0x8f: {  	_ =	swait.ge [sflag:s20], $0x4000  }
0x90: {  	[sflag:s20] =	ssyncset.done $0x0  }
0x91: {  	s29 =	sadd.s32 $0x150C0, s26;
	[sflag:s20] =	ssyncadd.s32 $0xFFFFC000  }
0x92: {  	[spmem:s1] =	stream.indirect.scatter.add.f32 [tilespmem:s18], [sflag:$0x3], $0x80, s29, s17, $0xb8;
	[tilespmem:$0x1E4C0] =	vst v63  }
0x93: {  	_ =	swait.ge [sflag:s14], $0x4000  }
0x94: {  	[sflag:s14] =	ssyncset.done $0x0  }
0x95: {  	s30 =	sadd.s32 $0x13DC0, s26;
	[sflag:s14] =	ssyncadd.s32 $0xFFFFC000  }
0x96: {  	[tilespmem:s18], [sflag:$0x1] =	stream.indirect.gather [hbm4b:s4+s17], $0x80, s30, s17, $0xb8;
	[tilespmem:$0x1E4C0] =	vst v63  }
0x97: {  	_ =	swait.ge [sflag:s21], $0x4000  }
0x98: {  	[sflag:s21] =	ssyncset.done $0x0  }
0x99: {  	s31 =	sadd.s32 $0x15140, s26;
	[sflag:s21] =	ssyncadd.s32 $0xFFFFC000  }
0x9a: {  	[spmem:s1] =	stream.indirect.scatter.add.f32 [tilespmem:s19], [sflag:$0x3], $0x80, s31, s17, $0xb8;
	[tilespmem:$0x1E4C0] =	vst v63  }
0x9b: {  	_ =	swait.ge [sflag:s14], $0x4000  }
0x9c: {  	[sflag:s14] =	ssyncset.done $0x0  }
0x9d: {  	[sflag:s14] =	ssyncadd.s32 $0xFFFFC000  }
0x9e: {  	[tilespmem:s19], [sflag:$0x2] =	stream.indirect.gather [hbm4b:s4+s17], $0x80, s22, s17, $0xb8;
	[tilespmem:$0x1E4C0] =	vst v63  }
0x9f: {  	_ =	swait.ge [sflag:s20], $0x4000  }
0xa0: {  	[sflag:s20] =	ssyncset.done $0x0  }
0xa1: {  	[sflag:s20] =	ssyncadd.s32 $0xFFFFC000  }
0xa2: {  	[spmem:s1] =	stream.indirect.scatter.add.f32 [tilespmem:s18], [sflag:$0x3], $0x80, s23, s17, $0xb8;
	[tilespmem:$0x1E4C0] =	vst v63  }
0xa3: {  	_ =	swait.ge [sflag:s14], $0x4000  }
0xa4: {  	[sflag:s14] =	ssyncset.done $0x0  }
0xa5: {  	[sflag:s14] =	ssyncadd.s32 $0xFFFFC000  }
0xa6: {  	_ =	swait.ge [sflag:s21], $0x4000  }
0xa7: {  	[sflag:s21] =	ssyncset.done $0x0  }
0xa8: {  	[sflag:s21] =	ssyncadd.s32 $0xFFFFC000  }
0xa9: {  	[spmem:s1] =	stream.indirect.scatter.add.f32 [tilespmem:s19], [sflag:$0x3], $0x80, s24, s17, $0xb8;
	[tilespmem:$0x1E4C0] =	vst v63  }
0xaa: {  	_ =	swait.ge [sflag:s14], $0x4000  }
0xab: {  	s25 =	sadd.s32 $0x1, s25;
	[sflag:s14] =	ssyncset.done $0x0  }
0xac: {  	p0 =	sne.s32 s25, s11;
	[sflag:s14] =	ssyncadd.s32 $0xFFFFC000  }
.Ltmp2:
0xad: {  	[bflag:$0x0] =	sbarrier.arrive $0xFFFF;
	(pc) =	sbr.rel @p0 .LBB2_1-.Ltmp2, $4  }
0xae: {  	[hbm:s12], [sflag:s6] =	dma.local [spmem:s13], $0x2780  }
0xaf: {  	_ =	swait.ge [sflag:s14], $0x2780  }
0xb0: {  	[sflag:s14] =	ssyncset.done $0x0  }
0xb1: {  	[sflag:s14] =	ssyncadd.s32 $0xFFFFD880  }
0xb2: {  	_ =	sfence.sel $0x180000  }
0xb3: {  	[bflag:$0x0] =	sbarrier.arrive $0xFFFF  }
0xb4: {  	p0 =	sne.s32 s2, $0x0;
	_ =	strace $0x9000004A  }
0xb5: {  	s0 =	sadd.s32 @!p0 $0x100000, s0;
	[bflag:$0x2] =	sbarrier.arrive $0xFFFF  }
0xb6: {  	[sflag:s0] =	ssyncadd.tile.s32 @!p0 $0x1;
	_ =	shalt  }
.Lfunc_end2:
_tile_overlayer_lowered:
.L_overlay_start_2:
0xb7: {  	(tag) =	ssettag $0x2  }
0xb8: {  	s0 =	rddreg [dreg:$0x0];
	s2 =	stileid.u32  }
0xb9: {  	s1 =	rddreg [dreg:$0x1];
	p0 =	sne.s32 s2, $0x0  }
0xba: {  	s3 =	rddreg [dreg:$0x2];
	[bflag:$0x3] =	sbarrier.arrive $0xFFFF;
	s2 =	simm.s32 @!p0 $0x1C03  }
0xbb: {  	[timem:s3], [sflag:s2] =	dma.local @!p0 [hbm:s0], s1  }
0xbc: {  	s0 =	simm.s32 @!p0 $0x3  }
0xbd: {  	_ =	swait.ge @!p0 [sflag:s0], s1  }
0xbe: {  	s1 =	ssub.s32 @!p0 $0x0, s1;
	[sflag:s0] =	ssyncset.done @!p0 $0x0  }
0xbf: {  	[sflag:s0] =	ssyncadd.s32 @!p0 s1  }
0xc0: {  	[bflag:$0x3] =	sbarrier.arrive $0xFFFF  }
0xc1: {  	_ =	shalt  }

// kernel: kernel.18.cloned.1.call-start
scs
__scs_entry_jumppad:
0x0: {  	(pc) =	sbr.rel $0x88, $3  }
0x1: {  	(tag) =	ssettag $0x0;
	lr =	simm.s32 $0x1  }
0x2: {  	[smem:$0x3F97] =	sst lr;
	_ =	strace $0xD0000000  }
0x3: {  	_ = 	snop  }
0x4: {  	_ = 	snop  }
0x5: {  	_ = 	snop  }
0x6: {  	_ = 	snop  }
0x7: {  	_ = 	snop  }
__scs_overlays_trampoline_lowered:
0x8: {  	[smem:$0x3FA6] =	sst s0  }
0x9: {  	[smem:$0x3FA7] =	sst s1  }
0xa: {  	[smem:$0x3FA8] =	sst s2  }
0xb: {  	[smem:$0x3FA9] =	sst s3  }
0xc: {  	[smem:$0x3FAA] =	sst s4  }
0xd: {  	[smem:$0x3FAB] =	sst s5  }
0xe: {  	[smem:$0x3FAC] =	sst s6  }
0xf: {  	[smem:$0x3FAD] =	sst s7  }
0x10: {  	[smem:$0x3FAE] =	sst s8  }
0x11: {  	[smem:$0x3FAF] =	sst s9;
	s0 =	simm.s32 @!p0 $0x0  }
0x12: {  	s1 =	sld [smem:$0x3F95];
	s0 =	simm.s32 @p0 $0x1  }
0x13: {  	[smem:$0x3FB0] =	sst s0;
	s0 =	simm.s32 @!p1 $0x0  }
0x14: {  	s2 =	sld [smem:$0x3F94];
	s0 =	simm.s32 @p1 $0x1  }
0x15: {  	[smem:$0x3FB1] =	sst s0;
	s0 =	simm.s32 @!p2 $0x0  }
0x16: {  	s3 =	sld [smem:$0x3FDB];
	s0 =	simm.s32 @p2 $0x1  }
0x17: {  	s4 =	simm.s32 $0x1BF5;
	[smem:$0x3FB3] =	sst s0  }
0x18: {  	s0 =	sld [smem:$0x3F96];
	_ =	swait.ge [sflag:s4], $0x0  }
0x19: {  	s7 =	sld [smem:$0x3F97]  }
0x1a: {  	s8 =	sadd.s32 $0xFFFFE003, lr  }
0x1b: {  	s9 =	sadd.s32 $0xFFFFFEF7, lr;
	s5 =	simm.s32 $0xFFFFFFFF;
	p2 =	slt.u32 s8, $0xFFFFF086  }
0x1c: {  	p1 =	slt.u32 s9, $0xF7A;
	s5 =	simm.s32 @!p2 $0x0  }
0x1d: {  	s5 =	simm.s32 @p1 $0x1;
	p0 =	seq.s32 s7, s2  }
0x1e: {  	s7 =	smul.u32 @!p0 $0xF7A, s2;
	p2 =	seq.s32 @!p0 s5, $0x0  }
0x1f: {  	s9 =	smul.u32 $0xF7A, s1;
	s8 =	simm.s32 @!p0 $0x1BF5;
	p2 =	por !p2, p0  }
0x20: {  	[sflag:s8] =	ssyncset.s32 @!p0 $0xFFFFF086;
	s6 =	sadd.s32 @!p0 s3, s7;
	s7 =	simm.s32 @!p0 $0x108  }
0x21: {  	s3 =	sadd.s32 s3, s9;
	s6 =	sadd.s32 @!p0 $0x88, s6;
	s7 =	simm.s32 @p2 $0x1082  }
0x22: {  	[simem:s7], [sflag:s8] =	dma.local @!p0 [hbm:s6], $0xF7A  }
0x23: {  	s9 =	sor.u32 $0xD0000000, s2;
	s6 =	simm.s32 $0x108;
	_ =	swait.ge @!p0 [sflag:s8], $0x0  }
0x24: {  	s3 =	sadd.s32 $0x88, s3;
	s6 =	simm.s32 @!p1 $0x1082;
	[sflag:s4] =	ssyncset.s32 $0xFFFFF086  }
0x25: {  	[simem:s6], [sflag:s4] =	dma.local [hbm:s3], $0xF7A  }
0x26: {  	[smem:$0x3F97] =	sst s1;
	(tag) =	ssettag s2;
	_ =	strace s9  }
0x27: {  	s1 =	sld [smem:$0x3FA7]  }
0x28: {  	s2 =	sld [smem:$0x3FA8]  }
0x29: {  	s4 =	sld [smem:$0x3FAA]  }
0x2a: {  	p0 =	seq.s32 s5, $0x0;
	s5 =	sld [smem:$0x3FAB]  }
0x2b: {  	s6 =	sld [smem:$0x3FAC]  }
0x2c: {  	s7 =	sld [smem:$0x3FAD]  }
0x2d: {  	s3 =	simm.s32 $0x108;
	s8 =	sld [smem:$0x3FAE]  }
0x2e: {  	s3 =	simm.s32 @!p0 $0x1082;
	s9 =	sld [smem:$0x3FAF]  }
0x2f: {  	lr =	sadd.s32 s0, s3;
	s0 =	sld [smem:$0x3FA6]  }
0x30: {  	s3 =	sld [smem:$0x3FA9]  }
0x31: {  	[smem:$0x3FB2] =	sst s10  }
0x32: {  	s10 =	sld [smem:$0x3FB0];
	_ =	sdelay $0x3  }
0x33: {  	p0 =	seq.s32 s10, $0x1;
	s10 =	sld [smem:$0x3FB2];
	_ =	sdelay $0x3  }
0x34: {  	[smem:$0x3FB2] =	sst s10  }
0x35: {  	s10 =	sld [smem:$0x3FB1];
	_ =	sdelay $0x3  }
0x36: {  	p1 =	seq.s32 s10, $0x1;
	s10 =	sld [smem:$0x3FB2];
	_ =	sdelay $0x3  }
0x37: {  	[smem:$0x3FB2] =	sst s10  }
0x38: {  	s10 =	sld [smem:$0x3FB3]  }
0x39: {  	_ = 	snop;
	(pc) =	sbr.ind lr, $3  }
0x3a: {  	_ = 	snop  }
0x3b: {  	_ = 	snop  }
0x3c: {  	p2 =	seq.s32 s10, $0x1;
	s10 =	sld [smem:$0x3FB2]  }
0x3d: {  	_ =	shalt  }
0x3e: {  	_ =	shalt  }
0x3f: {  	_ =	shalt  }
0x40: {  	_ =	shalt  }
0x41: {  	_ =	shalt  }
0x42: {  	_ =	shalt  }
0x43: {  	_ =	shalt  }
0x44: {  	_ =	shalt  }
0x45: {  	_ =	shalt  }
0x46: {  	_ =	shalt  }
0x47: {  	_ =	shalt  }
0x48: {  	_ =	shalt  }
0x49: {  	_ =	shalt  }
0x4a: {  	_ =	shalt  }
0x4b: {  	_ =	shalt  }
0x4c: {  	_ =	shalt  }
0x4d: {  	_ =	shalt  }
0x4e: {  	_ =	shalt  }
0x4f: {  	_ =	shalt  }
0x50: {  	_ =	shalt  }
0x51: {  	_ =	shalt  }
0x52: {  	_ =	shalt  }
0x53: {  	_ =	shalt  }
0x54: {  	_ =	shalt  }
0x55: {  	_ =	shalt  }
0x56: {  	_ =	shalt  }
0x57: {  	_ =	shalt  }
0x58: {  	_ =	shalt  }
0x59: {  	_ =	shalt  }
0x5a: {  	_ =	shalt  }
0x5b: {  	_ =	shalt  }
0x5c: {  	_ =	shalt  }
0x5d: {  	_ =	shalt  }
0x5e: {  	_ =	shalt  }
0x5f: {  	_ =	shalt  }
0x60: {  	_ =	shalt  }
0x61: {  	_ =	shalt  }
0x62: {  	_ =	shalt  }
0x63: {  	_ =	shalt  }
0x64: {  	_ =	shalt  }
0x65: {  	_ =	shalt  }
0x66: {  	_ =	shalt  }
0x67: {  	_ =	shalt  }
0x68: {  	_ =	shalt  }
0x69: {  	_ =	shalt  }
0x6a: {  	_ =	shalt  }
0x6b: {  	_ =	shalt  }
0x6c: {  	_ =	shalt  }
0x6d: {  	_ =	shalt  }
0x6e: {  	_ =	shalt  }
0x6f: {  	_ =	shalt  }
0x70: {  	_ =	shalt  }
0x71: {  	_ =	shalt  }
0x72: {  	_ =	shalt  }
0x73: {  	_ =	shalt  }
0x74: {  	_ =	shalt  }
0x75: {  	_ =	shalt  }
0x76: {  	_ =	shalt  }
0x77: {  	_ =	shalt  }
0x78: {  	_ =	shalt  }
0x79: {  	_ =	shalt  }
0x7a: {  	_ =	shalt  }
0x7b: {  	_ =	shalt  }
0x7c: {  	_ =	shalt  }
0x7d: {  	_ =	shalt  }
0x7e: {  	_ =	shalt  }
0x7f: {  	_ =	shalt  }
0x80: {  	_ =	shalt  }
0x81: {  	_ =	shalt  }
0x82: {  	_ =	shalt  }
0x83: {  	_ =	shalt  }
0x84: {  	_ =	shalt  }
0x85: {  	_ =	shalt  }
0x86: {  	_ =	shalt  }
0x87: {  	_ =	shalt  }
.Lfunc_end0:
.L_simem_size_0:
called_computation.2_lowered:
.L_overlay_start_0:
0x88: {  	s2 =	sld [smem:$0x3FD9]  }
0x89: {  	s3 =	sld [smem:$0x3FFE];
	_ =	sdelay $0x1  }
0x8a: {  	s1 =	srdreg.scid  }
0x8b: {  	s0 =	sand.u32 $0x1, s1  }
0x8c: {  	s17 =	sshll.u32 s0, $0xA;
	s2 =	sadd.s32 s3, s2  }
0x8d: {  	s2 =	sadd.s32 s2, s17  }
0x8e: {  	[smem:$0x3FBE] =	sst s2  }
0x8f: {  	_ = 	snop  }
0x90: {  	s2 =	sld [smem:$0x3FD0];
	(tm) =	ssettm $0x1  }
0x91: {  	s18 =	sld [smem:$0x3FFB];
	_ =	sdelay $0x3  }
0x92: {  	_ =	strace s18  }
0x93: {  	s3 =	sld [smem:$0x3FFC];
	_ =	sdelay $0x3  }
0x94: {  	_ =	strace s3  }
0x95: {  	s3 =	sld [smem:$0x3FFD];
	_ =	sdelay $0x3  }
0x96: {  	_ =	strace s3  }
0x97: {  	_ =	strace $0x8FFFFFFF  }
0x98: {  	s19 =	sld [smem:$0x3FDB];
	_ =	sdelay $0x1  }
0x99: {  	s4 =	simm.s32 $_scs_section_size  }
0x9a: {  	s5 =	simm.s32 $_size__tile_overlayer_lowered;
	s6 =	simm.s32 $_tile_overlayer_lowered  }
0x9b: {  	s22 =	simm.s32 $0x1BFF;
	s21 =	sshll.u32 s6, $0x1;
	s3 =	sadd.s32 s4, s19  }
0x9c: {  	s7 =	simm.s32 $0x0;
	s20 =	sshll.u32 s5, $0x1;
	s5 =	sadd.s32 s21, s3  }
0x9d: {  	[timem:s7], [sflag:s22] =	dma.local [hbm:s5], s20  }
0x9e: {  	_ =	swait.ge [sflag:s22], s20  }
0x9f: {  	s4 =	ssub.s32 $0x0, s20;
	[sflag:s22] =	ssyncset.done $0x0  }
0xa0: {  	[sflag:s22] =	ssyncadd.s32 s4;
	_ =	sdelay $0x1  }
0xa1: {  	s23 =	simm.s32 $0x1B8B  }
0xa2: {  	_ =	swait.ge [sflag:s23], $0x1  }
0xa3: {  	[sflag:s23] =	ssyncset.done $0x0  }
0xa4: {  	s25 =	simm.s32 $0x1B8E;
	s24 =	sld [smem:$0x3FFE];
	[sflag:s23] =	ssyncadd.s32 $0xFFFFFFFF  }
0xa5: {  	s26 =	simm.s32 $execute0_lowered;
	[smem:$0x3FD2] =	sst s25  }
0xa6: {  	s5 =	sshll.u32 s26, $0x1;
	_ =	strace $0x8000004C;
	[dreg:$0x1] =	wrdreg $0xFFFFFFFF  }
0xa7: {  	s28 =	simm.s32 $_size_execute0_lowered;
	s3 =	sadd.s32 s3, s5;
	[dreg:$0x0] =	wrdreg $0x0  }
0xa8: {  	s5 =	sshll.u32 s28, $0x1;
	[dreg:$0x2] =	wrdreg s3  }
0xa9: {  	[dreg:$0x3] =	wrdreg s5  }
0xaa: {  	[dreg:$0x4] =	wrdreg $0xC0  }
0xab: {  	_ =	task [dreg:s7], $0x5FFFF  }
0xac: {  	[dreg:$0x1] =	wrdreg $0xFFFFFFFF  }
0xad: {  	[dreg:$0x0] =	wrdreg $0x60  }
0xae: {  	[dreg:$0x2] =	wrdreg s2  }
0xaf: {  	[dreg:$0x3] =	wrdreg s24  }
0xb0: {  	[dreg:$0x4] =	wrdreg $0x0  }
0xb1: {  	[dreg:$0x5] =	wrdreg $0x9  }
0xb2: {  	_ =	task.clear_ibuf [dreg:s7], $0x6FFFF;
	_ =	strace $0x9000004C  }
0xb3: {  	s29 =	simm.s32 $0x9;
	_ =	strace $0x8000004E  }
0xb4: {  	_ =	swait.ge [sflag:s29], $0x1  }
0xb5: {  	[sflag:s29] =	ssyncadd.s32 $0xFFFFFFFF  }
0xb6: {  	_ =	strace $0x9000004E  }
0xb7: {  	_ =	sfence  }
0xb8: {  	s30 =	sld [smem:$0x0];
	_ =	sdelay $0x2  }
0xb9: {  	s31 =	sshll.u32 s1, $0xD;
	s1 =	sshrl.u32 s1, $0x2  }
0xba: {  	s3 =	sand.u32 $0x4000, s31;
	s1 =	sadd.s32 s1, s30  }
0xbb: {  	s0 =	sor.u32 s3, s0;
	s1 =	sshll.u32 s1, $0x11  }
0xbc: {  	s0 =	sor.u32 s1, s0  }
0xbd: {  	s0 =	sadd.s32 $0x8F2B, s0  }
0xbe: {  	[sflag:s0] =	ssyncadd.remote.s32 $0x1  }
0xbf: {  	_ =	sfence.sel $0xFFFF  }
0xc0: {  	[dreg:$0x0] =	wrdreg $0xFFFFFFFF;
	(pc) =	sbr.abs _section_cstart, $3  }
0xc1: {  	[dreg:$0x1] =	wrdreg $0xFFFFFFFF  }
0xc2: {  	_ =	task.clear_ibuf [dreg:s7], $0x2FFFF;
	_ =	strace $0x9FFFFFFF  }
0xc3: {  	(tm) =	ssettm $0x7FFFFFFF  }
tec
execute0_lowered:
.L_overlay_start_1:
0x0: {  	(tag) =	ssettag $0x1  }
0x1: {  	s1 =	rddreg [dreg:$0x0]  }
0x2: {  	s5 =	rddreg [dreg:$0x1]  }
0x3: {  	s2 =	rddreg [dreg:$0x2]  }
0x4: {  	s0 =	rddreg [dreg:$0x3];
	s4 =	simm.s32 $0x0  }
0x5: {  	s3 =	stileid.u32;
	s7 =	srdreg.scid;
	s17 =	simm.s32 $0x80  }
0x6: {  	s18 =	simm.s32 $0x164C0;
	s19 =	simm.s32 $0x1A4C0;
	s20 =	simm.s32 $0x1  }
0x7: {  	s21 =	simm.s32 $0x2;
	s22 =	simm.s32 $0x15040;
	s23 =	simm.s32 $0x163C0  }
0x8: {  	s24 =	simm.s32 $0x16440;
	s25 =	simm.s32 $0x0;
	[smem:$0x7FF] =	sst s4  }
0x9: {  	s9 =	sadd.s32 $0x5400, s5;
	s6 =	smul.u32 $0x278, s3;
	s10 =	sadd.s32 $0xF400, s5  }
0xa: {  	p0 =	seq.s32 s3, $0xF;
	s11 =	sand.u32 $0x1, s7;
	s30 =	sshll.u32 s3, $0x6  }
0xb: {  	_ =	strace $0x8000004D;
	s7 =	ssub.s32 $0x2, s11;
	s8 =	sshll.u32 s11, $0x4  }
0xc: {  	s6 =	simm.s32 @p0 $0x2498;
	s13 =	sshrl.u32 s7, $0x1;
	s8 =	sor.u32 s3, s8  }
0xd: {  	p0 =	seq.s32 s11, $0x1;
	s12 =	sshll.u32 s6, $0x4;
	s14 =	smul.u32 $0x500, s8  }
0xe: {  	s13 =	ssub.s32 s7, s13;
	s29 =	sshll.u32 s6, $0x7;
	s15 =	smul.u32 $0x2800, s8  }
0xf: {  	s6 =	sor.u32 $0x1C03, s30;
	s12 =	sadd.s32 s12, s5;
	s16 =	sadd.s32 s29, s2  }
0x10: {  	s11 =	smax.u32 s13, $0x1;
	s5 =	sadd.s32 $0x19400, s12;
	s7 =	sadd.s32 s9, s14  }
0x11: {  	s8 =	sadd.s32 s10, s14;
	s31 =	sshrl.u32 s15, $0x3;
	s15 =	simm.s32 $0x8EA00  }
0x12: {  	s13 =	sshrl.u32 s16, $0x3;
	s16 =	simm.s32 $0x150C0;
	s14 =	sadd.s32 $0x280, s31  }
0x13: {  	s15 =	simm.s32 @!p0 $0x40600;
	s9 =	sadd.s32 s9, s14;
	s10 =	sadd.s32 s10, s14  }
0x14: {  	s12 =	sadd.s32 s15, s12;
	s14 =	simm.s32 $0x3;
	s15 =	simm.s32 $0x13CC0  }
.LBB2_1:
0x15: {  	[spmem:s13], [sflag:s6] =	dma.local [hbm:s5], $0x2780  }
0x16: {  	_ =	swait.ge [sflag:s14], $0x2780  }
0x17: {  	[sflag:s14] =	ssyncset.done $0x0  }
0x18: {  	[sflag:s14] =	ssyncadd.s32 $0xFFFFD880  }
0x19: {  	[bflag:$0x0] =	sbarrier.arrive $0xFFFF  }
0x1a: {  	[tilespmem:s15], [sflag:$0x3] =	stream.linear.gather [hbm4b:s7+s4], $0x1400, $0x38;
	[tilespmem:$0x1E4C0] =	vst v63  }
0x1b: {  	_ =	swait.ge [sflag:s14], $0x1400  }
0x1c: {  	[sflag:s14] =	ssyncset.done $0x0  }
0x1d: {  	[sflag:s14] =	ssyncadd.s32 $0xFFFFEC00  }
0x1e: {  	[tilespmem:s16], [sflag:$0x3] =	stream.linear.gather [hbm4b:s8+s4], $0x1400, $0x38;
	[tilespmem:$0x1E4C0] =	vst v63  }
0x1f: {  	_ =	swait.ge [sflag:s14], $0x1400  }
0x20: {  	[sflag:s14] =	ssyncset.done $0x0  }
0x21: {  	[sflag:s14] =	ssyncadd.s32 $0xFFFFEC00  }
0x22: {  	[tilespmem:s18], [sflag:$0x1] =	stream.indirect.gather [hbm4b:s1+s17], $0x80, s15, s17, $0xb8;
	[tilespmem:$0x1E4C0] =	vst v63  }
0x23: {  	s26 =	simm.s32 $0x13D40  }
0x24: {  	[tilespmem:s19], [sflag:$0x2] =	stream.indirect.gather [hbm4b:s1+s17], $0x80, s26, s17, $0xb8;
	[tilespmem:$0x1E4C0] =	vst v63  }
0x25: {  	_ =	swait.ge [sflag:s20], $0x4000  }
0x26: {  	[sflag:s20] =	ssyncset.done $0x0  }
0x27: {  	s29 =	simm.s32 $0x150C0;
	[sflag:s20] =	ssyncadd.s32 $0xFFFFC000  }
0x28: {  	[spmem:s2] =	stream.indirect.scatter.add.f32 [tilespmem:s18], [sflag:$0x3], $0x80, s29, s17, $0xb8;
	[tilespmem:$0x1E4C0] =	vst v63  }
0x29: {  	_ =	swait.ge [sflag:s14], $0x4000  }
0x2a: {  	[sflag:s14] =	ssyncset.done $0x0  }
0x2b: {  	s30 =	simm.s32 $0x13DC0;
	[sflag:s14] =	ssyncadd.s32 $0xFFFFC000  }
0x2c: {  	[tilespmem:s18], [sflag:$0x1] =	stream.indirect.gather [hbm4b:s1+s17], $0x80, s30, s17, $0xb8;
	[tilespmem:$0x1E4C0] =	vst v63  }
0x2d: {  	_ =	swait.ge [sflag:s21], $0x4000  }
0x2e: {  	[sflag:s21] =	ssyncset.done $0x0  }
0x2f: {  	s31 =	simm.s32 $0x15140;
	[sflag:s21] =	ssyncadd.s32 $0xFFFFC000  }
0x30: {  	[spmem:s2] =	stream.indirect.scatter.add.f32 [tilespmem:s19], [sflag:$0x3], $0x80, s31, s17, $0xb8;
	[tilespmem:$0x1E4C0] =	vst v63  }
0x31: {  	_ =	swait.ge [sflag:s14], $0x4000  }
0x32: {  	s28 =	simm.s32 $0x800;
	s26 =	simm.s32 $0x100;
	[sflag:s14] =	ssyncset.done $0x0  }
.LBB2_2:
0x33: {  	s29 =	sadd.s32 $0x13D40, s26  }
0x34: {  	[sflag:s14] =	ssyncadd.s32 $0xFFFFC000;
	s30 =	smov.u32 s28;
	s31 =	sadd.s32 $0x400, s28  }
0x35: {  	[tilespmem:s19], [sflag:$0x2] =	stream.indirect.gather [hbm4b:s1+s17], $0x80, s29, s17, $0xb8;
	[tilespmem:$0x1E4C0] =	vst v63  }
0x36: {  	p0 =	sne.s32 s28, $0x4800;
	_ =	swait.ge [sflag:s20], $0x4000  }
0x37: {  	[sflag:s20] =	ssyncset.done $0x0  }
0x38: {  	s28 =	sadd.s32 $0x150C0, s26;
	[sflag:s20] =	ssyncadd.s32 $0xFFFFC000  }
0x39: {  	[spmem:s2] =	stream.indirect.scatter.add.f32 [tilespmem:s18], [sflag:$0x3], $0x80, s28, s17, $0xb8;
	[tilespmem:$0x1E4C0] =	vst v63  }
0x3a: {  	_ =	swait.ge [sflag:s14], $0x4000  }
0x3b: {  	[sflag:s14] =	ssyncset.done $0x0  }
0x3c: {  	s28 =	sadd.s32 $0x13DC0, s26;
	[sflag:s14] =	ssyncadd.s32 $0xFFFFC000  }
0x3d: {  	[tilespmem:s18], [sflag:$0x1] =	stream.indirect.gather [hbm4b:s1+s17], $0x80, s28, s17, $0xb8;
	[tilespmem:$0x1E4C0] =	vst v63  }
0x3e: {  	_ =	swait.ge [sflag:s21], $0x4000  }
.Ltmp0:
0x3f: {  	[sflag:s21] =	ssyncset.done $0x0;
	(pc) =	sbr.rel @p0 .LBB2_2-.Ltmp0, $4  }
0x40: {  	s26 =	sadd.s32 $0x15140, s26;
	[sflag:s21] =	ssyncadd.s32 $0xFFFFC000  }
0x41: {  	[spmem:s2] =	stream.indirect.scatter.add.f32 [tilespmem:s19], [sflag:$0x3], $0x80, s26, s17, $0xb8;
	[tilespmem:$0x1E4C0] =	vst v63  }
0x42: {  	_ =	swait.ge [sflag:s14], $0x4000  }
0x43: {  	s28 =	smov.u32 s31;
	s26 =	sshra.s32 s30, $0x2;
	[sflag:s14] =	ssyncset.done $0x0  }
0x44: {  	s28 =	sadd.s32 $0x13D40, s26;
	[sflag:s14] =	ssyncadd.s32 $0xFFFFC000  }
0x45: {  	[tilespmem:s19], [sflag:$0x2] =	stream.indirect.gather [hbm4b:s1+s17], $0x80, s28, s17, $0xb8;
	[tilespmem:$0x1E4C0] =	vst v63  }
0x46: {  	_ =	swait.ge [sflag:s20], $0x4000  }
0x47: {  	[sflag:s20] =	ssyncset.done $0x0  }
0x48: {  	s28 =	sadd.s32 $0x150C0, s26;
	[sflag:s20] =	ssyncadd.s32 $0xFFFFC000  }
0x49: {  	[spmem:s2] =	stream.indirect.scatter.add.f32 [tilespmem:s18], [sflag:$0x3], $0x80, s28, s17, $0xb8;
	[tilespmem:$0x1E4C0] =	vst v63  }
0x4a: {  	_ =	swait.ge [sflag:s14], $0x4000  }
0x4b: {  	[sflag:s14] =	ssyncset.done $0x0  }
0x4c: {  	s28 =	sadd.s32 $0x13DC0, s26;
	[sflag:s14] =	ssyncadd.s32 $0xFFFFC000  }
0x4d: {  	[tilespmem:s18], [sflag:$0x1] =	stream.indirect.gather [hbm4b:s1+s17], $0x80, s28, s17, $0xb8;
	[tilespmem:$0x1E4C0] =	vst v63  }
0x4e: {  	_ =	swait.ge [sflag:s21], $0x4000  }
0x4f: {  	[sflag:s21] =	ssyncset.done $0x0  }
0x50: {  	s29 =	sadd.s32 $0x15140, s26;
	[sflag:s21] =	ssyncadd.s32 $0xFFFFC000  }
0x51: {  	[spmem:s2] =	stream.indirect.scatter.add.f32 [tilespmem:s19], [sflag:$0x3], $0x80, s29, s17, $0xb8;
	[tilespmem:$0x1E4C0] =	vst v63  }
0x52: {  	_ =	swait.ge [sflag:s14], $0x4000  }
0x53: {  	[sflag:s14] =	ssyncset.done $0x0  }
0x54: {  	[sflag:s14] =	ssyncadd.s32 $0xFFFFC000  }
0x55: {  	[tilespmem:s19], [sflag:$0x2] =	stream.indirect.gather [hbm4b:s1+s17], $0x80, s22, s17, $0xb8;
	[tilespmem:$0x1E4C0] =	vst v63  }
0x56: {  	_ =	swait.ge [sflag:s20], $0x4000  }
0x57: {  	[sflag:s20] =	ssyncset.done $0x0  }
0x58: {  	[sflag:s20] =	ssyncadd.s32 $0xFFFFC000  }
0x59: {  	[spmem:s2] =	stream.indirect.scatter.add.f32 [tilespmem:s18], [sflag:$0x3], $0x80, s23, s17, $0xb8;
	[tilespmem:$0x1E4C0] =	vst v63  }
0x5a: {  	_ =	swait.ge [sflag:s14], $0x4000  }
0x5b: {  	[sflag:s14] =	ssyncset.done $0x0  }
0x5c: {  	[sflag:s14] =	ssyncadd.s32 $0xFFFFC000  }
0x5d: {  	_ =	swait.ge [sflag:s21], $0x4000  }
0x5e: {  	[sflag:s21] =	ssyncset.done $0x0  }
0x5f: {  	[sflag:s21] =	ssyncadd.s32 $0xFFFFC000  }
0x60: {  	[spmem:s2] =	stream.indirect.scatter.add.f32 [tilespmem:s19], [sflag:$0x3], $0x80, s24, s17, $0xb8;
	[tilespmem:$0x1E4C0] =	vst v63  }
0x61: {  	_ =	swait.ge [sflag:s14], $0x4000  }
0x62: {  	[sflag:s14] =	ssyncset.done $0x0  }
0x63: {  	s30 =	simm.s32 $0x0;
	[sflag:s14] =	ssyncadd.s32 $0xFFFFC000  }
0x64: {  	[tilespmem:s15], [sflag:$0x3] =	stream.linear.gather [hbm4b:s9+s30], $0x1400, $0x38;
	[tilespmem:$0x1E4C0] =	vst v63  }
0x65: {  	_ =	swait.ge [sflag:s14], $0x1400  }
0x66: {  	[sflag:s14] =	ssyncset.done $0x0  }
0x67: {  	[sflag:s14] =	ssyncadd.s32 $0xFFFFEC00  }
0x68: {  	[tilespmem:s16], [sflag:$0x3] =	stream.linear.gather [hbm4b:s10+s30], $0x1400, $0x38;
	[tilespmem:$0x1E4C0] =	vst v63  }
0x69: {  	_ =	swait.ge [sflag:s14], $0x1400  }
0x6a: {  	[sflag:s14] =	ssyncset.done $0x0  }
0x6b: {  	[sflag:s14] =	ssyncadd.s32 $0xFFFFEC00  }
0x6c: {  	[tilespmem:s18], [sflag:$0x1] =	stream.indirect.gather [hbm4b:s1+s17], $0x80, s15, s17, $0xb8;
	[tilespmem:$0x1E4C0] =	vst v63  }
0x6d: {  	s31 =	simm.s32 $0x13D40  }
0x6e: {  	[tilespmem:s19], [sflag:$0x2] =	stream.indirect.gather [hbm4b:s1+s17], $0x80, s31, s17, $0xb8;
	[tilespmem:$0x1E4C0] =	vst v63  }
0x6f: {  	_ =	swait.ge [sflag:s20], $0x4000  }
0x70: {  	[sflag:s20] =	ssyncset.done $0x0  }
0x71: {  	s29 =	simm.s32 $0x150C0;
	[sflag:s20] =	ssyncadd.s32 $0xFFFFC000  }
0x72: {  	[spmem:s2] =	stream.indirect.scatter.add.f32 [tilespmem:s18], [sflag:$0x3], $0x80, s29, s17, $0xb8;
	[tilespmem:$0x1E4C0] =	vst v63  }
0x73: {  	_ =	swait.ge [sflag:s14], $0x4000  }
0x74: {  	[sflag:s14] =	ssyncset.done $0x0  }
0x75: {  	s30 =	simm.s32 $0x13DC0;
	[sflag:s14] =	ssyncadd.s32 $0xFFFFC000  }
0x76: {  	[tilespmem:s18], [sflag:$0x1] =	stream.indirect.gather [hbm4b:s1+s17], $0x80, s30, s17, $0xb8;
	[tilespmem:$0x1E4C0] =	vst v63  }
0x77: {  	_ =	swait.ge [sflag:s21], $0x4000  }
0x78: {  	[sflag:s21] =	ssyncset.done $0x0  }
0x79: {  	s31 =	simm.s32 $0x15140;
	[sflag:s21] =	ssyncadd.s32 $0xFFFFC000  }
0x7a: {  	[spmem:s2] =	stream.indirect.scatter.add.f32 [tilespmem:s19], [sflag:$0x3], $0x80, s31, s17, $0xb8;
	[tilespmem:$0x1E4C0] =	vst v63  }
0x7b: {  	_ =	swait.ge [sflag:s14], $0x4000  }
0x7c: {  	s26 =	simm.s32 $0x100;
	s28 =	simm.s32 $0x800;
	[sflag:s14] =	ssyncset.done $0x0  }
.LBB2_4:
0x7d: {  	s29 =	sadd.s32 $0x13D40, s26  }
0x7e: {  	[sflag:s14] =	ssyncadd.s32 $0xFFFFC000;
	s30 =	smov.u32 s28;
	s31 =	sadd.s32 $0x400, s28  }
0x7f: {  	[tilespmem:s19], [sflag:$0x2] =	stream.indirect.gather [hbm4b:s1+s17], $0x80, s29, s17, $0xb8;
	[tilespmem:$0x1E4C0] =	vst v63  }
0x80: {  	p0 =	sne.s32 s28, $0x4800;
	_ =	swait.ge [sflag:s20], $0x4000  }
0x81: {  	[sflag:s20] =	ssyncset.done $0x0  }
0x82: {  	s28 =	sadd.s32 $0x150C0, s26;
	[sflag:s20] =	ssyncadd.s32 $0xFFFFC000  }
0x83: {  	[spmem:s2] =	stream.indirect.scatter.add.f32 [tilespmem:s18], [sflag:$0x3], $0x80, s28, s17, $0xb8;
	[tilespmem:$0x1E4C0] =	vst v63  }
0x84: {  	_ =	swait.ge [sflag:s14], $0x4000  }
0x85: {  	[sflag:s14] =	ssyncset.done $0x0  }
0x86: {  	s28 =	sadd.s32 $0x13DC0, s26;
	[sflag:s14] =	ssyncadd.s32 $0xFFFFC000  }
0x87: {  	[tilespmem:s18], [sflag:$0x1] =	stream.indirect.gather [hbm4b:s1+s17], $0x80, s28, s17, $0xb8;
	[tilespmem:$0x1E4C0] =	vst v63  }
0x88: {  	_ =	swait.ge [sflag:s21], $0x4000  }
.Ltmp1:
0x89: {  	[sflag:s21] =	ssyncset.done $0x0;
	(pc) =	sbr.rel @p0 .LBB2_4-.Ltmp1, $4  }
0x8a: {  	s26 =	sadd.s32 $0x15140, s26;
	[sflag:s21] =	ssyncadd.s32 $0xFFFFC000  }
0x8b: {  	[spmem:s2] =	stream.indirect.scatter.add.f32 [tilespmem:s19], [sflag:$0x3], $0x80, s26, s17, $0xb8;
	[tilespmem:$0x1E4C0] =	vst v63  }
0x8c: {  	_ =	swait.ge [sflag:s14], $0x4000  }
0x8d: {  	s28 =	smov.u32 s31;
	s26 =	sshra.s32 s30, $0x2;
	[sflag:s14] =	ssyncset.done $0x0  }
0x8e: {  	s28 =	sadd.s32 $0x13D40, s26;
	[sflag:s14] =	ssyncadd.s32 $0xFFFFC000  }
0x8f: {  	[tilespmem:s19], [sflag:$0x2] =	stream.indirect.gather [hbm4b:s1+s17], $0x80, s28, s17, $0xb8;
	[tilespmem:$0x1E4C0] =	vst v63  }
0x90: {  	_ =	swait.ge [sflag:s20], $0x4000  }
0x91: {  	[sflag:s20] =	ssyncset.done $0x0  }
0x92: {  	s29 =	sadd.s32 $0x150C0, s26;
	[sflag:s20] =	ssyncadd.s32 $0xFFFFC000  }
0x93: {  	[spmem:s2] =	stream.indirect.scatter.add.f32 [tilespmem:s18], [sflag:$0x3], $0x80, s29, s17, $0xb8;
	[tilespmem:$0x1E4C0] =	vst v63  }
0x94: {  	_ =	swait.ge [sflag:s14], $0x4000  }
0x95: {  	[sflag:s14] =	ssyncset.done $0x0  }
0x96: {  	s30 =	sadd.s32 $0x13DC0, s26;
	[sflag:s14] =	ssyncadd.s32 $0xFFFFC000  }
0x97: {  	[tilespmem:s18], [sflag:$0x1] =	stream.indirect.gather [hbm4b:s1+s17], $0x80, s30, s17, $0xb8;
	[tilespmem:$0x1E4C0] =	vst v63  }
0x98: {  	_ =	swait.ge [sflag:s21], $0x4000  }
0x99: {  	[sflag:s21] =	ssyncset.done $0x0  }
0x9a: {  	s31 =	sadd.s32 $0x15140, s26;
	[sflag:s21] =	ssyncadd.s32 $0xFFFFC000  }
0x9b: {  	[spmem:s2] =	stream.indirect.scatter.add.f32 [tilespmem:s19], [sflag:$0x3], $0x80, s31, s17, $0xb8;
	[tilespmem:$0x1E4C0] =	vst v63  }
0x9c: {  	_ =	swait.ge [sflag:s14], $0x4000  }
0x9d: {  	[sflag:s14] =	ssyncset.done $0x0  }
0x9e: {  	[sflag:s14] =	ssyncadd.s32 $0xFFFFC000  }
0x9f: {  	[tilespmem:s19], [sflag:$0x2] =	stream.indirect.gather [hbm4b:s1+s17], $0x80, s22, s17, $0xb8;
	[tilespmem:$0x1E4C0] =	vst v63  }
0xa0: {  	_ =	swait.ge [sflag:s20], $0x4000  }
0xa1: {  	[sflag:s20] =	ssyncset.done $0x0  }
0xa2: {  	[sflag:s20] =	ssyncadd.s32 $0xFFFFC000  }
0xa3: {  	[spmem:s2] =	stream.indirect.scatter.add.f32 [tilespmem:s18], [sflag:$0x3], $0x80, s23, s17, $0xb8;
	[tilespmem:$0x1E4C0] =	vst v63  }
0xa4: {  	_ =	swait.ge [sflag:s14], $0x4000  }
0xa5: {  	[sflag:s14] =	ssyncset.done $0x0  }
0xa6: {  	[sflag:s14] =	ssyncadd.s32 $0xFFFFC000  }
0xa7: {  	_ =	swait.ge [sflag:s21], $0x4000  }
0xa8: {  	[sflag:s21] =	ssyncset.done $0x0  }
0xa9: {  	[sflag:s21] =	ssyncadd.s32 $0xFFFFC000  }
0xaa: {  	[spmem:s2] =	stream.indirect.scatter.add.f32 [tilespmem:s19], [sflag:$0x3], $0x80, s24, s17, $0xb8;
	[tilespmem:$0x1E4C0] =	vst v63  }
0xab: {  	_ =	swait.ge [sflag:s14], $0x4000  }
0xac: {  	s25 =	sadd.s32 $0x1, s25;
	[sflag:s14] =	ssyncset.done $0x0  }
0xad: {  	p0 =	sne.s32 s25, s11;
	[sflag:s14] =	ssyncadd.s32 $0xFFFFC000  }
.Ltmp2:
0xae: {  	[bflag:$0x0] =	sbarrier.arrive $0xFFFF;
	(pc) =	sbr.rel @p0 .LBB2_1-.Ltmp2, $4  }
0xaf: {  	[hbm:s12], [sflag:s6] =	dma.local [spmem:s13], $0x2780  }
0xb0: {  	_ =	swait.ge [sflag:s14], $0x2780  }
0xb1: {  	[sflag:s14] =	ssyncset.done $0x0  }
0xb2: {  	[sflag:s14] =	ssyncadd.s32 $0xFFFFD880  }
0xb3: {  	_ =	sfence.sel $0x180000  }
0xb4: {  	[bflag:$0x0] =	sbarrier.arrive $0xFFFF  }
0xb5: {  	p0 =	sne.s32 s3, $0x0;
	_ =	strace $0x9000004D  }
0xb6: {  	s0 =	sadd.s32 @!p0 $0x100000, s0;
	[bflag:$0x2] =	sbarrier.arrive $0xFFFF  }
0xb7: {  	[sflag:s0] =	ssyncadd.tile.s32 @!p0 $0x1;
	_ =	shalt  }
.Lfunc_end2:
_tile_overlayer_lowered:
.L_overlay_start_2:
0xb8: {  	(tag) =	ssettag $0x2  }
0xb9: {  	s0 =	rddreg [dreg:$0x0];
	s2 =	stileid.u32  }
0xba: {  	s1 =	rddreg [dreg:$0x1];
	p0 =	sne.s32 s2, $0x0  }
0xbb: {  	s3 =	rddreg [dreg:$0x2];
	[bflag:$0x3] =	sbarrier.arrive $0xFFFF;
	s2 =	simm.s32 @!p0 $0x1C03  }
0xbc: {  	[timem:s3], [sflag:s2] =	dma.local @!p0 [hbm:s0], s1  }
0xbd: {  	s0 =	simm.s32 @!p0 $0x3  }
0xbe: {  	_ =	swait.ge @!p0 [sflag:s0], s1  }
0xbf: {  	s1 =	ssub.s32 @!p0 $0x0, s1;
	[sflag:s0] =	ssyncset.done @!p0 $0x0  }
0xc0: {  	[sflag:s0] =	ssyncadd.s32 @!p0 s1  }
0xc1: {  	[bflag:$0x3] =	sbarrier.arrive $0xFFFF  }
0xc2: {  	_ =	shalt  }

// kernel: kernel.21.cloned.1.call-start
scs
__scs_entry_jumppad:
0x0: {  	(pc) =	sbr.rel $0x88, $3  }
0x1: {  	(tag) =	ssettag $0x0;
	lr =	simm.s32 $0x1  }
0x2: {  	[smem:$0x3F97] =	sst lr;
	_ =	strace $0xD0000000  }
0x3: {  	_ = 	snop  }
0x4: {  	_ = 	snop  }
0x5: {  	_ = 	snop  }
0x6: {  	_ = 	snop  }
0x7: {  	_ = 	snop  }
__scs_overlays_trampoline_lowered:
0x8: {  	[smem:$0x3FA6] =	sst s0  }
0x9: {  	[smem:$0x3FA7] =	sst s1  }
0xa: {  	[smem:$0x3FA8] =	sst s2  }
0xb: {  	[smem:$0x3FA9] =	sst s3  }
0xc: {  	[smem:$0x3FAA] =	sst s4  }
0xd: {  	[smem:$0x3FAB] =	sst s5  }
0xe: {  	[smem:$0x3FAC] =	sst s6  }
0xf: {  	[smem:$0x3FAD] =	sst s7  }
0x10: {  	[smem:$0x3FAE] =	sst s8  }
0x11: {  	[smem:$0x3FAF] =	sst s9;
	s0 =	simm.s32 @!p0 $0x0  }
0x12: {  	s1 =	sld [smem:$0x3F95];
	s0 =	simm.s32 @p0 $0x1  }
0x13: {  	[smem:$0x3FB0] =	sst s0;
	s0 =	simm.s32 @!p1 $0x0  }
0x14: {  	s2 =	sld [smem:$0x3F94];
	s0 =	simm.s32 @p1 $0x1  }
0x15: {  	[smem:$0x3FB1] =	sst s0;
	s0 =	simm.s32 @!p2 $0x0  }
0x16: {  	s3 =	sld [smem:$0x3FDB];
	s0 =	simm.s32 @p2 $0x1  }
0x17: {  	s4 =	simm.s32 $0x1BF5;
	[smem:$0x3FB3] =	sst s0  }
0x18: {  	s0 =	sld [smem:$0x3F96];
	_ =	swait.ge [sflag:s4], $0x0  }
0x19: {  	s7 =	sld [smem:$0x3F97]  }
0x1a: {  	s8 =	sadd.s32 $0xFFFFE003, lr  }
0x1b: {  	s9 =	sadd.s32 $0xFFFFFEF7, lr;
	s5 =	simm.s32 $0xFFFFFFFF;
	p2 =	slt.u32 s8, $0xFFFFF086  }
0x1c: {  	p1 =	slt.u32 s9, $0xF7A;
	s5 =	simm.s32 @!p2 $0x0  }
0x1d: {  	s5 =	simm.s32 @p1 $0x1;
	p0 =	seq.s32 s7, s2  }
0x1e: {  	s7 =	smul.u32 @!p0 $0xF7A, s2;
	p2 =	seq.s32 @!p0 s5, $0x0  }
0x1f: {  	s9 =	smul.u32 $0xF7A, s1;
	s8 =	simm.s32 @!p0 $0x1BF5;
	p2 =	por !p2, p0  }
0x20: {  	[sflag:s8] =	ssyncset.s32 @!p0 $0xFFFFF086;
	s6 =	sadd.s32 @!p0 s3, s7;
	s7 =	simm.s32 @!p0 $0x108  }
0x21: {  	s3 =	sadd.s32 s3, s9;
	s6 =	sadd.s32 @!p0 $0x88, s6;
	s7 =	simm.s32 @p2 $0x1082  }
0x22: {  	[simem:s7], [sflag:s8] =	dma.local @!p0 [hbm:s6], $0xF7A  }
0x23: {  	s9 =	sor.u32 $0xD0000000, s2;
	s6 =	simm.s32 $0x108;
	_ =	swait.ge @!p0 [sflag:s8], $0x0  }
0x24: {  	s3 =	sadd.s32 $0x88, s3;
	s6 =	simm.s32 @!p1 $0x1082;
	[sflag:s4] =	ssyncset.s32 $0xFFFFF086  }
0x25: {  	[simem:s6], [sflag:s4] =	dma.local [hbm:s3], $0xF7A  }
0x26: {  	[smem:$0x3F97] =	sst s1;
	(tag) =	ssettag s2;
	_ =	strace s9  }
0x27: {  	s1 =	sld [smem:$0x3FA7]  }
0x28: {  	s2 =	sld [smem:$0x3FA8]  }
0x29: {  	s4 =	sld [smem:$0x3FAA]  }
0x2a: {  	p0 =	seq.s32 s5, $0x0;
	s5 =	sld [smem:$0x3FAB]  }
0x2b: {  	s6 =	sld [smem:$0x3FAC]  }
0x2c: {  	s7 =	sld [smem:$0x3FAD]  }
0x2d: {  	s3 =	simm.s32 $0x108;
	s8 =	sld [smem:$0x3FAE]  }
0x2e: {  	s3 =	simm.s32 @!p0 $0x1082;
	s9 =	sld [smem:$0x3FAF]  }
0x2f: {  	lr =	sadd.s32 s0, s3;
	s0 =	sld [smem:$0x3FA6]  }
0x30: {  	s3 =	sld [smem:$0x3FA9]  }
0x31: {  	[smem:$0x3FB2] =	sst s10  }
0x32: {  	s10 =	sld [smem:$0x3FB0];
	_ =	sdelay $0x3  }
0x33: {  	p0 =	seq.s32 s10, $0x1;
	s10 =	sld [smem:$0x3FB2];
	_ =	sdelay $0x3  }
0x34: {  	[smem:$0x3FB2] =	sst s10  }
0x35: {  	s10 =	sld [smem:$0x3FB1];
	_ =	sdelay $0x3  }
0x36: {  	p1 =	seq.s32 s10, $0x1;
	s10 =	sld [smem:$0x3FB2];
	_ =	sdelay $0x3  }
0x37: {  	[smem:$0x3FB2] =	sst s10  }
0x38: {  	s10 =	sld [smem:$0x3FB3]  }
0x39: {  	_ = 	snop;
	(pc) =	sbr.ind lr, $3  }
0x3a: {  	_ = 	snop  }
0x3b: {  	_ = 	snop  }
0x3c: {  	p2 =	seq.s32 s10, $0x1;
	s10 =	sld [smem:$0x3FB2]  }
0x3d: {  	_ =	shalt  }
0x3e: {  	_ =	shalt  }
0x3f: {  	_ =	shalt  }
0x40: {  	_ =	shalt  }
0x41: {  	_ =	shalt  }
0x42: {  	_ =	shalt  }
0x43: {  	_ =	shalt  }
0x44: {  	_ =	shalt  }
0x45: {  	_ =	shalt  }
0x46: {  	_ =	shalt  }
0x47: {  	_ =	shalt  }
0x48: {  	_ =	shalt  }
0x49: {  	_ =	shalt  }
0x4a: {  	_ =	shalt  }
0x4b: {  	_ =	shalt  }
0x4c: {  	_ =	shalt  }
0x4d: {  	_ =	shalt  }
0x4e: {  	_ =	shalt  }
0x4f: {  	_ =	shalt  }
0x50: {  	_ =	shalt  }
0x51: {  	_ =	shalt  }
0x52: {  	_ =	shalt  }
0x53: {  	_ =	shalt  }
0x54: {  	_ =	shalt  }
0x55: {  	_ =	shalt  }
0x56: {  	_ =	shalt  }
0x57: {  	_ =	shalt  }
0x58: {  	_ =	shalt  }
0x59: {  	_ =	shalt  }
0x5a: {  	_ =	shalt  }
0x5b: {  	_ =	shalt  }
0x5c: {  	_ =	shalt  }
0x5d: {  	_ =	shalt  }
0x5e: {  	_ =	shalt  }
0x5f: {  	_ =	shalt  }
0x60: {  	_ =	shalt  }
0x61: {  	_ =	shalt  }
0x62: {  	_ =	shalt  }
0x63: {  	_ =	shalt  }
0x64: {  	_ =	shalt  }
0x65: {  	_ =	shalt  }
0x66: {  	_ =	shalt  }
0x67: {  	_ =	shalt  }
0x68: {  	_ =	shalt  }
0x69: {  	_ =	shalt  }
0x6a: {  	_ =	shalt  }
0x6b: {  	_ =	shalt  }
0x6c: {  	_ =	shalt  }
0x6d: {  	_ =	shalt  }
0x6e: {  	_ =	shalt  }
0x6f: {  	_ =	shalt  }
0x70: {  	_ =	shalt  }
0x71: {  	_ =	shalt  }
0x72: {  	_ =	shalt  }
0x73: {  	_ =	shalt  }
0x74: {  	_ =	shalt  }
0x75: {  	_ =	shalt  }
0x76: {  	_ =	shalt  }
0x77: {  	_ =	shalt  }
0x78: {  	_ =	shalt  }
0x79: {  	_ =	shalt  }
0x7a: {  	_ =	shalt  }
0x7b: {  	_ =	shalt  }
0x7c: {  	_ =	shalt  }
0x7d: {  	_ =	shalt  }
0x7e: {  	_ =	shalt  }
0x7f: {  	_ =	shalt  }
0x80: {  	_ =	shalt  }
0x81: {  	_ =	shalt  }
0x82: {  	_ =	shalt  }
0x83: {  	_ =	shalt  }
0x84: {  	_ =	shalt  }
0x85: {  	_ =	shalt  }
0x86: {  	_ =	shalt  }
0x87: {  	_ =	shalt  }
.Lfunc_end0:
.L_simem_size_0:
called_computation.3_lowered:
.L_overlay_start_0:
0x88: {  	s2 =	sld [smem:$0x3FD9]  }
0x89: {  	s3 =	sld [smem:$0x3FFE];
	_ =	sdelay $0x1  }
0x8a: {  	s1 =	srdreg.scid  }
0x8b: {  	s0 =	sand.u32 $0x1, s1  }
0x8c: {  	s17 =	sshll.u32 s0, $0xA;
	s2 =	sadd.s32 s3, s2  }
0x8d: {  	s2 =	sadd.s32 s2, s17  }
0x8e: {  	[smem:$0x3FBE] =	sst s2  }
0x8f: {  	_ = 	snop  }
0x90: {  	s2 =	sld [smem:$0x3FD0];
	(tm) =	ssettm $0x1  }
0x91: {  	s18 =	sld [smem:$0x3FFB];
	_ =	sdelay $0x3  }
0x92: {  	_ =	strace s18  }
0x93: {  	s3 =	sld [smem:$0x3FFC];
	_ =	sdelay $0x3  }
0x94: {  	_ =	strace s3  }
0x95: {  	s3 =	sld [smem:$0x3FFD];
	_ =	sdelay $0x3  }
0x96: {  	_ =	strace s3  }
0x97: {  	_ =	strace $0x8FFFFFFF  }
0x98: {  	s19 =	sld [smem:$0x3FDB];
	_ =	sdelay $0x1  }
0x99: {  	s4 =	simm.s32 $_scs_section_size  }
0x9a: {  	s5 =	simm.s32 $_size__tile_overlayer_lowered;
	s6 =	simm.s32 $_tile_overlayer_lowered  }
0x9b: {  	s22 =	simm.s32 $0x1BFF;
	s21 =	sshll.u32 s6, $0x1;
	s3 =	sadd.s32 s4, s19  }
0x9c: {  	s7 =	simm.s32 $0x0;
	s20 =	sshll.u32 s5, $0x1;
	s5 =	sadd.s32 s21, s3  }
0x9d: {  	[timem:s7], [sflag:s22] =	dma.local [hbm:s5], s20  }
0x9e: {  	_ =	swait.ge [sflag:s22], s20  }
0x9f: {  	s4 =	ssub.s32 $0x0, s20;
	[sflag:s22] =	ssyncset.done $0x0  }
0xa0: {  	[sflag:s22] =	ssyncadd.s32 s4;
	_ =	sdelay $0x1  }
0xa1: {  	s23 =	simm.s32 $0x1B8B  }
0xa2: {  	_ =	swait.ge [sflag:s23], $0x1  }
0xa3: {  	[sflag:s23] =	ssyncset.done $0x0  }
0xa4: {  	s25 =	simm.s32 $0x1B8E;
	s24 =	sld [smem:$0x3FFE];
	[sflag:s23] =	ssyncadd.s32 $0xFFFFFFFF  }
0xa5: {  	s26 =	simm.s32 $execute0_lowered;
	[smem:$0x3FD2] =	sst s25  }
0xa6: {  	s5 =	sshll.u32 s26, $0x1;
	_ =	strace $0x8000004F;
	[dreg:$0x1] =	wrdreg $0xFFFFFFFF  }
0xa7: {  	s28 =	simm.s32 $_size_execute0_lowered;
	s3 =	sadd.s32 s3, s5;
	[dreg:$0x0] =	wrdreg $0x0  }
0xa8: {  	s5 =	sshll.u32 s28, $0x1;
	[dreg:$0x2] =	wrdreg s3  }
0xa9: {  	[dreg:$0x3] =	wrdreg s5  }
0xaa: {  	[dreg:$0x4] =	wrdreg $0xC0  }
0xab: {  	_ =	task [dreg:s7], $0x5FFFF  }
0xac: {  	[dreg:$0x1] =	wrdreg $0xFFFFFFFF  }
0xad: {  	[dreg:$0x0] =	wrdreg $0x60  }
0xae: {  	[dreg:$0x2] =	wrdreg s2  }
0xaf: {  	[dreg:$0x3] =	wrdreg s24  }
0xb0: {  	[dreg:$0x4] =	wrdreg $0x0  }
0xb1: {  	[dreg:$0x5] =	wrdreg $0x9  }
0xb2: {  	_ =	task.clear_ibuf [dreg:s7], $0x6FFFF;
	_ =	strace $0x9000004F  }
0xb3: {  	s29 =	simm.s32 $0x9;
	_ =	strace $0x80000051  }
0xb4: {  	_ =	swait.ge [sflag:s29], $0x1  }
0xb5: {  	[sflag:s29] =	ssyncadd.s32 $0xFFFFFFFF  }
0xb6: {  	_ =	strace $0x90000051  }
0xb7: {  	_ =	sfence  }
0xb8: {  	s30 =	sld [smem:$0x0];
	_ =	sdelay $0x2  }
0xb9: {  	s31 =	sshll.u32 s1, $0xD;
	s1 =	sshrl.u32 s1, $0x2  }
0xba: {  	s3 =	sand.u32 $0x4000, s31;
	s1 =	sadd.s32 s1, s30  }
0xbb: {  	s0 =	sor.u32 s3, s0;
	s1 =	sshll.u32 s1, $0x11  }
0xbc: {  	s0 =	sor.u32 s1, s0  }
0xbd: {  	s0 =	sadd.s32 $0x8F2B, s0  }
0xbe: {  	[sflag:s0] =	ssyncadd.remote.s32 $0x1  }
0xbf: {  	_ =	sfence.sel $0xFFFF  }
0xc0: {  	[dreg:$0x0] =	wrdreg $0xFFFFFFFF;
	(pc) =	sbr.abs _section_cstart, $3  }
0xc1: {  	[dreg:$0x1] =	wrdreg $0xFFFFFFFF  }
0xc2: {  	_ =	task.clear_ibuf [dreg:s7], $0x2FFFF;
	_ =	strace $0x9FFFFFFF  }
0xc3: {  	(tm) =	ssettm $0x7FFFFFFF  }
tec
execute0_lowered:
.L_overlay_start_1:
0x0: {  	(tag) =	ssettag $0x1  }
0x1: {  	s1 =	rddreg [dreg:$0x0]  }
0x2: {  	s5 =	rddreg [dreg:$0x1]  }
0x3: {  	s2 =	rddreg [dreg:$0x2]  }
0x4: {  	s0 =	rddreg [dreg:$0x3];
	s4 =	simm.s32 $0x0  }
0x5: {  	s3 =	stileid.u32;
	s7 =	srdreg.scid;
	s17 =	simm.s32 $0x80  }
0x6: {  	s18 =	simm.s32 $0x164C0;
	s19 =	simm.s32 $0x1A4C0;
	s20 =	simm.s32 $0x1  }
0x7: {  	s21 =	simm.s32 $0x2;
	s22 =	simm.s32 $0x15040;
	s23 =	simm.s32 $0x163C0  }
0x8: {  	s24 =	simm.s32 $0x16440;
	s25 =	simm.s32 $0x0;
	[smem:$0x7FF] =	sst s4  }
0x9: {  	s9 =	sadd.s32 $0x5400, s5;
	s6 =	smul.u32 $0x278, s3;
	s10 =	sadd.s32 $0xF400, s5  }
0xa: {  	p0 =	seq.s32 s3, $0xF;
	s11 =	sand.u32 $0x1, s7;
	s30 =	sshll.u32 s3, $0x6  }
0xb: {  	_ =	strace $0x80000050;
	s7 =	ssub.s32 $0x2, s11;
	s8 =	sshll.u32 s11, $0x4  }
0xc: {  	s6 =	simm.s32 @p0 $0x2498;
	s13 =	sshrl.u32 s7, $0x1;
	s8 =	sor.u32 s3, s8  }
0xd: {  	p0 =	seq.s32 s11, $0x1;
	s12 =	sshll.u32 s6, $0x4;
	s14 =	smul.u32 $0x500, s8  }
0xe: {  	s13 =	ssub.s32 s7, s13;
	s29 =	sshll.u32 s6, $0x7;
	s15 =	smul.u32 $0x2800, s8  }
0xf: {  	s6 =	sor.u32 $0x1C03, s30;
	s12 =	sadd.s32 s12, s5;
	s16 =	sadd.s32 s29, s2  }
0x10: {  	s11 =	smax.u32 s13, $0x1;
	s5 =	sadd.s32 $0x19400, s12;
	s7 =	sadd.s32 s9, s14  }
0x11: {  	s8 =	sadd.s32 s10, s14;
	s31 =	sshrl.u32 s15, $0x3;
	s15 =	simm.s32 $0x67800  }
0x12: {  	s13 =	sshrl.u32 s16, $0x3;
	s16 =	simm.s32 $0x150C0;
	s14 =	sadd.s32 $0x280, s31  }
0x13: {  	s15 =	simm.s32 @!p0 $0x40600;
	s9 =	sadd.s32 s9, s14;
	s10 =	sadd.s32 s10, s14  }
0x14: {  	s12 =	sadd.s32 s15, s12;
	s14 =	simm.s32 $0x3;
	s15 =	simm.s32 $0x13CC0  }
.LBB2_1:
0x15: {  	[spmem:s13], [sflag:s6] =	dma.local [hbm:s5], $0x2780  }
0x16: {  	_ =	swait.ge [sflag:s14], $0x2780  }
0x17: {  	[sflag:s14] =	ssyncset.done $0x0  }
0x18: {  	[sflag:s14] =	ssyncadd.s32 $0xFFFFD880  }
0x19: {  	[bflag:$0x0] =	sbarrier.arrive $0xFFFF  }
0x1a: {  	[tilespmem:s15], [sflag:$0x3] =	stream.linear.gather [hbm4b:s7+s4], $0x1400, $0x38;
	[tilespmem:$0x1E4C0] =	vst v63  }
0x1b: {  	_ =	swait.ge [sflag:s14], $0x1400  }
0x1c: {  	[sflag:s14] =	ssyncset.done $0x0  }
0x1d: {  	[sflag:s14] =	ssyncadd.s32 $0xFFFFEC00  }
0x1e: {  	[tilespmem:s16], [sflag:$0x3] =	stream.linear.gather [hbm4b:s8+s4], $0x1400, $0x38;
	[tilespmem:$0x1E4C0] =	vst v63  }
0x1f: {  	_ =	swait.ge [sflag:s14], $0x1400  }
0x20: {  	[sflag:s14] =	ssyncset.done $0x0  }
0x21: {  	[sflag:s14] =	ssyncadd.s32 $0xFFFFEC00  }
0x22: {  	[tilespmem:s18], [sflag:$0x1] =	stream.indirect.gather [hbm4b:s1+s17], $0x80, s15, s17, $0xb8;
	[tilespmem:$0x1E4C0] =	vst v63  }
0x23: {  	s26 =	simm.s32 $0x13D40  }
0x24: {  	[tilespmem:s19], [sflag:$0x2] =	stream.indirect.gather [hbm4b:s1+s17], $0x80, s26, s17, $0xb8;
	[tilespmem:$0x1E4C0] =	vst v63  }
0x25: {  	_ =	swait.ge [sflag:s20], $0x4000  }
0x26: {  	[sflag:s20] =	ssyncset.done $0x0  }
0x27: {  	s29 =	simm.s32 $0x150C0;
	[sflag:s20] =	ssyncadd.s32 $0xFFFFC000  }
0x28: {  	[spmem:s2] =	stream.indirect.scatter.add.f32 [tilespmem:s18], [sflag:$0x3], $0x80, s29, s17, $0xb8;
	[tilespmem:$0x1E4C0] =	vst v63  }
0x29: {  	_ =	swait.ge [sflag:s14], $0x4000  }
0x2a: {  	[sflag:s14] =	ssyncset.done $0x0  }
0x2b: {  	s30 =	simm.s32 $0x13DC0;
	[sflag:s14] =	ssyncadd.s32 $0xFFFFC000  }
0x2c: {  	[tilespmem:s18], [sflag:$0x1] =	stream.indirect.gather [hbm4b:s1+s17], $0x80, s30, s17, $0xb8;
	[tilespmem:$0x1E4C0] =	vst v63  }
0x2d: {  	_ =	swait.ge [sflag:s21], $0x4000  }
0x2e: {  	[sflag:s21] =	ssyncset.done $0x0  }
0x2f: {  	s31 =	simm.s32 $0x15140;
	[sflag:s21] =	ssyncadd.s32 $0xFFFFC000  }
0x30: {  	[spmem:s2] =	stream.indirect.scatter.add.f32 [tilespmem:s19], [sflag:$0x3], $0x80, s31, s17, $0xb8;
	[tilespmem:$0x1E4C0] =	vst v63  }
0x31: {  	_ =	swait.ge [sflag:s14], $0x4000  }
0x32: {  	s28 =	simm.s32 $0x800;
	s26 =	simm.s32 $0x100;
	[sflag:s14] =	ssyncset.done $0x0  }
.LBB2_2:
0x33: {  	s29 =	sadd.s32 $0x13D40, s26  }
0x34: {  	[sflag:s14] =	ssyncadd.s32 $0xFFFFC000;
	s30 =	smov.u32 s28;
	s31 =	sadd.s32 $0x400, s28  }
0x35: {  	[tilespmem:s19], [sflag:$0x2] =	stream.indirect.gather [hbm4b:s1+s17], $0x80, s29, s17, $0xb8;
	[tilespmem:$0x1E4C0] =	vst v63  }
0x36: {  	p0 =	sne.s32 s28, $0x4800;
	_ =	swait.ge [sflag:s20], $0x4000  }
0x37: {  	[sflag:s20] =	ssyncset.done $0x0  }
0x38: {  	s28 =	sadd.s32 $0x150C0, s26;
	[sflag:s20] =	ssyncadd.s32 $0xFFFFC000  }
0x39: {  	[spmem:s2] =	stream.indirect.scatter.add.f32 [tilespmem:s18], [sflag:$0x3], $0x80, s28, s17, $0xb8;
	[tilespmem:$0x1E4C0] =	vst v63  }
0x3a: {  	_ =	swait.ge [sflag:s14], $0x4000  }
0x3b: {  	[sflag:s14] =	ssyncset.done $0x0  }
0x3c: {  	s28 =	sadd.s32 $0x13DC0, s26;
	[sflag:s14] =	ssyncadd.s32 $0xFFFFC000  }
0x3d: {  	[tilespmem:s18], [sflag:$0x1] =	stream.indirect.gather [hbm4b:s1+s17], $0x80, s28, s17, $0xb8;
	[tilespmem:$0x1E4C0] =	vst v63  }
0x3e: {  	_ =	swait.ge [sflag:s21], $0x4000  }
.Ltmp0:
0x3f: {  	[sflag:s21] =	ssyncset.done $0x0;
	(pc) =	sbr.rel @p0 .LBB2_2-.Ltmp0, $4  }
0x40: {  	s26 =	sadd.s32 $0x15140, s26;
	[sflag:s21] =	ssyncadd.s32 $0xFFFFC000  }
0x41: {  	[spmem:s2] =	stream.indirect.scatter.add.f32 [tilespmem:s19], [sflag:$0x3], $0x80, s26, s17, $0xb8;
	[tilespmem:$0x1E4C0] =	vst v63  }
0x42: {  	_ =	swait.ge [sflag:s14], $0x4000  }
0x43: {  	s28 =	smov.u32 s31;
	s26 =	sshra.s32 s30, $0x2;
	[sflag:s14] =	ssyncset.done $0x0  }
0x44: {  	s28 =	sadd.s32 $0x13D40, s26;
	[sflag:s14] =	ssyncadd.s32 $0xFFFFC000  }
0x45: {  	[tilespmem:s19], [sflag:$0x2] =	stream.indirect.gather [hbm4b:s1+s17], $0x80, s28, s17, $0xb8;
	[tilespmem:$0x1E4C0] =	vst v63  }
0x46: {  	_ =	swait.ge [sflag:s20], $0x4000  }
0x47: {  	[sflag:s20] =	ssyncset.done $0x0  }
0x48: {  	s28 =	sadd.s32 $0x150C0, s26;
	[sflag:s20] =	ssyncadd.s32 $0xFFFFC000  }
0x49: {  	[spmem:s2] =	stream.indirect.scatter.add.f32 [tilespmem:s18], [sflag:$0x3], $0x80, s28, s17, $0xb8;
	[tilespmem:$0x1E4C0] =	vst v63  }
0x4a: {  	_ =	swait.ge [sflag:s14], $0x4000  }
0x4b: {  	[sflag:s14] =	ssyncset.done $0x0  }
0x4c: {  	s28 =	sadd.s32 $0x13DC0, s26;
	[sflag:s14] =	ssyncadd.s32 $0xFFFFC000  }
0x4d: {  	[tilespmem:s18], [sflag:$0x1] =	stream.indirect.gather [hbm4b:s1+s17], $0x80, s28, s17, $0xb8;
	[tilespmem:$0x1E4C0] =	vst v63  }
0x4e: {  	_ =	swait.ge [sflag:s21], $0x4000  }
0x4f: {  	[sflag:s21] =	ssyncset.done $0x0  }
0x50: {  	s29 =	sadd.s32 $0x15140, s26;
	[sflag:s21] =	ssyncadd.s32 $0xFFFFC000  }
0x51: {  	[spmem:s2] =	stream.indirect.scatter.add.f32 [tilespmem:s19], [sflag:$0x3], $0x80, s29, s17, $0xb8;
	[tilespmem:$0x1E4C0] =	vst v63  }
0x52: {  	_ =	swait.ge [sflag:s14], $0x4000  }
0x53: {  	[sflag:s14] =	ssyncset.done $0x0  }
0x54: {  	[sflag:s14] =	ssyncadd.s32 $0xFFFFC000  }
0x55: {  	[tilespmem:s19], [sflag:$0x2] =	stream.indirect.gather [hbm4b:s1+s17], $0x80, s22, s17, $0xb8;
	[tilespmem:$0x1E4C0] =	vst v63  }
0x56: {  	_ =	swait.ge [sflag:s20], $0x4000  }
0x57: {  	[sflag:s20] =	ssyncset.done $0x0  }
0x58: {  	[sflag:s20] =	ssyncadd.s32 $0xFFFFC000  }
0x59: {  	[spmem:s2] =	stream.indirect.scatter.add.f32 [tilespmem:s18], [sflag:$0x3], $0x80, s23, s17, $0xb8;
	[tilespmem:$0x1E4C0] =	vst v63  }
0x5a: {  	_ =	swait.ge [sflag:s14], $0x4000  }
0x5b: {  	[sflag:s14] =	ssyncset.done $0x0  }
0x5c: {  	[sflag:s14] =	ssyncadd.s32 $0xFFFFC000  }
0x5d: {  	_ =	swait.ge [sflag:s21], $0x4000  }
0x5e: {  	[sflag:s21] =	ssyncset.done $0x0  }
0x5f: {  	[sflag:s21] =	ssyncadd.s32 $0xFFFFC000  }
0x60: {  	[spmem:s2] =	stream.indirect.scatter.add.f32 [tilespmem:s19], [sflag:$0x3], $0x80, s24, s17, $0xb8;
	[tilespmem:$0x1E4C0] =	vst v63  }
0x61: {  	_ =	swait.ge [sflag:s14], $0x4000  }
0x62: {  	[sflag:s14] =	ssyncset.done $0x0  }
0x63: {  	s30 =	simm.s32 $0x0;
	[sflag:s14] =	ssyncadd.s32 $0xFFFFC000  }
0x64: {  	[tilespmem:s15], [sflag:$0x3] =	stream.linear.gather [hbm4b:s9+s30], $0x1400, $0x38;
	[tilespmem:$0x1E4C0] =	vst v63  }
0x65: {  	_ =	swait.ge [sflag:s14], $0x1400  }
0x66: {  	[sflag:s14] =	ssyncset.done $0x0  }
0x67: {  	[sflag:s14] =	ssyncadd.s32 $0xFFFFEC00  }
0x68: {  	[tilespmem:s16], [sflag:$0x3] =	stream.linear.gather [hbm4b:s10+s30], $0x1400, $0x38;
	[tilespmem:$0x1E4C0] =	vst v63  }
0x69: {  	_ =	swait.ge [sflag:s14], $0x1400  }
0x6a: {  	[sflag:s14] =	ssyncset.done $0x0  }
0x6b: {  	[sflag:s14] =	ssyncadd.s32 $0xFFFFEC00  }
0x6c: {  	[tilespmem:s18], [sflag:$0x1] =	stream.indirect.gather [hbm4b:s1+s17], $0x80, s15, s17, $0xb8;
	[tilespmem:$0x1E4C0] =	vst v63  }
0x6d: {  	s31 =	simm.s32 $0x13D40  }
0x6e: {  	[tilespmem:s19], [sflag:$0x2] =	stream.indirect.gather [hbm4b:s1+s17], $0x80, s31, s17, $0xb8;
	[tilespmem:$0x1E4C0] =	vst v63  }
0x6f: {  	_ =	swait.ge [sflag:s20], $0x4000  }
0x70: {  	[sflag:s20] =	ssyncset.done $0x0  }
0x71: {  	s29 =	simm.s32 $0x150C0;
	[sflag:s20] =	ssyncadd.s32 $0xFFFFC000  }
0x72: {  	[spmem:s2] =	stream.indirect.scatter.add.f32 [tilespmem:s18], [sflag:$0x3], $0x80, s29, s17, $0xb8;
	[tilespmem:$0x1E4C0] =	vst v63  }
0x73: {  	_ =	swait.ge [sflag:s14], $0x4000  }
0x74: {  	[sflag:s14] =	ssyncset.done $0x0  }
0x75: {  	s30 =	simm.s32 $0x13DC0;
	[sflag:s14] =	ssyncadd.s32 $0xFFFFC000  }
0x76: {  	[tilespmem:s18], [sflag:$0x1] =	stream.indirect.gather [hbm4b:s1+s17], $0x80, s30, s17, $0xb8;
	[tilespmem:$0x1E4C0] =	vst v63  }
0x77: {  	_ =	swait.ge [sflag:s21], $0x4000  }
0x78: {  	[sflag:s21] =	ssyncset.done $0x0  }
0x79: {  	s31 =	simm.s32 $0x15140;
	[sflag:s21] =	ssyncadd.s32 $0xFFFFC000  }
0x7a: {  	[spmem:s2] =	stream.indirect.scatter.add.f32 [tilespmem:s19], [sflag:$0x3], $0x80, s31, s17, $0xb8;
	[tilespmem:$0x1E4C0] =	vst v63  }
0x7b: {  	_ =	swait.ge [sflag:s14], $0x4000  }
0x7c: {  	s26 =	simm.s32 $0x100;
	s28 =	simm.s32 $0x800;
	[sflag:s14] =	ssyncset.done $0x0  }
.LBB2_4:
0x7d: {  	s29 =	sadd.s32 $0x13D40, s26  }
0x7e: {  	[sflag:s14] =	ssyncadd.s32 $0xFFFFC000;
	s30 =	smov.u32 s28;
	s31 =	sadd.s32 $0x400, s28  }
0x7f: {  	[tilespmem:s19], [sflag:$0x2] =	stream.indirect.gather [hbm4b:s1+s17], $0x80, s29, s17, $0xb8;
	[tilespmem:$0x1E4C0] =	vst v63  }
0x80: {  	p0 =	sne.s32 s28, $0x4800;
	_ =	swait.ge [sflag:s20], $0x4000  }
0x81: {  	[sflag:s20] =	ssyncset.done $0x0  }
0x82: {  	s28 =	sadd.s32 $0x150C0, s26;
	[sflag:s20] =	ssyncadd.s32 $0xFFFFC000  }
0x83: {  	[spmem:s2] =	stream.indirect.scatter.add.f32 [tilespmem:s18], [sflag:$0x3], $0x80, s28, s17, $0xb8;
	[tilespmem:$0x1E4C0] =	vst v63  }
0x84: {  	_ =	swait.ge [sflag:s14], $0x4000  }
0x85: {  	[sflag:s14] =	ssyncset.done $0x0  }
0x86: {  	s28 =	sadd.s32 $0x13DC0, s26;
	[sflag:s14] =	ssyncadd.s32 $0xFFFFC000  }
0x87: {  	[tilespmem:s18], [sflag:$0x1] =	stream.indirect.gather [hbm4b:s1+s17], $0x80, s28, s17, $0xb8;
	[tilespmem:$0x1E4C0] =	vst v63  }
0x88: {  	_ =	swait.ge [sflag:s21], $0x4000  }
.Ltmp1:
0x89: {  	[sflag:s21] =	ssyncset.done $0x0;
	(pc) =	sbr.rel @p0 .LBB2_4-.Ltmp1, $4  }
0x8a: {  	s26 =	sadd.s32 $0x15140, s26;
	[sflag:s21] =	ssyncadd.s32 $0xFFFFC000  }
0x8b: {  	[spmem:s2] =	stream.indirect.scatter.add.f32 [tilespmem:s19], [sflag:$0x3], $0x80, s26, s17, $0xb8;
	[tilespmem:$0x1E4C0] =	vst v63  }
0x8c: {  	_ =	swait.ge [sflag:s14], $0x4000  }
0x8d: {  	s28 =	smov.u32 s31;
	s26 =	sshra.s32 s30, $0x2;
	[sflag:s14] =	ssyncset.done $0x0  }
0x8e: {  	s28 =	sadd.s32 $0x13D40, s26;
	[sflag:s14] =	ssyncadd.s32 $0xFFFFC000  }
0x8f: {  	[tilespmem:s19], [sflag:$0x2] =	stream.indirect.gather [hbm4b:s1+s17], $0x80, s28, s17, $0xb8;
	[tilespmem:$0x1E4C0] =	vst v63  }
0x90: {  	_ =	swait.ge [sflag:s20], $0x4000  }
0x91: {  	[sflag:s20] =	ssyncset.done $0x0  }
0x92: {  	s29 =	sadd.s32 $0x150C0, s26;
	[sflag:s20] =	ssyncadd.s32 $0xFFFFC000  }
0x93: {  	[spmem:s2] =	stream.indirect.scatter.add.f32 [tilespmem:s18], [sflag:$0x3], $0x80, s29, s17, $0xb8;
	[tilespmem:$0x1E4C0] =	vst v63  }
0x94: {  	_ =	swait.ge [sflag:s14], $0x4000  }
0x95: {  	[sflag:s14] =	ssyncset.done $0x0  }
0x96: {  	s30 =	sadd.s32 $0x13DC0, s26;
	[sflag:s14] =	ssyncadd.s32 $0xFFFFC000  }
0x97: {  	[tilespmem:s18], [sflag:$0x1] =	stream.indirect.gather [hbm4b:s1+s17], $0x80, s30, s17, $0xb8;
	[tilespmem:$0x1E4C0] =	vst v63  }
0x98: {  	_ =	swait.ge [sflag:s21], $0x4000  }
0x99: {  	[sflag:s21] =	ssyncset.done $0x0  }
0x9a: {  	s31 =	sadd.s32 $0x15140, s26;
	[sflag:s21] =	ssyncadd.s32 $0xFFFFC000  }
0x9b: {  	[spmem:s2] =	stream.indirect.scatter.add.f32 [tilespmem:s19], [sflag:$0x3], $0x80, s31, s17, $0xb8;
	[tilespmem:$0x1E4C0] =	vst v63  }
0x9c: {  	_ =	swait.ge [sflag:s14], $0x4000  }
0x9d: {  	[sflag:s14] =	ssyncset.done $0x0  }
0x9e: {  	[sflag:s14] =	ssyncadd.s32 $0xFFFFC000  }
0x9f: {  	[tilespmem:s19], [sflag:$0x2] =	stream.indirect.gather [hbm4b:s1+s17], $0x80, s22, s17, $0xb8;
	[tilespmem:$0x1E4C0] =	vst v63  }
0xa0: {  	_ =	swait.ge [sflag:s20], $0x4000  }
0xa1: {  	[sflag:s20] =	ssyncset.done $0x0  }
0xa2: {  	[sflag:s20] =	ssyncadd.s32 $0xFFFFC000  }
0xa3: {  	[spmem:s2] =	stream.indirect.scatter.add.f32 [tilespmem:s18], [sflag:$0x3], $0x80, s23, s17, $0xb8;
	[tilespmem:$0x1E4C0] =	vst v63  }
0xa4: {  	_ =	swait.ge [sflag:s14], $0x4000  }
0xa5: {  	[sflag:s14] =	ssyncset.done $0x0  }
0xa6: {  	[sflag:s14] =	ssyncadd.s32 $0xFFFFC000  }
0xa7: {  	_ =	swait.ge [sflag:s21], $0x4000  }
0xa8: {  	[sflag:s21] =	ssyncset.done $0x0  }
0xa9: {  	[sflag:s21] =	ssyncadd.s32 $0xFFFFC000  }
0xaa: {  	[spmem:s2] =	stream.indirect.scatter.add.f32 [tilespmem:s19], [sflag:$0x3], $0x80, s24, s17, $0xb8;
	[tilespmem:$0x1E4C0] =	vst v63  }
0xab: {  	_ =	swait.ge [sflag:s14], $0x4000  }
0xac: {  	s25 =	sadd.s32 $0x1, s25;
	[sflag:s14] =	ssyncset.done $0x0  }
0xad: {  	p0 =	sne.s32 s25, s11;
	[sflag:s14] =	ssyncadd.s32 $0xFFFFC000  }
.Ltmp2:
0xae: {  	[bflag:$0x0] =	sbarrier.arrive $0xFFFF;
	(pc) =	sbr.rel @p0 .LBB2_1-.Ltmp2, $4  }
0xaf: {  	[hbm:s12], [sflag:s6] =	dma.local [spmem:s13], $0x2780  }
0xb0: {  	_ =	swait.ge [sflag:s14], $0x2780  }
0xb1: {  	[sflag:s14] =	ssyncset.done $0x0  }
0xb2: {  	[sflag:s14] =	ssyncadd.s32 $0xFFFFD880  }
0xb3: {  	_ =	sfence.sel $0x180000  }
0xb4: {  	[bflag:$0x0] =	sbarrier.arrive $0xFFFF  }
0xb5: {  	p0 =	sne.s32 s3, $0x0;
	_ =	strace $0x90000050  }
0xb6: {  	s0 =	sadd.s32 @!p0 $0x100000, s0;
	[bflag:$0x2] =	sbarrier.arrive $0xFFFF  }
0xb7: {  	[sflag:s0] =	ssyncadd.tile.s32 @!p0 $0x1;
	_ =	shalt  }
.Lfunc_end2:
_tile_overlayer_lowered:
.L_overlay_start_2:
0xb8: {  	(tag) =	ssettag $0x2  }
0xb9: {  	s0 =	rddreg [dreg:$0x0];
	s2 =	stileid.u32  }
0xba: {  	s1 =	rddreg [dreg:$0x1];
	p0 =	sne.s32 s2, $0x0  }
0xbb: {  	s3 =	rddreg [dreg:$0x2];
	[bflag:$0x3] =	sbarrier.arrive $0xFFFF;
	s2 =	simm.s32 @!p0 $0x1C03  }
0xbc: {  	[timem:s3], [sflag:s2] =	dma.local @!p0 [hbm:s0], s1  }
0xbd: {  	s0 =	simm.s32 @!p0 $0x3  }
0xbe: {  	_ =	swait.ge @!p0 [sflag:s0], s1  }
0xbf: {  	s1 =	ssub.s32 @!p0 $0x0, s1;
	[sflag:s0] =	ssyncset.done @!p0 $0x0  }
0xc0: {  	[sflag:s0] =	ssyncadd.s32 @!p0 s1  }
0xc1: {  	[bflag:$0x3] =	sbarrier.arrive $0xFFFF  }
0xc2: {  	_ =	shalt  }

</sc_bundles>
